<compile_context>
chip_gen: v7x
topology: tpu7x:2x2x1
jax: 0.10.2.dev20260603
libtpu: 0.0.44.dev20260713+nightly
codegen_flags: <defaults>
</compile_context>

<pallas_src>
import functools

import jax
import jax.numpy as jnp
from jax import lax
from jax.experimental import pallas as pl
from jax.experimental.pallas import tpu as pltpu
from jax.experimental.pallas import tpu_sc as plsc

_NUM_CORES = 2
_NUM_SUBCORES = 16
_NW = _NUM_CORES * _NUM_SUBCORES
_LANES = 16
_NBUF = 4


@functools.lru_cache(maxsize=None)
def _build(BSZ, SEQ, D):
    assert BSZ % _NW == 0, (BSZ, SEQ, D)
    rpw = BSZ // _NW
    assert rpw % _NBUF == 0 and rpw >= 2 * _NBUF
    clamp_offs = list(range(0, SEQ - _LANES + 1, _LANES))
    if SEQ % _LANES:
        clamp_offs.append(SEQ - _LANES)
    mesh = plsc.VectorSubcoreMesh(core_axis_name="c", subcore_axis_name="s")

    @functools.partial(
        pl.kernel,
        out_type=jax.ShapeDtypeStruct((BSZ, SEQ, D), jnp.float32),
        mesh=mesh,
        scratch_types=[
            pltpu.VMEM((rpw, SEQ), jnp.int32),
            [pltpu.VMEM((SEQ, D), jnp.float32) for _ in range(_NBUF)],
            [pltpu.SemaphoreType.DMA for _ in range(_NBUF)],
            [pltpu.SemaphoreType.DMA for _ in range(_NBUF)],
        ],
        compiler_params=pltpu.CompilerParams(use_tc_tiling_on_sc=False),
    )
    def embed(ids_hbm, table_hbm, out_hbm, ids_v, rows, gsem, ssem):
        wid = lax.axis_index("s") * _NUM_CORES + lax.axis_index("c")
        base = wid * rpw
        pltpu.sync_copy(ids_hbm.at[pl.ds(base, rpw)], ids_v)

        def clamp_row(r):
            for off in clamp_offs:
                sl = pl.ds(off, _LANES)
                ids_v[r, sl] = jnp.maximum(ids_v[r, sl], 0)

        def start_gather(r, b):
            pltpu.async_copy(table_hbm.at[ids_v.at[r]], rows[b], gsem[b])

        def wait_gather(b):
            pltpu.make_async_copy(
                table_hbm.at[ids_v.at[0]], rows[b], gsem[b]
            ).wait()

        def start_store(r, b):
            pltpu.async_copy(rows[b], out_hbm.at[base + r], ssem[b])

        def wait_store(b):
            pltpu.make_async_copy(rows[b], out_hbm.at[base], ssem[b]).wait()

        for b in range(_NBUF):
            clamp_row(b)
            start_gather(b, b)

        @pl.loop(0, rpw - _NBUF, step=_NBUF)
        def _(r0):
            for b in range(_NBUF):
                r = r0 + b
                wait_gather(b)
                start_store(r, b)
                clamp_row(r + _NBUF)
                wait_store(b)
                start_gather(r + _NBUF, b)

        for b in range(_NBUF):
            r = rpw - _NBUF + b
            wait_gather(b)
            start_store(r, b)
        for b in range(_NBUF):
            wait_store(b)

    return embed


def kernel(token_ids, table):
    bsz, seq = token_ids.shape
    vocab, dim = table.shape
    return _build(bsz, seq, dim)(token_ids, table)

# --- scband reference (transcript-rebuilt; emitter-appended) ---
"""Pipeline reference for scband-lite-rtexportable-module-for-embedder-74397423501767 (READ-ONLY COPY).

The authoritative reference and input builder live on the scoring server;
editing this copy changes nothing except your own understanding.
"""

import jax, jax.numpy as jnp
import numpy as np

VOCAB = 1000000
EMBED_DIM = 64
BATCH = 4096
SEQ = 200

def setup_inputs(seed: int = 0) -> dict:
    key = jax.random.key(seed)
    k1, k2 = jax.random.split(key)
    # token_ids may include negatives in the wild; the module clamps to 0.
    token_ids = jax.random.randint(k1, (BATCH, SEQ), 0, VOCAB, dtype=jnp.int32)
    # learned embedding table (the wrapped `model` is an embedding lookup)
    table = jax.random.normal(k2, (VOCAB, EMBED_DIM), dtype=jnp.float32) * 0.02
    return {"token_ids": token_ids, "table": table}

def reference(token_ids, table):
    # forward: clamp negative ids to 0, then embed
    token_ids = jnp.maximum(token_ids, jnp.int32(0))
    embeddings = jnp.take(table, token_ids, axis=0)
    return embeddings

if __name__ == "__main__":
    import jax
    _d = setup_inputs()
    print(jax.jit(kernel)(*tuple(_d.values())))

</pallas_src>

<mosaic_0001>
#map = affine_map<(d0, d1) -> (0, 0)>
#map1 = affine_map<(d0, d1) -> (0, 0, 0)>
module attributes {stable_mosaic.version = 14 : i64} {
  func.func @embed(%arg0: i32, %arg1: i32, %arg2: memref<4096x200xi32, #tpu.memory_space<hbm>>, %arg3: memref<1000000x64xf32, #tpu.memory_space<hbm>>, %arg4: memref<4096x200x64xf32, #tpu.memory_space<hbm>>, %arg5: memref<128x200xi32, #tpu.memory_space<vmem>>, %arg6: memref<200x64xf32, #tpu.memory_space<vmem>>, %arg7: memref<200x64xf32, #tpu.memory_space<vmem>>, %arg8: memref<200x64xf32, #tpu.memory_space<vmem>>, %arg9: memref<200x64xf32, #tpu.memory_space<vmem>>, %arg10: memref<!tpu.dma_semaphore, #tpu.memory_space<semaphore_mem>>, %arg11: memref<!tpu.dma_semaphore, #tpu.memory_space<semaphore_mem>>, %arg12: memref<!tpu.dma_semaphore, #tpu.memory_space<semaphore_mem>>, %arg13: memref<!tpu.dma_semaphore, #tpu.memory_space<semaphore_mem>>, %arg14: memref<!tpu.dma_semaphore, #tpu.memory_space<semaphore_mem>>, %arg15: memref<!tpu.dma_semaphore, #tpu.memory_space<semaphore_mem>>, %arg16: memref<!tpu.dma_semaphore, #tpu.memory_space<semaphore_mem>>, %arg17: memref<!tpu.dma_semaphore, #tpu.memory_space<semaphore_mem>>) attributes {dimension_semantics = [#tpu.dimension_semantics<core_parallel>, #tpu.dimension_semantics<subcore_parallel>], iteration_bounds = array<i64: 2, 16>, scalar_prefetch = 0 : i64, scratch_operands = 13 : i64, tpu.core_type = #tpu.core_type<sc_vector_subcore>, window_params = [{transform_indices = #map}, {transform_indices = #map}, {transform_indices = #map1}]} {
    %mul3A = arith.constant 2 : i32
    %mul3A_0 = arith.muli %arg1, %mul3A : i32
    %add3A = arith.addi %mul3A_0, %arg0 : i32
    %mul3A_1 = arith.constant 128 : i32
    %mul3A_2 = arith.muli %add3A, %mul3A_1 : i32
    "tpu.region"() ({
      %run_scoped3A = tpu.sem_alloc : memref<!tpu.dma_semaphore, #tpu.memory_space<semaphore_mem>>
      %dma_start3A_858 = arith.constant 0 : i32
      %dma_start3A_859 = tpu.memref_slice %arg2[%mul3A_2, %dma_start3A_858] : memref<4096x200xi32, #tpu.memory_space<hbm>> -> memref<128x200xi32, #tpu.memory_space<hbm>>
      %dma_start3A_860 = arith.constant 0 : i32
      %dma_start3A_861 = tpu.memref_slice %arg2[%mul3A_2, %dma_start3A_860] : memref<4096x200xi32, #tpu.memory_space<hbm>> -> memref<128x200xi32, #tpu.memory_space<hbm>>
      tpu.enqueue_dma source(%dma_start3A_861 : memref<128x200xi32, #tpu.memory_space<hbm>>) target(%arg5 : memref<128x200xi32, #tpu.memory_space<vmem>>) target_semaphore(%run_scoped3A : memref<!tpu.dma_semaphore, #tpu.memory_space<semaphore_mem>>)
      %dma_wait3A_862 = arith.constant 0 : i32
      %dma_wait3A_863 = tpu.memref_slice %arg2[%mul3A_2, %dma_wait3A_862] : memref<4096x200xi32, #tpu.memory_space<hbm>> -> memref<128x200xi32, #tpu.memory_space<hbm>>
      %dma_wait3A_864 = arith.constant 0 : i32
      %dma_wait3A_865 = tpu.memref_slice %arg2[%mul3A_2, %dma_wait3A_864] : memref<4096x200xi32, #tpu.memory_space<hbm>> -> memref<128x200xi32, #tpu.memory_space<hbm>>
      tpu.wait_dma2 semaphore(%run_scoped3A : memref<!tpu.dma_semaphore, #tpu.memory_space<semaphore_mem>>) src(%dma_wait3A_865 : memref<128x200xi32, #tpu.memory_space<hbm>>) dst(%arg5 : memref<128x200xi32, #tpu.memory_space<vmem>>)
      tpu.yield
    }) : () -> ()
    %get3A = arith.constant 0 : i32
    %get3A_3 = arith.index_cast %get3A : i32 to index
    %get3A_4 = arith.constant 0 : index
    %get3A_5 = tpu.vector_load %arg5[%get3A_3, %get3A_4] {strides = array<i32>} : memref<128x200xi32, #tpu.memory_space<vmem>>, vector<1x16xi32>,
    %get3A_6 = vector.shape_cast %get3A_5 : vector<1x16xi32> to vector<16xi32>
    %max3A = arith.constant 0 : i32
    %max3A_7 = vector.broadcast %max3A : i32 to vector<16xi32>
    %max3A_8 = arith.maxsi %get3A_6, %max3A_7 : vector<16xi32>
    %swap3A = arith.constant 0 : i32
    %swap3A_9 = arith.index_cast %swap3A : i32 to index
    %swap3A_10 = arith.constant 0 : index
    %swap3A_11 = tpu.vector_load %arg5[%swap3A_9, %swap3A_10] {strides = array<i32>} : memref<128x200xi32, #tpu.memory_space<vmem>>, vector<1x16xi32>,
    %swap3A_12 = vector.shape_cast %swap3A_11 : vector<1x16xi32> to vector<16xi32>
    %swap3A_13 = vector.shape_cast %max3A_8 : vector<16xi32> to vector<1x16xi32>
    tpu.vector_store %arg5[%swap3A_9, %swap3A_10], %swap3A_13 {strides = array<i32>} : memref<128x200xi32, #tpu.memory_space<vmem>>, vector<1x16xi32>,
    %get3A_14 = arith.constant 0 : i32
    %get3A_15 = arith.index_cast %get3A_14 : i32 to index
    %get3A_16 = arith.constant 16 : index
    %get3A_17 = tpu.vector_load %arg5[%get3A_15, %get3A_16] {strides = array<i32>} : memref<128x200xi32, #tpu.memory_space<vmem>>, vector<1x16xi32>,
    %get3A_18 = vector.shape_cast %get3A_17 : vector<1x16xi32> to vector<16xi32>
    %max3A_19 = arith.constant 0 : i32
    %max3A_20 = vector.broadcast %max3A_19 : i32 to vector<16xi32>
    %max3A_21 = arith.maxsi %get3A_18, %max3A_20 : vector<16xi32>
    %swap3A_22 = arith.constant 0 : i32
    %swap3A_23 = arith.index_cast %swap3A_22 : i32 to index
    %swap3A_24 = arith.constant 16 : index
    %swap3A_25 = tpu.vector_load %arg5[%swap3A_23, %swap3A_24] {strides = array<i32>} : memref<128x200xi32, #tpu.memory_space<vmem>>, vector<1x16xi32>,
    %swap3A_26 = vector.shape_cast %swap3A_25 : vector<1x16xi32> to vector<16xi32>
    %swap3A_27 = vector.shape_cast %max3A_21 : vector<16xi32> to vector<1x16xi32>
    tpu.vector_store %arg5[%swap3A_23, %swap3A_24], %swap3A_27 {strides = array<i32>} : memref<128x200xi32, #tpu.memory_space<vmem>>, vector<1x16xi32>,
    %get3A_28 = arith.constant 0 : i32
    %get3A_29 = arith.index_cast %get3A_28 : i32 to index
    %get3A_30 = arith.constant 32 : index
    %get3A_31 = tpu.vector_load %arg5[%get3A_29, %get3A_30] {strides = array<i32>} : memref<128x200xi32, #tpu.memory_space<vmem>>, vector<1x16xi32>,
    %get3A_32 = vector.shape_cast %get3A_31 : vector<1x16xi32> to vector<16xi32>
    %max3A_33 = arith.constant 0 : i32
    %max3A_34 = vector.broadcast %max3A_33 : i32 to vector<16xi32>
    %max3A_35 = arith.maxsi %get3A_32, %max3A_34 : vector<16xi32>
    %swap3A_36 = arith.constant 0 : i32
    %swap3A_37 = arith.index_cast %swap3A_36 : i32 to index
    %swap3A_38 = arith.constant 32 : index
    %swap3A_39 = tpu.vector_load %arg5[%swap3A_37, %swap3A_38] {strides = array<i32>} : memref<128x200xi32, #tpu.memory_space<vmem>>, vector<1x16xi32>,
    %swap3A_40 = vector.shape_cast %swap3A_39 : vector<1x16xi32> to vector<16xi32>
    %swap3A_41 = vector.shape_cast %max3A_35 : vector<16xi32> to vector<1x16xi32>
    tpu.vector_store %arg5[%swap3A_37, %swap3A_38], %swap3A_41 {strides = array<i32>} : memref<128x200xi32, #tpu.memory_space<vmem>>, vector<1x16xi32>,
    %get3A_42 = arith.constant 0 : i32
    %get3A_43 = arith.index_cast %get3A_42 : i32 to index
    %get3A_44 = arith.constant 48 : index
    %get3A_45 = tpu.vector_load %arg5[%get3A_43, %get3A_44] {strides = array<i32>} : memref<128x200xi32, #tpu.memory_space<vmem>>, vector<1x16xi32>,
    %get3A_46 = vector.shape_cast %get3A_45 : vector<1x16xi32> to vector<16xi32>
    %max3A_47 = arith.constant 0 : i32
    %max3A_48 = vector.broadcast %max3A_47 : i32 to vector<16xi32>
    %max3A_49 = arith.maxsi %get3A_46, %max3A_48 : vector<16xi32>
    %swap3A_50 = arith.constant 0 : i32
    %swap3A_51 = arith.index_cast %swap3A_50 : i32 to index
    %swap3A_52 = arith.constant 48 : index
    %swap3A_53 = tpu.vector_load %arg5[%swap3A_51, %swap3A_52] {strides = array<i32>} : memref<128x200xi32, #tpu.memory_space<vmem>>, vector<1x16xi32>,
    %swap3A_54 = vector.shape_cast %swap3A_53 : vector<1x16xi32> to vector<16xi32>
    %swap3A_55 = vector.shape_cast %max3A_49 : vector<16xi32> to vector<1x16xi32>
    tpu.vector_store %arg5[%swap3A_51, %swap3A_52], %swap3A_55 {strides = array<i32>} : memref<128x200xi32, #tpu.memory_space<vmem>>, vector<1x16xi32>,
    %get3A_56 = arith.constant 0 : i32
    %get3A_57 = arith.index_cast %get3A_56 : i32 to index
    %get3A_58 = arith.constant 64 : index
    %get3A_59 = tpu.vector_load %arg5[%get3A_57, %get3A_58] {strides = array<i32>} : memref<128x200xi32, #tpu.memory_space<vmem>>, vector<1x16xi32>,
    %get3A_60 = vector.shape_cast %get3A_59 : vector<1x16xi32> to vector<16xi32>
    %max3A_61 = arith.constant 0 : i32
    %max3A_62 = vector.broadcast %max3A_61 : i32 to vector<16xi32>
    %max3A_63 = arith.maxsi %get3A_60, %max3A_62 : vector<16xi32>
    %swap3A_64 = arith.constant 0 : i32
    %swap3A_65 = arith.index_cast %swap3A_64 : i32 to index
    %swap3A_66 = arith.constant 64 : index
    %swap3A_67 = tpu.vector_load %arg5[%swap3A_65, %swap3A_66] {strides = array<i32>} : memref<128x200xi32, #tpu.memory_space<vmem>>, vector<1x16xi32>,
    %swap3A_68 = vector.shape_cast %swap3A_67 : vector<1x16xi32> to vector<16xi32>
    %swap3A_69 = vector.shape_cast %max3A_63 : vector<16xi32> to vector<1x16xi32>
    tpu.vector_store %arg5[%swap3A_65, %swap3A_66], %swap3A_69 {strides = array<i32>} : memref<128x200xi32, #tpu.memory_space<vmem>>, vector<1x16xi32>,
    %get3A_70 = arith.constant 0 : i32
    %get3A_71 = arith.index_cast %get3A_70 : i32 to index
    %get3A_72 = arith.constant 80 : index
    %get3A_73 = tpu.vector_load %arg5[%get3A_71, %get3A_72] {strides = array<i32>} : memref<128x200xi32, #tpu.memory_space<vmem>>, vector<1x16xi32>,
    %get3A_74 = vector.shape_cast %get3A_73 : vector<1x16xi32> to vector<16xi32>
    %max3A_75 = arith.constant 0 : i32
    %max3A_76 = vector.broadcast %max3A_75 : i32 to vector<16xi32>
    %max3A_77 = arith.maxsi %get3A_74, %max3A_76 : vector<16xi32>
    %swap3A_78 = arith.constant 0 : i32
    %swap3A_79 = arith.index_cast %swap3A_78 : i32 to index
    %swap3A_80 = arith.constant 80 : index
    %swap3A_81 = tpu.vector_load %arg5[%swap3A_79, %swap3A_80] {strides = array<i32>} : memref<128x200xi32, #tpu.memory_space<vmem>>, vector<1x16xi32>,
    %swap3A_82 = vector.shape_cast %swap3A_81 : vector<1x16xi32> to vector<16xi32>
    %swap3A_83 = vector.shape_cast %max3A_77 : vector<16xi32> to vector<1x16xi32>
    tpu.vector_store %arg5[%swap3A_79, %swap3A_80], %swap3A_83 {strides = array<i32>} : memref<128x200xi32, #tpu.memory_space<vmem>>, vector<1x16xi32>,
    %get3A_84 = arith.constant 0 : i32
    %get3A_85 = arith.index_cast %get3A_84 : i32 to index
    %get3A_86 = arith.constant 96 : index
    %get3A_87 = tpu.vector_load %arg5[%get3A_85, %get3A_86] {strides = array<i32>} : memref<128x200xi32, #tpu.memory_space<vmem>>, vector<1x16xi32>,
    %get3A_88 = vector.shape_cast %get3A_87 : vector<1x16xi32> to vector<16xi32>
    %max3A_89 = arith.constant 0 : i32
    %max3A_90 = vector.broadcast %max3A_89 : i32 to vector<16xi32>
    %max3A_91 = arith.maxsi %get3A_88, %max3A_90 : vector<16xi32>
    %swap3A_92 = arith.constant 0 : i32
    %swap3A_93 = arith.index_cast %swap3A_92 : i32 to index
    %swap3A_94 = arith.constant 96 : index
    %swap3A_95 = tpu.vector_load %arg5[%swap3A_93, %swap3A_94] {strides = array<i32>} : memref<128x200xi32, #tpu.memory_space<vmem>>, vector<1x16xi32>,
    %swap3A_96 = vector.shape_cast %swap3A_95 : vector<1x16xi32> to vector<16xi32>
    %swap3A_97 = vector.shape_cast %max3A_91 : vector<16xi32> to vector<1x16xi32>
    tpu.vector_store %arg5[%swap3A_93, %swap3A_94], %swap3A_97 {strides = array<i32>} : memref<128x200xi32, #tpu.memory_space<vmem>>, vector<1x16xi32>,
    %get3A_98 = arith.constant 0 : i32
    %get3A_99 = arith.index_cast %get3A_98 : i32 to index
    %get3A_100 = arith.constant 112 : index
    %get3A_101 = tpu.vector_load %arg5[%get3A_99, %get3A_100] {strides = array<i32>} : memref<128x200xi32, #tpu.memory_space<vmem>>, vector<1x16xi32>,
    %get3A_102 = vector.shape_cast %get3A_101 : vector<1x16xi32> to vector<16xi32>
    %max3A_103 = arith.constant 0 : i32
    %max3A_104 = vector.broadcast %max3A_103 : i32 to vector<16xi32>
    %max3A_105 = arith.maxsi %get3A_102, %max3A_104 : vector<16xi32>
    %swap3A_106 = arith.constant 0 : i32
    %swap3A_107 = arith.index_cast %swap3A_106 : i32 to index
    %swap3A_108 = arith.constant 112 : index
    %swap3A_109 = tpu.vector_load %arg5[%swap3A_107, %swap3A_108] {strides = array<i32>} : memref<128x200xi32, #tpu.memory_space<vmem>>, vector<1x16xi32>,
    %swap3A_110 = vector.shape_cast %swap3A_109 : vector<1x16xi32> to vector<16xi32>
    %swap3A_111 = vector.shape_cast %max3A_105 : vector<16xi32> to vector<1x16xi32>
    tpu.vector_store %arg5[%swap3A_107, %swap3A_108], %swap3A_111 {strides = array<i32>} : memref<128x200xi32, #tpu.memory_space<vmem>>, vector<1x16xi32>,
    %get3A_112 = arith.constant 0 : i32
    %get3A_113 = arith.index_cast %get3A_112 : i32 to index
    %get3A_114 = arith.constant 128 : index
    %get3A_115 = tpu.vector_load %arg5[%get3A_113, %get3A_114] {strides = array<i32>} : memref<128x200xi32, #tpu.memory_space<vmem>>, vector<1x16xi32>,
    %get3A_116 = vector.shape_cast %get3A_115 : vector<1x16xi32> to vector<16xi32>
    %max3A_117 = arith.constant 0 : i32
    %max3A_118 = vector.broadcast %max3A_117 : i32 to vector<16xi32>
    %max3A_119 = arith.maxsi %get3A_116, %max3A_118 : vector<16xi32>
    %swap3A_120 = arith.constant 0 : i32
    %swap3A_121 = arith.index_cast %swap3A_120 : i32 to index
    %swap3A_122 = arith.constant 128 : index
    %swap3A_123 = tpu.vector_load %arg5[%swap3A_121, %swap3A_122] {strides = array<i32>} : memref<128x200xi32, #tpu.memory_space<vmem>>, vector<1x16xi32>,
    %swap3A_124 = vector.shape_cast %swap3A_123 : vector<1x16xi32> to vector<16xi32>
    %swap3A_125 = vector.shape_cast %max3A_119 : vector<16xi32> to vector<1x16xi32>
    tpu.vector_store %arg5[%swap3A_121, %swap3A_122], %swap3A_125 {strides = array<i32>} : memref<128x200xi32, #tpu.memory_space<vmem>>, vector<1x16xi32>,
    %get3A_126 = arith.constant 0 : i32
    %get3A_127 = arith.index_cast %get3A_126 : i32 to index
    %get3A_128 = arith.constant 144 : index
    %get3A_129 = tpu.vector_load %arg5[%get3A_127, %get3A_128] {strides = array<i32>} : memref<128x200xi32, #tpu.memory_space<vmem>>, vector<1x16xi32>,
    %get3A_130 = vector.shape_cast %get3A_129 : vector<1x16xi32> to vector<16xi32>
    %max3A_131 = arith.constant 0 : i32
    %max3A_132 = vector.broadcast %max3A_131 : i32 to vector<16xi32>
    %max3A_133 = arith.maxsi %get3A_130, %max3A_132 : vector<16xi32>
    %swap3A_134 = arith.constant 0 : i32
    %swap3A_135 = arith.index_cast %swap3A_134 : i32 to index
    %swap3A_136 = arith.constant 144 : index
    %swap3A_137 = tpu.vector_load %arg5[%swap3A_135, %swap3A_136] {strides = array<i32>} : memref<128x200xi32, #tpu.memory_space<vmem>>, vector<1x16xi32>,
    %swap3A_138 = vector.shape_cast %swap3A_137 : vector<1x16xi32> to vector<16xi32>
    %swap3A_139 = vector.shape_cast %max3A_133 : vector<16xi32> to vector<1x16xi32>
    tpu.vector_store %arg5[%swap3A_135, %swap3A_136], %swap3A_139 {strides = array<i32>} : memref<128x200xi32, #tpu.memory_space<vmem>>, vector<1x16xi32>,
    %get3A_140 = arith.constant 0 : i32
    %get3A_141 = arith.index_cast %get3A_140 : i32 to index
    %get3A_142 = arith.constant 160 : index
    %get3A_143 = tpu.vector_load %arg5[%get3A_141, %get3A_142] {strides = array<i32>} : memref<128x200xi32, #tpu.memory_space<vmem>>, vector<1x16xi32>,
    %get3A_144 = vector.shape_cast %get3A_143 : vector<1x16xi32> to vector<16xi32>
    %max3A_145 = arith.constant 0 : i32
    %max3A_146 = vector.broadcast %max3A_145 : i32 to vector<16xi32>
    %max3A_147 = arith.maxsi %get3A_144, %max3A_146 : vector<16xi32>
    %swap3A_148 = arith.constant 0 : i32
    %swap3A_149 = arith.index_cast %swap3A_148 : i32 to index
    %swap3A_150 = arith.constant 160 : index
    %swap3A_151 = tpu.vector_load %arg5[%swap3A_149, %swap3A_150] {strides = array<i32>} : memref<128x200xi32, #tpu.memory_space<vmem>>, vector<1x16xi32>,
    %swap3A_152 = vector.shape_cast %swap3A_151 : vector<1x16xi32> to vector<16xi32>
    %swap3A_153 = vector.shape_cast %max3A_147 : vector<16xi32> to vector<1x16xi32>
    tpu.vector_store %arg5[%swap3A_149, %swap3A_150], %swap3A_153 {strides = array<i32>} : memref<128x200xi32, #tpu.memory_space<vmem>>, vector<1x16xi32>,
    %get3A_154 = arith.constant 0 : i32
    %get3A_155 = arith.index_cast %get3A_154 : i32 to index
    %get3A_156 = arith.constant 176 : index
    %get3A_157 = tpu.vector_load %arg5[%get3A_155, %get3A_156] {strides = array<i32>} : memref<128x200xi32, #tpu.memory_space<vmem>>, vector<1x16xi32>,
    %get3A_158 = vector.shape_cast %get3A_157 : vector<1x16xi32> to vector<16xi32>
    %max3A_159 = arith.constant 0 : i32
    %max3A_160 = vector.broadcast %max3A_159 : i32 to vector<16xi32>
    %max3A_161 = arith.maxsi %get3A_158, %max3A_160 : vector<16xi32>
    %swap3A_162 = arith.constant 0 : i32
    %swap3A_163 = arith.index_cast %swap3A_162 : i32 to index
    %swap3A_164 = arith.constant 176 : index
    %swap3A_165 = tpu.vector_load %arg5[%swap3A_163, %swap3A_164] {strides = array<i32>} : memref<128x200xi32, #tpu.memory_space<vmem>>, vector<1x16xi32>,
    %swap3A_166 = vector.shape_cast %swap3A_165 : vector<1x16xi32> to vector<16xi32>
    %swap3A_167 = vector.shape_cast %max3A_161 : vector<16xi32> to vector<1x16xi32>
    tpu.vector_store %arg5[%swap3A_163, %swap3A_164], %swap3A_167 {strides = array<i32>} : memref<128x200xi32, #tpu.memory_space<vmem>>, vector<1x16xi32>,
    %get3A_168 = arith.constant 0 : i32
    %get3A_169 = arith.index_cast %get3A_168 : i32 to index
    %get3A_170 = arith.constant 184 : index
    %get3A_171 = tpu.vector_load %arg5[%get3A_169, %get3A_170] {strides = array<i32>} : memref<128x200xi32, #tpu.memory_space<vmem>>, vector<1x16xi32>,
    %get3A_172 = vector.shape_cast %get3A_171 : vector<1x16xi32> to vector<16xi32>
    %max3A_173 = arith.constant 0 : i32
    %max3A_174 = vector.broadcast %max3A_173 : i32 to vector<16xi32>
    %max3A_175 = arith.maxsi %get3A_172, %max3A_174 : vector<16xi32>
    %swap3A_176 = arith.constant 0 : i32
    %swap3A_177 = arith.index_cast %swap3A_176 : i32 to index
    %swap3A_178 = arith.constant 184 : index
    %swap3A_179 = tpu.vector_load %arg5[%swap3A_177, %swap3A_178] {strides = array<i32>} : memref<128x200xi32, #tpu.memory_space<vmem>>, vector<1x16xi32>,
    %swap3A_180 = vector.shape_cast %swap3A_179 : vector<1x16xi32> to vector<16xi32>
    %swap3A_181 = vector.shape_cast %max3A_175 : vector<16xi32> to vector<1x16xi32>
    tpu.vector_store %arg5[%swap3A_177, %swap3A_178], %swap3A_181 {strides = array<i32>} : memref<128x200xi32, #tpu.memory_space<vmem>>, vector<1x16xi32>,
    %dma_start3A = arith.constant 0 : i32
    %dma_start3A_182 = arith.constant 0 : i32
    %dma_start3A_183 = tpu.memref_slice %arg5[%dma_start3A, %dma_start3A_182] : memref<128x200xi32, #tpu.memory_space<vmem>> -> memref<1x200xi32, #tpu.memory_space<vmem>>
    %dma_start3A_184 = tpu.memref_squeeze %dma_start3A_183 : memref<1x200xi32, #tpu.memory_space<vmem>> -> memref<200xi32, #tpu.memory_space<vmem>>
    %dma_start3A_185 = arith.constant 0 : i32
    %dma_start3A_186 = arith.constant 0 : i32
    %dma_start3A_187 = tpu.memref_slice %arg3[%dma_start3A_185, %dma_start3A_186] : memref<1000000x64xf32, #tpu.memory_space<hbm>> -> memref<1000000x64xf32, #tpu.memory_space<hbm>>
    tpu.enqueue_indirect_dma source(%dma_start3A_187 : memref<1000000x64xf32, #tpu.memory_space<hbm>>) target(%arg6 : memref<200x64xf32, #tpu.memory_space<vmem>>) offsets(%dma_start3A_184 : memref<200xi32, #tpu.memory_space<vmem>>) semaphore(%arg10 : memref<!tpu.dma_semaphore, #tpu.memory_space<semaphore_mem>>)
    %get3A_188 = arith.constant 1 : i32
    %get3A_189 = arith.index_cast %get3A_188 : i32 to index
    %get3A_190 = arith.constant 0 : index
    %get3A_191 = tpu.vector_load %arg5[%get3A_189, %get3A_190] {strides = array<i32>} : memref<128x200xi32, #tpu.memory_space<vmem>>, vector<1x16xi32>,
    %get3A_192 = vector.shape_cast %get3A_191 : vector<1x16xi32> to vector<16xi32>
    %max3A_193 = arith.constant 0 : i32
    %max3A_194 = vector.broadcast %max3A_193 : i32 to vector<16xi32>
    %max3A_195 = arith.maxsi %get3A_192, %max3A_194 : vector<16xi32>
    %swap3A_196 = arith.constant 1 : i32
    %swap3A_197 = arith.index_cast %swap3A_196 : i32 to index
    %swap3A_198 = arith.constant 0 : index
    %swap3A_199 = tpu.vector_load %arg5[%swap3A_197, %swap3A_198] {strides = array<i32>} : memref<128x200xi32, #tpu.memory_space<vmem>>, vector<1x16xi32>,
    %swap3A_200 = vector.shape_cast %swap3A_199 : vector<1x16xi32> to vector<16xi32>
    %swap3A_201 = vector.shape_cast %max3A_195 : vector<16xi32> to vector<1x16xi32>
    tpu.vector_store %arg5[%swap3A_197, %swap3A_198], %swap3A_201 {strides = array<i32>} : memref<128x200xi32, #tpu.memory_space<vmem>>, vector<1x16xi32>,
    %get3A_202 = arith.constant 1 : i32
    %get3A_203 = arith.index_cast %get3A_202 : i32 to index
    %get3A_204 = arith.constant 16 : index
    %get3A_205 = tpu.vector_load %arg5[%get3A_203, %get3A_204] {strides = array<i32>} : memref<128x200xi32, #tpu.memory_space<vmem>>, vector<1x16xi32>,
    %get3A_206 = vector.shape_cast %get3A_205 : vector<1x16xi32> to vector<16xi32>
    %max3A_207 = arith.constant 0 : i32
    %max3A_208 = vector.broadcast %max3A_207 : i32 to vector<16xi32>
    %max3A_209 = arith.maxsi %get3A_206, %max3A_208 : vector<16xi32>
    %swap3A_210 = arith.constant 1 : i32
    %swap3A_211 = arith.index_cast %swap3A_210 : i32 to index
    %swap3A_212 = arith.constant 16 : index
    %swap3A_213 = tpu.vector_load %arg5[%swap3A_211, %swap3A_212] {strides = array<i32>} : memref<128x200xi32, #tpu.memory_space<vmem>>, vector<1x16xi32>,
    %swap3A_214 = vector.shape_cast %swap3A_213 : vector<1x16xi32> to vector<16xi32>
    %swap3A_215 = vector.shape_cast %max3A_209 : vector<16xi32> to vector<1x16xi32>
    tpu.vector_store %arg5[%swap3A_211, %swap3A_212], %swap3A_215 {strides = array<i32>} : memref<128x200xi32, #tpu.memory_space<vmem>>, vector<1x16xi32>,
    %get3A_216 = arith.constant 1 : i32
    %get3A_217 = arith.index_cast %get3A_216 : i32 to index
    %get3A_218 = arith.constant 32 : index
    %get3A_219 = tpu.vector_load %arg5[%get3A_217, %get3A_218] {strides = array<i32>} : memref<128x200xi32, #tpu.memory_space<vmem>>, vector<1x16xi32>,
    %get3A_220 = vector.shape_cast %get3A_219 : vector<1x16xi32> to vector<16xi32>
    %max3A_221 = arith.constant 0 : i32
    %max3A_222 = vector.broadcast %max3A_221 : i32 to vector<16xi32>
    %max3A_223 = arith.maxsi %get3A_220, %max3A_222 : vector<16xi32>
    %swap3A_224 = arith.constant 1 : i32
    %swap3A_225 = arith.index_cast %swap3A_224 : i32 to index
    %swap3A_226 = arith.constant 32 : index
    %swap3A_227 = tpu.vector_load %arg5[%swap3A_225, %swap3A_226] {strides = array<i32>} : memref<128x200xi32, #tpu.memory_space<vmem>>, vector<1x16xi32>,
    %swap3A_228 = vector.shape_cast %swap3A_227 : vector<1x16xi32> to vector<16xi32>
    %swap3A_229 = vector.shape_cast %max3A_223 : vector<16xi32> to vector<1x16xi32>
    tpu.vector_store %arg5[%swap3A_225, %swap3A_226], %swap3A_229 {strides = array<i32>} : memref<128x200xi32, #tpu.memory_space<vmem>>, vector<1x16xi32>,
    %get3A_230 = arith.constant 1 : i32
    %get3A_231 = arith.index_cast %get3A_230 : i32 to index
    %get3A_232 = arith.constant 48 : index
    %get3A_233 = tpu.vector_load %arg5[%get3A_231, %get3A_232] {strides = array<i32>} : memref<128x200xi32, #tpu.memory_space<vmem>>, vector<1x16xi32>,
    %get3A_234 = vector.shape_cast %get3A_233 : vector<1x16xi32> to vector<16xi32>
    %max3A_235 = arith.constant 0 : i32
    %max3A_236 = vector.broadcast %max3A_235 : i32 to vector<16xi32>
    %max3A_237 = arith.maxsi %get3A_234, %max3A_236 : vector<16xi32>
    %swap3A_238 = arith.constant 1 : i32
    %swap3A_239 = arith.index_cast %swap3A_238 : i32 to index
    %swap3A_240 = arith.constant 48 : index
    %swap3A_241 = tpu.vector_load %arg5[%swap3A_239, %swap3A_240] {strides = array<i32>} : memref<128x200xi32, #tpu.memory_space<vmem>>, vector<1x16xi32>,
    %swap3A_242 = vector.shape_cast %swap3A_241 : vector<1x16xi32> to vector<16xi32>
    %swap3A_243 = vector.shape_cast %max3A_237 : vector<16xi32> to vector<1x16xi32>
    tpu.vector_store %arg5[%swap3A_239, %swap3A_240], %swap3A_243 {strides = array<i32>} : memref<128x200xi32, #tpu.memory_space<vmem>>, vector<1x16xi32>,
    %get3A_244 = arith.constant 1 : i32
    %get3A_245 = arith.index_cast %get3A_244 : i32 to index
    %get3A_246 = arith.constant 64 : index
    %get3A_247 = tpu.vector_load %arg5[%get3A_245, %get3A_246] {strides = array<i32>} : memref<128x200xi32, #tpu.memory_space<vmem>>, vector<1x16xi32>,
    %get3A_248 = vector.shape_cast %get3A_247 : vector<1x16xi32> to vector<16xi32>
    %max3A_249 = arith.constant 0 : i32
    %max3A_250 = vector.broadcast %max3A_249 : i32 to vector<16xi32>
    %max3A_251 = arith.maxsi %get3A_248, %max3A_250 : vector<16xi32>
    %swap3A_252 = arith.constant 1 : i32
    %swap3A_253 = arith.index_cast %swap3A_252 : i32 to index
    %swap3A_254 = arith.constant 64 : index
    %swap3A_255 = tpu.vector_load %arg5[%swap3A_253, %swap3A_254] {strides = array<i32>} : memref<128x200xi32, #tpu.memory_space<vmem>>, vector<1x16xi32>,
    %swap3A_256 = vector.shape_cast %swap3A_255 : vector<1x16xi32> to vector<16xi32>
    %swap3A_257 = vector.shape_cast %max3A_251 : vector<16xi32> to vector<1x16xi32>
    tpu.vector_store %arg5[%swap3A_253, %swap3A_254], %swap3A_257 {strides = array<i32>} : memref<128x200xi32, #tpu.memory_space<vmem>>, vector<1x16xi32>,
    %get3A_258 = arith.constant 1 : i32
    %get3A_259 = arith.index_cast %get3A_258 : i32 to index
    %get3A_260 = arith.constant 80 : index
    %get3A_261 = tpu.vector_load %arg5[%get3A_259, %get3A_260] {strides = array<i32>} : memref<128x200xi32, #tpu.memory_space<vmem>>, vector<1x16xi32>,
    %get3A_262 = vector.shape_cast %get3A_261 : vector<1x16xi32> to vector<16xi32>
    %max3A_263 = arith.constant 0 : i32
    %max3A_264 = vector.broadcast %max3A_263 : i32 to vector<16xi32>
    %max3A_265 = arith.maxsi %get3A_262, %max3A_264 : vector<16xi32>
    %swap3A_266 = arith.constant 1 : i32
    %swap3A_267 = arith.index_cast %swap3A_266 : i32 to index
    %swap3A_268 = arith.constant 80 : index
    %swap3A_269 = tpu.vector_load %arg5[%swap3A_267, %swap3A_268] {strides = array<i32>} : memref<128x200xi32, #tpu.memory_space<vmem>>, vector<1x16xi32>,
    %swap3A_270 = vector.shape_cast %swap3A_269 : vector<1x16xi32> to vector<16xi32>
    %swap3A_271 = vector.shape_cast %max3A_265 : vector<16xi32> to vector<1x16xi32>
    tpu.vector_store %arg5[%swap3A_267, %swap3A_268], %swap3A_271 {strides = array<i32>} : memref<128x200xi32, #tpu.memory_space<vmem>>, vector<1x16xi32>,
    %get3A_272 = arith.constant 1 : i32
    %get3A_273 = arith.index_cast %get3A_272 : i32 to index
    %get3A_274 = arith.constant 96 : index
    %get3A_275 = tpu.vector_load %arg5[%get3A_273, %get3A_274] {strides = array<i32>} : memref<128x200xi32, #tpu.memory_space<vmem>>, vector<1x16xi32>,
    %get3A_276 = vector.shape_cast %get3A_275 : vector<1x16xi32> to vector<16xi32>
    %max3A_277 = arith.constant 0 : i32
    %max3A_278 = vector.broadcast %max3A_277 : i32 to vector<16xi32>
    %max3A_279 = arith.maxsi %get3A_276, %max3A_278 : vector<16xi32>
    %swap3A_280 = arith.constant 1 : i32
    %swap3A_281 = arith.index_cast %swap3A_280 : i32 to index
    %swap3A_282 = arith.constant 96 : index
    %swap3A_283 = tpu.vector_load %arg5[%swap3A_281, %swap3A_282] {strides = array<i32>} : memref<128x200xi32, #tpu.memory_space<vmem>>, vector<1x16xi32>,
    %swap3A_284 = vector.shape_cast %swap3A_283 : vector<1x16xi32> to vector<16xi32>
    %swap3A_285 = vector.shape_cast %max3A_279 : vector<16xi32> to vector<1x16xi32>
    tpu.vector_store %arg5[%swap3A_281, %swap3A_282], %swap3A_285 {strides = array<i32>} : memref<128x200xi32, #tpu.memory_space<vmem>>, vector<1x16xi32>,
    %get3A_286 = arith.constant 1 : i32
    %get3A_287 = arith.index_cast %get3A_286 : i32 to index
    %get3A_288 = arith.constant 112 : index
    %get3A_289 = tpu.vector_load %arg5[%get3A_287, %get3A_288] {strides = array<i32>} : memref<128x200xi32, #tpu.memory_space<vmem>>, vector<1x16xi32>,
    %get3A_290 = vector.shape_cast %get3A_289 : vector<1x16xi32> to vector<16xi32>
    %max3A_291 = arith.constant 0 : i32
    %max3A_292 = vector.broadcast %max3A_291 : i32 to vector<16xi32>
    %max3A_293 = arith.maxsi %get3A_290, %max3A_292 : vector<16xi32>
    %swap3A_294 = arith.constant 1 : i32
    %swap3A_295 = arith.index_cast %swap3A_294 : i32 to index
    %swap3A_296 = arith.constant 112 : index
    %swap3A_297 = tpu.vector_load %arg5[%swap3A_295, %swap3A_296] {strides = array<i32>} : memref<128x200xi32, #tpu.memory_space<vmem>>, vector<1x16xi32>,
    %swap3A_298 = vector.shape_cast %swap3A_297 : vector<1x16xi32> to vector<16xi32>
    %swap3A_299 = vector.shape_cast %max3A_293 : vector<16xi32> to vector<1x16xi32>
    tpu.vector_store %arg5[%swap3A_295, %swap3A_296], %swap3A_299 {strides = array<i32>} : memref<128x200xi32, #tpu.memory_space<vmem>>, vector<1x16xi32>,
    %get3A_300 = arith.constant 1 : i32
    %get3A_301 = arith.index_cast %get3A_300 : i32 to index
    %get3A_302 = arith.constant 128 : index
    %get3A_303 = tpu.vector_load %arg5[%get3A_301, %get3A_302] {strides = array<i32>} : memref<128x200xi32, #tpu.memory_space<vmem>>, vector<1x16xi32>,
    %get3A_304 = vector.shape_cast %get3A_303 : vector<1x16xi32> to vector<16xi32>
    %max3A_305 = arith.constant 0 : i32
    %max3A_306 = vector.broadcast %max3A_305 : i32 to vector<16xi32>
    %max3A_307 = arith.maxsi %get3A_304, %max3A_306 : vector<16xi32>
    %swap3A_308 = arith.constant 1 : i32
    %swap3A_309 = arith.index_cast %swap3A_308 : i32 to index
    %swap3A_310 = arith.constant 128 : index
    %swap3A_311 = tpu.vector_load %arg5[%swap3A_309, %swap3A_310] {strides = array<i32>} : memref<128x200xi32, #tpu.memory_space<vmem>>, vector<1x16xi32>,
    %swap3A_312 = vector.shape_cast %swap3A_311 : vector<1x16xi32> to vector<16xi32>
    %swap3A_313 = vector.shape_cast %max3A_307 : vector<16xi32> to vector<1x16xi32>
    tpu.vector_store %arg5[%swap3A_309, %swap3A_310], %swap3A_313 {strides = array<i32>} : memref<128x200xi32, #tpu.memory_space<vmem>>, vector<1x16xi32>,
    %get3A_314 = arith.constant 1 : i32
    %get3A_315 = arith.index_cast %get3A_314 : i32 to index
    %get3A_316 = arith.constant 144 : index
    %get3A_317 = tpu.vector_load %arg5[%get3A_315, %get3A_316] {strides = array<i32>} : memref<128x200xi32, #tpu.memory_space<vmem>>, vector<1x16xi32>,
    %get3A_318 = vector.shape_cast %get3A_317 : vector<1x16xi32> to vector<16xi32>
    %max3A_319 = arith.constant 0 : i32
    %max3A_320 = vector.broadcast %max3A_319 : i32 to vector<16xi32>
    %max3A_321 = arith.maxsi %get3A_318, %max3A_320 : vector<16xi32>
    %swap3A_322 = arith.constant 1 : i32
    %swap3A_323 = arith.index_cast %swap3A_322 : i32 to index
    %swap3A_324 = arith.constant 144 : index
    %swap3A_325 = tpu.vector_load %arg5[%swap3A_323, %swap3A_324] {strides = array<i32>} : memref<128x200xi32, #tpu.memory_space<vmem>>, vector<1x16xi32>,
    %swap3A_326 = vector.shape_cast %swap3A_325 : vector<1x16xi32> to vector<16xi32>
    %swap3A_327 = vector.shape_cast %max3A_321 : vector<16xi32> to vector<1x16xi32>
    tpu.vector_store %arg5[%swap3A_323, %swap3A_324], %swap3A_327 {strides = array<i32>} : memref<128x200xi32, #tpu.memory_space<vmem>>, vector<1x16xi32>,
    %get3A_328 = arith.constant 1 : i32
    %get3A_329 = arith.index_cast %get3A_328 : i32 to index
    %get3A_330 = arith.constant 160 : index
    %get3A_331 = tpu.vector_load %arg5[%get3A_329, %get3A_330] {strides = array<i32>} : memref<128x200xi32, #tpu.memory_space<vmem>>, vector<1x16xi32>,
    %get3A_332 = vector.shape_cast %get3A_331 : vector<1x16xi32> to vector<16xi32>
    %max3A_333 = arith.constant 0 : i32
    %max3A_334 = vector.broadcast %max3A_333 : i32 to vector<16xi32>
    %max3A_335 = arith.maxsi %get3A_332, %max3A_334 : vector<16xi32>
    %swap3A_336 = arith.constant 1 : i32
    %swap3A_337 = arith.index_cast %swap3A_336 : i32 to index
    %swap3A_338 = arith.constant 160 : index
    %swap3A_339 = tpu.vector_load %arg5[%swap3A_337, %swap3A_338] {strides = array<i32>} : memref<128x200xi32, #tpu.memory_space<vmem>>, vector<1x16xi32>,
    %swap3A_340 = vector.shape_cast %swap3A_339 : vector<1x16xi32> to vector<16xi32>
    %swap3A_341 = vector.shape_cast %max3A_335 : vector<16xi32> to vector<1x16xi32>
    tpu.vector_store %arg5[%swap3A_337, %swap3A_338], %swap3A_341 {strides = array<i32>} : memref<128x200xi32, #tpu.memory_space<vmem>>, vector<1x16xi32>,
    %get3A_342 = arith.constant 1 : i32
    %get3A_343 = arith.index_cast %get3A_342 : i32 to index
    %get3A_344 = arith.constant 176 : index
    %get3A_345 = tpu.vector_load %arg5[%get3A_343, %get3A_344] {strides = array<i32>} : memref<128x200xi32, #tpu.memory_space<vmem>>, vector<1x16xi32>,
    %get3A_346 = vector.shape_cast %get3A_345 : vector<1x16xi32> to vector<16xi32>
    %max3A_347 = arith.constant 0 : i32
    %max3A_348 = vector.broadcast %max3A_347 : i32 to vector<16xi32>
    %max3A_349 = arith.maxsi %get3A_346, %max3A_348 : vector<16xi32>
    %swap3A_350 = arith.constant 1 : i32
    %swap3A_351 = arith.index_cast %swap3A_350 : i32 to index
    %swap3A_352 = arith.constant 176 : index
    %swap3A_353 = tpu.vector_load %arg5[%swap3A_351, %swap3A_352] {strides = array<i32>} : memref<128x200xi32, #tpu.memory_space<vmem>>, vector<1x16xi32>,
    %swap3A_354 = vector.shape_cast %swap3A_353 : vector<1x16xi32> to vector<16xi32>
    %swap3A_355 = vector.shape_cast %max3A_349 : vector<16xi32> to vector<1x16xi32>
    tpu.vector_store %arg5[%swap3A_351, %swap3A_352], %swap3A_355 {strides = array<i32>} : memref<128x200xi32, #tpu.memory_space<vmem>>, vector<1x16xi32>,
    %get3A_356 = arith.constant 1 : i32
    %get3A_357 = arith.index_cast %get3A_356 : i32 to index
    %get3A_358 = arith.constant 184 : index
    %get3A_359 = tpu.vector_load %arg5[%get3A_357, %get3A_358] {strides = array<i32>} : memref<128x200xi32, #tpu.memory_space<vmem>>, vector<1x16xi32>,
    %get3A_360 = vector.shape_cast %get3A_359 : vector<1x16xi32> to vector<16xi32>
    %max3A_361 = arith.constant 0 : i32
    %max3A_362 = vector.broadcast %max3A_361 : i32 to vector<16xi32>
    %max3A_363 = arith.maxsi %get3A_360, %max3A_362 : vector<16xi32>
    %swap3A_364 = arith.constant 1 : i32
    %swap3A_365 = arith.index_cast %swap3A_364 : i32 to index
    %swap3A_366 = arith.constant 184 : index
    %swap3A_367 = tpu.vector_load %arg5[%swap3A_365, %swap3A_366] {strides = array<i32>} : memref<128x200xi32, #tpu.memory_space<vmem>>, vector<1x16xi32>,
    %swap3A_368 = vector.shape_cast %swap3A_367 : vector<1x16xi32> to vector<16xi32>
    %swap3A_369 = vector.shape_cast %max3A_363 : vector<16xi32> to vector<1x16xi32>
    tpu.vector_store %arg5[%swap3A_365, %swap3A_366], %swap3A_369 {strides = array<i32>} : memref<128x200xi32, #tpu.memory_space<vmem>>, vector<1x16xi32>,
    %dma_start3A_370 = arith.constant 1 : i32
    %dma_start3A_371 = arith.constant 0 : i32
    %dma_start3A_372 = tpu.memref_slice %arg5[%dma_start3A_370, %dma_start3A_371] : memref<128x200xi32, #tpu.memory_space<vmem>> -> memref<1x200xi32, #tpu.memory_space<vmem>>
    %dma_start3A_373 = tpu.memref_squeeze %dma_start3A_372 : memref<1x200xi32, #tpu.memory_space<vmem>> -> memref<200xi32, #tpu.memory_space<vmem>>
    %dma_start3A_374 = arith.constant 0 : i32
    %dma_start3A_375 = arith.constant 0 : i32
    %dma_start3A_376 = tpu.memref_slice %arg3[%dma_start3A_374, %dma_start3A_375] : memref<1000000x64xf32, #tpu.memory_space<hbm>> -> memref<1000000x64xf32, #tpu.memory_space<hbm>>
    tpu.enqueue_indirect_dma source(%dma_start3A_376 : memref<1000000x64xf32, #tpu.memory_space<hbm>>) target(%arg7 : memref<200x64xf32, #tpu.memory_space<vmem>>) offsets(%dma_start3A_373 : memref<200xi32, #tpu.memory_space<vmem>>) semaphore(%arg11 : memref<!tpu.dma_semaphore, #tpu.memory_space<semaphore_mem>>)
    %get3A_377 = arith.constant 2 : i32
    %get3A_378 = arith.index_cast %get3A_377 : i32 to index
    %get3A_379 = arith.constant 0 : index
    %get3A_380 = tpu.vector_load %arg5[%get3A_378, %get3A_379] {strides = array<i32>} : memref<128x200xi32, #tpu.memory_space<vmem>>, vector<1x16xi32>,
    %get3A_381 = vector.shape_cast %get3A_380 : vector<1x16xi32> to vector<16xi32>
    %max3A_382 = arith.constant 0 : i32
    %max3A_383 = vector.broadcast %max3A_382 : i32 to vector<16xi32>
    %max3A_384 = arith.maxsi %get3A_381, %max3A_383 : vector<16xi32>
    %swap3A_385 = arith.constant 2 : i32
    %swap3A_386 = arith.index_cast %swap3A_385 : i32 to index
    %swap3A_387 = arith.constant 0 : index
    %swap3A_388 = tpu.vector_load %arg5[%swap3A_386, %swap3A_387] {strides = array<i32>} : memref<128x200xi32, #tpu.memory_space<vmem>>, vector<1x16xi32>,
    %swap3A_389 = vector.shape_cast %swap3A_388 : vector<1x16xi32> to vector<16xi32>
    %swap3A_390 = vector.shape_cast %max3A_384 : vector<16xi32> to vector<1x16xi32>
    tpu.vector_store %arg5[%swap3A_386, %swap3A_387], %swap3A_390 {strides = array<i32>} : memref<128x200xi32, #tpu.memory_space<vmem>>, vector<1x16xi32>,
    %get3A_391 = arith.constant 2 : i32
    %get3A_392 = arith.index_cast %get3A_391 : i32 to index
    %get3A_393 = arith.constant 16 : index
    %get3A_394 = tpu.vector_load %arg5[%get3A_392, %get3A_393] {strides = array<i32>} : memref<128x200xi32, #tpu.memory_space<vmem>>, vector<1x16xi32>,
    %get3A_395 = vector.shape_cast %get3A_394 : vector<1x16xi32> to vector<16xi32>
    %max3A_396 = arith.constant 0 : i32
    %max3A_397 = vector.broadcast %max3A_396 : i32 to vector<16xi32>
    %max3A_398 = arith.maxsi %get3A_395, %max3A_397 : vector<16xi32>
    %swap3A_399 = arith.constant 2 : i32
    %swap3A_400 = arith.index_cast %swap3A_399 : i32 to index
    %swap3A_401 = arith.constant 16 : index
    %swap3A_402 = tpu.vector_load %arg5[%swap3A_400, %swap3A_401] {strides = array<i32>} : memref<128x200xi32, #tpu.memory_space<vmem>>, vector<1x16xi32>,
    %swap3A_403 = vector.shape_cast %swap3A_402 : vector<1x16xi32> to vector<16xi32>
    %swap3A_404 = vector.shape_cast %max3A_398 : vector<16xi32> to vector<1x16xi32>
    tpu.vector_store %arg5[%swap3A_400, %swap3A_401], %swap3A_404 {strides = array<i32>} : memref<128x200xi32, #tpu.memory_space<vmem>>, vector<1x16xi32>,
    %get3A_405 = arith.constant 2 : i32
    %get3A_406 = arith.index_cast %get3A_405 : i32 to index
    %get3A_407 = arith.constant 32 : index
    %get3A_408 = tpu.vector_load %arg5[%get3A_406, %get3A_407] {strides = array<i32>} : memref<128x200xi32, #tpu.memory_space<vmem>>, vector<1x16xi32>,
    %get3A_409 = vector.shape_cast %get3A_408 : vector<1x16xi32> to vector<16xi32>
    %max3A_410 = arith.constant 0 : i32
    %max3A_411 = vector.broadcast %max3A_410 : i32 to vector<16xi32>
    %max3A_412 = arith.maxsi %get3A_409, %max3A_411 : vector<16xi32>
    %swap3A_413 = arith.constant 2 : i32
    %swap3A_414 = arith.index_cast %swap3A_413 : i32 to index
    %swap3A_415 = arith.constant 32 : index
    %swap3A_416 = tpu.vector_load %arg5[%swap3A_414, %swap3A_415] {strides = array<i32>} : memref<128x200xi32, #tpu.memory_space<vmem>>, vector<1x16xi32>,
    %swap3A_417 = vector.shape_cast %swap3A_416 : vector<1x16xi32> to vector<16xi32>
    %swap3A_418 = vector.shape_cast %max3A_412 : vector<16xi32> to vector<1x16xi32>
    tpu.vector_store %arg5[%swap3A_414, %swap3A_415], %swap3A_418 {strides = array<i32>} : memref<128x200xi32, #tpu.memory_space<vmem>>, vector<1x16xi32>,
    %get3A_419 = arith.constant 2 : i32
    %get3A_420 = arith.index_cast %get3A_419 : i32 to index
    %get3A_421 = arith.constant 48 : index
    %get3A_422 = tpu.vector_load %arg5[%get3A_420, %get3A_421] {strides = array<i32>} : memref<128x200xi32, #tpu.memory_space<vmem>>, vector<1x16xi32>,
    %get3A_423 = vector.shape_cast %get3A_422 : vector<1x16xi32> to vector<16xi32>
    %max3A_424 = arith.constant 0 : i32
    %max3A_425 = vector.broadcast %max3A_424 : i32 to vector<16xi32>
    %max3A_426 = arith.maxsi %get3A_423, %max3A_425 : vector<16xi32>
    %swap3A_427 = arith.constant 2 : i32
    %swap3A_428 = arith.index_cast %swap3A_427 : i32 to index
    %swap3A_429 = arith.constant 48 : index
    %swap3A_430 = tpu.vector_load %arg5[%swap3A_428, %swap3A_429] {strides = array<i32>} : memref<128x200xi32, #tpu.memory_space<vmem>>, vector<1x16xi32>,
    %swap3A_431 = vector.shape_cast %swap3A_430 : vector<1x16xi32> to vector<16xi32>
    %swap3A_432 = vector.shape_cast %max3A_426 : vector<16xi32> to vector<1x16xi32>
    tpu.vector_store %arg5[%swap3A_428, %swap3A_429], %swap3A_432 {strides = array<i32>} : memref<128x200xi32, #tpu.memory_space<vmem>>, vector<1x16xi32>,
    %get3A_433 = arith.constant 2 : i32
    %get3A_434 = arith.index_cast %get3A_433 : i32 to index
    %get3A_435 = arith.constant 64 : index
    %get3A_436 = tpu.vector_load %arg5[%get3A_434, %get3A_435] {strides = array<i32>} : memref<128x200xi32, #tpu.memory_space<vmem>>, vector<1x16xi32>,
    %get3A_437 = vector.shape_cast %get3A_436 : vector<1x16xi32> to vector<16xi32>
    %max3A_438 = arith.constant 0 : i32
    %max3A_439 = vector.broadcast %max3A_438 : i32 to vector<16xi32>
    %max3A_440 = arith.maxsi %get3A_437, %max3A_439 : vector<16xi32>
    %swap3A_441 = arith.constant 2 : i32
    %swap3A_442 = arith.index_cast %swap3A_441 : i32 to index
    %swap3A_443 = arith.constant 64 : index
    %swap3A_444 = tpu.vector_load %arg5[%swap3A_442, %swap3A_443] {strides = array<i32>} : memref<128x200xi32, #tpu.memory_space<vmem>>, vector<1x16xi32>,
    %swap3A_445 = vector.shape_cast %swap3A_444 : vector<1x16xi32> to vector<16xi32>
    %swap3A_446 = vector.shape_cast %max3A_440 : vector<16xi32> to vector<1x16xi32>
    tpu.vector_store %arg5[%swap3A_442, %swap3A_443], %swap3A_446 {strides = array<i32>} : memref<128x200xi32, #tpu.memory_space<vmem>>, vector<1x16xi32>,
    %get3A_447 = arith.constant 2 : i32
    %get3A_448 = arith.index_cast %get3A_447 : i32 to index
    %get3A_449 = arith.constant 80 : index
    %get3A_450 = tpu.vector_load %arg5[%get3A_448, %get3A_449] {strides = array<i32>} : memref<128x200xi32, #tpu.memory_space<vmem>>, vector<1x16xi32>,
    %get3A_451 = vector.shape_cast %get3A_450 : vector<1x16xi32> to vector<16xi32>
    %max3A_452 = arith.constant 0 : i32
    %max3A_453 = vector.broadcast %max3A_452 : i32 to vector<16xi32>
    %max3A_454 = arith.maxsi %get3A_451, %max3A_453 : vector<16xi32>
    %swap3A_455 = arith.constant 2 : i32
    %swap3A_456 = arith.index_cast %swap3A_455 : i32 to index
    %swap3A_457 = arith.constant 80 : index
    %swap3A_458 = tpu.vector_load %arg5[%swap3A_456, %swap3A_457] {strides = array<i32>} : memref<128x200xi32, #tpu.memory_space<vmem>>, vector<1x16xi32>,
    %swap3A_459 = vector.shape_cast %swap3A_458 : vector<1x16xi32> to vector<16xi32>
    %swap3A_460 = vector.shape_cast %max3A_454 : vector<16xi32> to vector<1x16xi32>
    tpu.vector_store %arg5[%swap3A_456, %swap3A_457], %swap3A_460 {strides = array<i32>} : memref<128x200xi32, #tpu.memory_space<vmem>>, vector<1x16xi32>,
    %get3A_461 = arith.constant 2 : i32
    %get3A_462 = arith.index_cast %get3A_461 : i32 to index
    %get3A_463 = arith.constant 96 : index
    %get3A_464 = tpu.vector_load %arg5[%get3A_462, %get3A_463] {strides = array<i32>} : memref<128x200xi32, #tpu.memory_space<vmem>>, vector<1x16xi32>,
    %get3A_465 = vector.shape_cast %get3A_464 : vector<1x16xi32> to vector<16xi32>
    %max3A_466 = arith.constant 0 : i32
    %max3A_467 = vector.broadcast %max3A_466 : i32 to vector<16xi32>
    %max3A_468 = arith.maxsi %get3A_465, %max3A_467 : vector<16xi32>
    %swap3A_469 = arith.constant 2 : i32
    %swap3A_470 = arith.index_cast %swap3A_469 : i32 to index
    %swap3A_471 = arith.constant 96 : index
    %swap3A_472 = tpu.vector_load %arg5[%swap3A_470, %swap3A_471] {strides = array<i32>} : memref<128x200xi32, #tpu.memory_space<vmem>>, vector<1x16xi32>,
    %swap3A_473 = vector.shape_cast %swap3A_472 : vector<1x16xi32> to vector<16xi32>
    %swap3A_474 = vector.shape_cast %max3A_468 : vector<16xi32> to vector<1x16xi32>
    tpu.vector_store %arg5[%swap3A_470, %swap3A_471], %swap3A_474 {strides = array<i32>} : memref<128x200xi32, #tpu.memory_space<vmem>>, vector<1x16xi32>,
    %get3A_475 = arith.constant 2 : i32
    %get3A_476 = arith.index_cast %get3A_475 : i32 to index
    %get3A_477 = arith.constant 112 : index
    %get3A_478 = tpu.vector_load %arg5[%get3A_476, %get3A_477] {strides = array<i32>} : memref<128x200xi32, #tpu.memory_space<vmem>>, vector<1x16xi32>,
    %get3A_479 = vector.shape_cast %get3A_478 : vector<1x16xi32> to vector<16xi32>
    %max3A_480 = arith.constant 0 : i32
    %max3A_481 = vector.broadcast %max3A_480 : i32 to vector<16xi32>
    %max3A_482 = arith.maxsi %get3A_479, %max3A_481 : vector<16xi32>
    %swap3A_483 = arith.constant 2 : i32
    %swap3A_484 = arith.index_cast %swap3A_483 : i32 to index
    %swap3A_485 = arith.constant 112 : index
    %swap3A_486 = tpu.vector_load %arg5[%swap3A_484, %swap3A_485] {strides = array<i32>} : memref<128x200xi32, #tpu.memory_space<vmem>>, vector<1x16xi32>,
    %swap3A_487 = vector.shape_cast %swap3A_486 : vector<1x16xi32> to vector<16xi32>
    %swap3A_488 = vector.shape_cast %max3A_482 : vector<16xi32> to vector<1x16xi32>
    tpu.vector_store %arg5[%swap3A_484, %swap3A_485], %swap3A_488 {strides = array<i32>} : memref<128x200xi32, #tpu.memory_space<vmem>>, vector<1x16xi32>,
    %get3A_489 = arith.constant 2 : i32
    %get3A_490 = arith.index_cast %get3A_489 : i32 to index
    %get3A_491 = arith.constant 128 : index
    %get3A_492 = tpu.vector_load %arg5[%get3A_490, %get3A_491] {strides = array<i32>} : memref<128x200xi32, #tpu.memory_space<vmem>>, vector<1x16xi32>,
    %get3A_493 = vector.shape_cast %get3A_492 : vector<1x16xi32> to vector<16xi32>
    %max3A_494 = arith.constant 0 : i32
    %max3A_495 = vector.broadcast %max3A_494 : i32 to vector<16xi32>
    %max3A_496 = arith.maxsi %get3A_493, %max3A_495 : vector<16xi32>
    %swap3A_497 = arith.constant 2 : i32
    %swap3A_498 = arith.index_cast %swap3A_497 : i32 to index
    %swap3A_499 = arith.constant 128 : index
    %swap3A_500 = tpu.vector_load %arg5[%swap3A_498, %swap3A_499] {strides = array<i32>} : memref<128x200xi32, #tpu.memory_space<vmem>>, vector<1x16xi32>,
    %swap3A_501 = vector.shape_cast %swap3A_500 : vector<1x16xi32> to vector<16xi32>
    %swap3A_502 = vector.shape_cast %max3A_496 : vector<16xi32> to vector<1x16xi32>
    tpu.vector_store %arg5[%swap3A_498, %swap3A_499], %swap3A_502 {strides = array<i32>} : memref<128x200xi32, #tpu.memory_space<vmem>>, vector<1x16xi32>,
    %get3A_503 = arith.constant 2 : i32
    %get3A_504 = arith.index_cast %get3A_503 : i32 to index
    %get3A_505 = arith.constant 144 : index
    %get3A_506 = tpu.vector_load %arg5[%get3A_504, %get3A_505] {strides = array<i32>} : memref<128x200xi32, #tpu.memory_space<vmem>>, vector<1x16xi32>,
    %get3A_507 = vector.shape_cast %get3A_506 : vector<1x16xi32> to vector<16xi32>
    %max3A_508 = arith.constant 0 : i32
    %max3A_509 = vector.broadcast %max3A_508 : i32 to vector<16xi32>
    %max3A_510 = arith.maxsi %get3A_507, %max3A_509 : vector<16xi32>
    %swap3A_511 = arith.constant 2 : i32
    %swap3A_512 = arith.index_cast %swap3A_511 : i32 to index
    %swap3A_513 = arith.constant 144 : index
    %swap3A_514 = tpu.vector_load %arg5[%swap3A_512, %swap3A_513] {strides = array<i32>} : memref<128x200xi32, #tpu.memory_space<vmem>>, vector<1x16xi32>,
    %swap3A_515 = vector.shape_cast %swap3A_514 : vector<1x16xi32> to vector<16xi32>
    %swap3A_516 = vector.shape_cast %max3A_510 : vector<16xi32> to vector<1x16xi32>
    tpu.vector_store %arg5[%swap3A_512, %swap3A_513], %swap3A_516 {strides = array<i32>} : memref<128x200xi32, #tpu.memory_space<vmem>>, vector<1x16xi32>,
    %get3A_517 = arith.constant 2 : i32
    %get3A_518 = arith.index_cast %get3A_517 : i32 to index
    %get3A_519 = arith.constant 160 : index
    %get3A_520 = tpu.vector_load %arg5[%get3A_518, %get3A_519] {strides = array<i32>} : memref<128x200xi32, #tpu.memory_space<vmem>>, vector<1x16xi32>,
    %get3A_521 = vector.shape_cast %get3A_520 : vector<1x16xi32> to vector<16xi32>
    %max3A_522 = arith.constant 0 : i32
    %max3A_523 = vector.broadcast %max3A_522 : i32 to vector<16xi32>
    %max3A_524 = arith.maxsi %get3A_521, %max3A_523 : vector<16xi32>
    %swap3A_525 = arith.constant 2 : i32
    %swap3A_526 = arith.index_cast %swap3A_525 : i32 to index
    %swap3A_527 = arith.constant 160 : index
    %swap3A_528 = tpu.vector_load %arg5[%swap3A_526, %swap3A_527] {strides = array<i32>} : memref<128x200xi32, #tpu.memory_space<vmem>>, vector<1x16xi32>,
    %swap3A_529 = vector.shape_cast %swap3A_528 : vector<1x16xi32> to vector<16xi32>
    %swap3A_530 = vector.shape_cast %max3A_524 : vector<16xi32> to vector<1x16xi32>
    tpu.vector_store %arg5[%swap3A_526, %swap3A_527], %swap3A_530 {strides = array<i32>} : memref<128x200xi32, #tpu.memory_space<vmem>>, vector<1x16xi32>,
    %get3A_531 = arith.constant 2 : i32
    %get3A_532 = arith.index_cast %get3A_531 : i32 to index
    %get3A_533 = arith.constant 176 : index
    %get3A_534 = tpu.vector_load %arg5[%get3A_532, %get3A_533] {strides = array<i32>} : memref<128x200xi32, #tpu.memory_space<vmem>>, vector<1x16xi32>,
    %get3A_535 = vector.shape_cast %get3A_534 : vector<1x16xi32> to vector<16xi32>
    %max3A_536 = arith.constant 0 : i32
    %max3A_537 = vector.broadcast %max3A_536 : i32 to vector<16xi32>
    %max3A_538 = arith.maxsi %get3A_535, %max3A_537 : vector<16xi32>
    %swap3A_539 = arith.constant 2 : i32
    %swap3A_540 = arith.index_cast %swap3A_539 : i32 to index
    %swap3A_541 = arith.constant 176 : index
    %swap3A_542 = tpu.vector_load %arg5[%swap3A_540, %swap3A_541] {strides = array<i32>} : memref<128x200xi32, #tpu.memory_space<vmem>>, vector<1x16xi32>,
    %swap3A_543 = vector.shape_cast %swap3A_542 : vector<1x16xi32> to vector<16xi32>
    %swap3A_544 = vector.shape_cast %max3A_538 : vector<16xi32> to vector<1x16xi32>
    tpu.vector_store %arg5[%swap3A_540, %swap3A_541], %swap3A_544 {strides = array<i32>} : memref<128x200xi32, #tpu.memory_space<vmem>>, vector<1x16xi32>,
    %get3A_545 = arith.constant 2 : i32
    %get3A_546 = arith.index_cast %get3A_545 : i32 to index
    %get3A_547 = arith.constant 184 : index
    %get3A_548 = tpu.vector_load %arg5[%get3A_546, %get3A_547] {strides = array<i32>} : memref<128x200xi32, #tpu.memory_space<vmem>>, vector<1x16xi32>,
    %get3A_549 = vector.shape_cast %get3A_548 : vector<1x16xi32> to vector<16xi32>
    %max3A_550 = arith.constant 0 : i32
    %max3A_551 = vector.broadcast %max3A_550 : i32 to vector<16xi32>
    %max3A_552 = arith.maxsi %get3A_549, %max3A_551 : vector<16xi32>
    %swap3A_553 = arith.constant 2 : i32
    %swap3A_554 = arith.index_cast %swap3A_553 : i32 to index
    %swap3A_555 = arith.constant 184 : index
    %swap3A_556 = tpu.vector_load %arg5[%swap3A_554, %swap3A_555] {strides = array<i32>} : memref<128x200xi32, #tpu.memory_space<vmem>>, vector<1x16xi32>,
    %swap3A_557 = vector.shape_cast %swap3A_556 : vector<1x16xi32> to vector<16xi32>
    %swap3A_558 = vector.shape_cast %max3A_552 : vector<16xi32> to vector<1x16xi32>
    tpu.vector_store %arg5[%swap3A_554, %swap3A_555], %swap3A_558 {strides = array<i32>} : memref<128x200xi32, #tpu.memory_space<vmem>>, vector<1x16xi32>,
    %dma_start3A_559 = arith.constant 2 : i32
    %dma_start3A_560 = arith.constant 0 : i32
    %dma_start3A_561 = tpu.memref_slice %arg5[%dma_start3A_559, %dma_start3A_560] : memref<128x200xi32, #tpu.memory_space<vmem>> -> memref<1x200xi32, #tpu.memory_space<vmem>>
    %dma_start3A_562 = tpu.memref_squeeze %dma_start3A_561 : memref<1x200xi32, #tpu.memory_space<vmem>> -> memref<200xi32, #tpu.memory_space<vmem>>
    %dma_start3A_563 = arith.constant 0 : i32
    %dma_start3A_564 = arith.constant 0 : i32
    %dma_start3A_565 = tpu.memref_slice %arg3[%dma_start3A_563, %dma_start3A_564] : memref<1000000x64xf32, #tpu.memory_space<hbm>> -> memref<1000000x64xf32, #tpu.memory_space<hbm>>
    tpu.enqueue_indirect_dma source(%dma_start3A_565 : memref<1000000x64xf32, #tpu.memory_space<hbm>>) target(%arg8 : memref<200x64xf32, #tpu.memory_space<vmem>>) offsets(%dma_start3A_562 : memref<200xi32, #tpu.memory_space<vmem>>) semaphore(%arg12 : memref<!tpu.dma_semaphore, #tpu.memory_space<semaphore_mem>>)
    %get3A_566 = arith.constant 3 : i32
    %get3A_567 = arith.index_cast %get3A_566 : i32 to index
    %get3A_568 = arith.constant 0 : index
    %get3A_569 = tpu.vector_load %arg5[%get3A_567, %get3A_568] {strides = array<i32>} : memref<128x200xi32, #tpu.memory_space<vmem>>, vector<1x16xi32>,
    %get3A_570 = vector.shape_cast %get3A_569 : vector<1x16xi32> to vector<16xi32>
    %max3A_571 = arith.constant 0 : i32
    %max3A_572 = vector.broadcast %max3A_571 : i32 to vector<16xi32>
    %max3A_573 = arith.maxsi %get3A_570, %max3A_572 : vector<16xi32>
    %swap3A_574 = arith.constant 3 : i32
    %swap3A_575 = arith.index_cast %swap3A_574 : i32 to index
    %swap3A_576 = arith.constant 0 : index
    %swap3A_577 = tpu.vector_load %arg5[%swap3A_575, %swap3A_576] {strides = array<i32>} : memref<128x200xi32, #tpu.memory_space<vmem>>, vector<1x16xi32>,
    %swap3A_578 = vector.shape_cast %swap3A_577 : vector<1x16xi32> to vector<16xi32>
    %swap3A_579 = vector.shape_cast %max3A_573 : vector<16xi32> to vector<1x16xi32>
    tpu.vector_store %arg5[%swap3A_575, %swap3A_576], %swap3A_579 {strides = array<i32>} : memref<128x200xi32, #tpu.memory_space<vmem>>, vector<1x16xi32>,
    %get3A_580 = arith.constant 3 : i32
    %get3A_581 = arith.index_cast %get3A_580 : i32 to index
    %get3A_582 = arith.constant 16 : index
    %get3A_583 = tpu.vector_load %arg5[%get3A_581, %get3A_582] {strides = array<i32>} : memref<128x200xi32, #tpu.memory_space<vmem>>, vector<1x16xi32>,
    %get3A_584 = vector.shape_cast %get3A_583 : vector<1x16xi32> to vector<16xi32>
    %max3A_585 = arith.constant 0 : i32
    %max3A_586 = vector.broadcast %max3A_585 : i32 to vector<16xi32>
    %max3A_587 = arith.maxsi %get3A_584, %max3A_586 : vector<16xi32>
    %swap3A_588 = arith.constant 3 : i32
    %swap3A_589 = arith.index_cast %swap3A_588 : i32 to index
    %swap3A_590 = arith.constant 16 : index
    %swap3A_591 = tpu.vector_load %arg5[%swap3A_589, %swap3A_590] {strides = array<i32>} : memref<128x200xi32, #tpu.memory_space<vmem>>, vector<1x16xi32>,
    %swap3A_592 = vector.shape_cast %swap3A_591 : vector<1x16xi32> to vector<16xi32>
    %swap3A_593 = vector.shape_cast %max3A_587 : vector<16xi32> to vector<1x16xi32>
    tpu.vector_store %arg5[%swap3A_589, %swap3A_590], %swap3A_593 {strides = array<i32>} : memref<128x200xi32, #tpu.memory_space<vmem>>, vector<1x16xi32>,
    %get3A_594 = arith.constant 3 : i32
    %get3A_595 = arith.index_cast %get3A_594 : i32 to index
    %get3A_596 = arith.constant 32 : index
    %get3A_597 = tpu.vector_load %arg5[%get3A_595, %get3A_596] {strides = array<i32>} : memref<128x200xi32, #tpu.memory_space<vmem>>, vector<1x16xi32>,
    %get3A_598 = vector.shape_cast %get3A_597 : vector<1x16xi32> to vector<16xi32>
    %max3A_599 = arith.constant 0 : i32
    %max3A_600 = vector.broadcast %max3A_599 : i32 to vector<16xi32>
    %max3A_601 = arith.maxsi %get3A_598, %max3A_600 : vector<16xi32>
    %swap3A_602 = arith.constant 3 : i32
    %swap3A_603 = arith.index_cast %swap3A_602 : i32 to index
    %swap3A_604 = arith.constant 32 : index
    %swap3A_605 = tpu.vector_load %arg5[%swap3A_603, %swap3A_604] {strides = array<i32>} : memref<128x200xi32, #tpu.memory_space<vmem>>, vector<1x16xi32>,
    %swap3A_606 = vector.shape_cast %swap3A_605 : vector<1x16xi32> to vector<16xi32>
    %swap3A_607 = vector.shape_cast %max3A_601 : vector<16xi32> to vector<1x16xi32>
    tpu.vector_store %arg5[%swap3A_603, %swap3A_604], %swap3A_607 {strides = array<i32>} : memref<128x200xi32, #tpu.memory_space<vmem>>, vector<1x16xi32>,
    %get3A_608 = arith.constant 3 : i32
    %get3A_609 = arith.index_cast %get3A_608 : i32 to index
    %get3A_610 = arith.constant 48 : index
    %get3A_611 = tpu.vector_load %arg5[%get3A_609, %get3A_610] {strides = array<i32>} : memref<128x200xi32, #tpu.memory_space<vmem>>, vector<1x16xi32>,
    %get3A_612 = vector.shape_cast %get3A_611 : vector<1x16xi32> to vector<16xi32>
    %max3A_613 = arith.constant 0 : i32
    %max3A_614 = vector.broadcast %max3A_613 : i32 to vector<16xi32>
    %max3A_615 = arith.maxsi %get3A_612, %max3A_614 : vector<16xi32>
    %swap3A_616 = arith.constant 3 : i32
    %swap3A_617 = arith.index_cast %swap3A_616 : i32 to index
    %swap3A_618 = arith.constant 48 : index
    %swap3A_619 = tpu.vector_load %arg5[%swap3A_617, %swap3A_618] {strides = array<i32>} : memref<128x200xi32, #tpu.memory_space<vmem>>, vector<1x16xi32>,
    %swap3A_620 = vector.shape_cast %swap3A_619 : vector<1x16xi32> to vector<16xi32>
    %swap3A_621 = vector.shape_cast %max3A_615 : vector<16xi32> to vector<1x16xi32>
    tpu.vector_store %arg5[%swap3A_617, %swap3A_618], %swap3A_621 {strides = array<i32>} : memref<128x200xi32, #tpu.memory_space<vmem>>, vector<1x16xi32>,
    %get3A_622 = arith.constant 3 : i32
    %get3A_623 = arith.index_cast %get3A_622 : i32 to index
    %get3A_624 = arith.constant 64 : index
    %get3A_625 = tpu.vector_load %arg5[%get3A_623, %get3A_624] {strides = array<i32>} : memref<128x200xi32, #tpu.memory_space<vmem>>, vector<1x16xi32>,
    %get3A_626 = vector.shape_cast %get3A_625 : vector<1x16xi32> to vector<16xi32>
    %max3A_627 = arith.constant 0 : i32
    %max3A_628 = vector.broadcast %max3A_627 : i32 to vector<16xi32>
    %max3A_629 = arith.maxsi %get3A_626, %max3A_628 : vector<16xi32>
    %swap3A_630 = arith.constant 3 : i32
    %swap3A_631 = arith.index_cast %swap3A_630 : i32 to index
    %swap3A_632 = arith.constant 64 : index
    %swap3A_633 = tpu.vector_load %arg5[%swap3A_631, %swap3A_632] {strides = array<i32>} : memref<128x200xi32, #tpu.memory_space<vmem>>, vector<1x16xi32>,
    %swap3A_634 = vector.shape_cast %swap3A_633 : vector<1x16xi32> to vector<16xi32>
    %swap3A_635 = vector.shape_cast %max3A_629 : vector<16xi32> to vector<1x16xi32>
    tpu.vector_store %arg5[%swap3A_631, %swap3A_632], %swap3A_635 {strides = array<i32>} : memref<128x200xi32, #tpu.memory_space<vmem>>, vector<1x16xi32>,
    %get3A_636 = arith.constant 3 : i32
    %get3A_637 = arith.index_cast %get3A_636 : i32 to index
    %get3A_638 = arith.constant 80 : index
    %get3A_639 = tpu.vector_load %arg5[%get3A_637, %get3A_638] {strides = array<i32>} : memref<128x200xi32, #tpu.memory_space<vmem>>, vector<1x16xi32>,
    %get3A_640 = vector.shape_cast %get3A_639 : vector<1x16xi32> to vector<16xi32>
    %max3A_641 = arith.constant 0 : i32
    %max3A_642 = vector.broadcast %max3A_641 : i32 to vector<16xi32>
    %max3A_643 = arith.maxsi %get3A_640, %max3A_642 : vector<16xi32>
    %swap3A_644 = arith.constant 3 : i32
    %swap3A_645 = arith.index_cast %swap3A_644 : i32 to index
    %swap3A_646 = arith.constant 80 : index
    %swap3A_647 = tpu.vector_load %arg5[%swap3A_645, %swap3A_646] {strides = array<i32>} : memref<128x200xi32, #tpu.memory_space<vmem>>, vector<1x16xi32>,
    %swap3A_648 = vector.shape_cast %swap3A_647 : vector<1x16xi32> to vector<16xi32>
    %swap3A_649 = vector.shape_cast %max3A_643 : vector<16xi32> to vector<1x16xi32>
    tpu.vector_store %arg5[%swap3A_645, %swap3A_646], %swap3A_649 {strides = array<i32>} : memref<128x200xi32, #tpu.memory_space<vmem>>, vector<1x16xi32>,
    %get3A_650 = arith.constant 3 : i32
    %get3A_651 = arith.index_cast %get3A_650 : i32 to index
    %get3A_652 = arith.constant 96 : index
    %get3A_653 = tpu.vector_load %arg5[%get3A_651, %get3A_652] {strides = array<i32>} : memref<128x200xi32, #tpu.memory_space<vmem>>, vector<1x16xi32>,
    %get3A_654 = vector.shape_cast %get3A_653 : vector<1x16xi32> to vector<16xi32>
    %max3A_655 = arith.constant 0 : i32
    %max3A_656 = vector.broadcast %max3A_655 : i32 to vector<16xi32>
    %max3A_657 = arith.maxsi %get3A_654, %max3A_656 : vector<16xi32>
    %swap3A_658 = arith.constant 3 : i32
    %swap3A_659 = arith.index_cast %swap3A_658 : i32 to index
    %swap3A_660 = arith.constant 96 : index
    %swap3A_661 = tpu.vector_load %arg5[%swap3A_659, %swap3A_660] {strides = array<i32>} : memref<128x200xi32, #tpu.memory_space<vmem>>, vector<1x16xi32>,
    %swap3A_662 = vector.shape_cast %swap3A_661 : vector<1x16xi32> to vector<16xi32>
    %swap3A_663 = vector.shape_cast %max3A_657 : vector<16xi32> to vector<1x16xi32>
    tpu.vector_store %arg5[%swap3A_659, %swap3A_660], %swap3A_663 {strides = array<i32>} : memref<128x200xi32, #tpu.memory_space<vmem>>, vector<1x16xi32>,
    %get3A_664 = arith.constant 3 : i32
    %get3A_665 = arith.index_cast %get3A_664 : i32 to index
    %get3A_666 = arith.constant 112 : index
    %get3A_667 = tpu.vector_load %arg5[%get3A_665, %get3A_666] {strides = array<i32>} : memref<128x200xi32, #tpu.memory_space<vmem>>, vector<1x16xi32>,
    %get3A_668 = vector.shape_cast %get3A_667 : vector<1x16xi32> to vector<16xi32>
    %max3A_669 = arith.constant 0 : i32
    %max3A_670 = vector.broadcast %max3A_669 : i32 to vector<16xi32>
    %max3A_671 = arith.maxsi %get3A_668, %max3A_670 : vector<16xi32>
    %swap3A_672 = arith.constant 3 : i32
    %swap3A_673 = arith.index_cast %swap3A_672 : i32 to index
    %swap3A_674 = arith.constant 112 : index
    %swap3A_675 = tpu.vector_load %arg5[%swap3A_673, %swap3A_674] {strides = array<i32>} : memref<128x200xi32, #tpu.memory_space<vmem>>, vector<1x16xi32>,
    %swap3A_676 = vector.shape_cast %swap3A_675 : vector<1x16xi32> to vector<16xi32>
    %swap3A_677 = vector.shape_cast %max3A_671 : vector<16xi32> to vector<1x16xi32>
    tpu.vector_store %arg5[%swap3A_673, %swap3A_674], %swap3A_677 {strides = array<i32>} : memref<128x200xi32, #tpu.memory_space<vmem>>, vector<1x16xi32>,
    %get3A_678 = arith.constant 3 : i32
    %get3A_679 = arith.index_cast %get3A_678 : i32 to index
    %get3A_680 = arith.constant 128 : index
    %get3A_681 = tpu.vector_load %arg5[%get3A_679, %get3A_680] {strides = array<i32>} : memref<128x200xi32, #tpu.memory_space<vmem>>, vector<1x16xi32>,
    %get3A_682 = vector.shape_cast %get3A_681 : vector<1x16xi32> to vector<16xi32>
    %max3A_683 = arith.constant 0 : i32
    %max3A_684 = vector.broadcast %max3A_683 : i32 to vector<16xi32>
    %max3A_685 = arith.maxsi %get3A_682, %max3A_684 : vector<16xi32>
    %swap3A_686 = arith.constant 3 : i32
    %swap3A_687 = arith.index_cast %swap3A_686 : i32 to index
    %swap3A_688 = arith.constant 128 : index
    %swap3A_689 = tpu.vector_load %arg5[%swap3A_687, %swap3A_688] {strides = array<i32>} : memref<128x200xi32, #tpu.memory_space<vmem>>, vector<1x16xi32>,
    %swap3A_690 = vector.shape_cast %swap3A_689 : vector<1x16xi32> to vector<16xi32>
    %swap3A_691 = vector.shape_cast %max3A_685 : vector<16xi32> to vector<1x16xi32>
    tpu.vector_store %arg5[%swap3A_687, %swap3A_688], %swap3A_691 {strides = array<i32>} : memref<128x200xi32, #tpu.memory_space<vmem>>, vector<1x16xi32>,
    %get3A_692 = arith.constant 3 : i32
    %get3A_693 = arith.index_cast %get3A_692 : i32 to index
    %get3A_694 = arith.constant 144 : index
    %get3A_695 = tpu.vector_load %arg5[%get3A_693, %get3A_694] {strides = array<i32>} : memref<128x200xi32, #tpu.memory_space<vmem>>, vector<1x16xi32>,
    %get3A_696 = vector.shape_cast %get3A_695 : vector<1x16xi32> to vector<16xi32>
    %max3A_697 = arith.constant 0 : i32
    %max3A_698 = vector.broadcast %max3A_697 : i32 to vector<16xi32>
    %max3A_699 = arith.maxsi %get3A_696, %max3A_698 : vector<16xi32>
    %swap3A_700 = arith.constant 3 : i32
    %swap3A_701 = arith.index_cast %swap3A_700 : i32 to index
    %swap3A_702 = arith.constant 144 : index
    %swap3A_703 = tpu.vector_load %arg5[%swap3A_701, %swap3A_702] {strides = array<i32>} : memref<128x200xi32, #tpu.memory_space<vmem>>, vector<1x16xi32>,
    %swap3A_704 = vector.shape_cast %swap3A_703 : vector<1x16xi32> to vector<16xi32>
    %swap3A_705 = vector.shape_cast %max3A_699 : vector<16xi32> to vector<1x16xi32>
    tpu.vector_store %arg5[%swap3A_701, %swap3A_702], %swap3A_705 {strides = array<i32>} : memref<128x200xi32, #tpu.memory_space<vmem>>, vector<1x16xi32>,
    %get3A_706 = arith.constant 3 : i32
    %get3A_707 = arith.index_cast %get3A_706 : i32 to index
    %get3A_708 = arith.constant 160 : index
    %get3A_709 = tpu.vector_load %arg5[%get3A_707, %get3A_708] {strides = array<i32>} : memref<128x200xi32, #tpu.memory_space<vmem>>, vector<1x16xi32>,
    %get3A_710 = vector.shape_cast %get3A_709 : vector<1x16xi32> to vector<16xi32>
    %max3A_711 = arith.constant 0 : i32
    %max3A_712 = vector.broadcast %max3A_711 : i32 to vector<16xi32>
    %max3A_713 = arith.maxsi %get3A_710, %max3A_712 : vector<16xi32>
    %swap3A_714 = arith.constant 3 : i32
    %swap3A_715 = arith.index_cast %swap3A_714 : i32 to index
    %swap3A_716 = arith.constant 160 : index
    %swap3A_717 = tpu.vector_load %arg5[%swap3A_715, %swap3A_716] {strides = array<i32>} : memref<128x200xi32, #tpu.memory_space<vmem>>, vector<1x16xi32>,
    %swap3A_718 = vector.shape_cast %swap3A_717 : vector<1x16xi32> to vector<16xi32>
    %swap3A_719 = vector.shape_cast %max3A_713 : vector<16xi32> to vector<1x16xi32>
    tpu.vector_store %arg5[%swap3A_715, %swap3A_716], %swap3A_719 {strides = array<i32>} : memref<128x200xi32, #tpu.memory_space<vmem>>, vector<1x16xi32>,
    %get3A_720 = arith.constant 3 : i32
    %get3A_721 = arith.index_cast %get3A_720 : i32 to index
    %get3A_722 = arith.constant 176 : index
    %get3A_723 = tpu.vector_load %arg5[%get3A_721, %get3A_722] {strides = array<i32>} : memref<128x200xi32, #tpu.memory_space<vmem>>, vector<1x16xi32>,
    %get3A_724 = vector.shape_cast %get3A_723 : vector<1x16xi32> to vector<16xi32>
    %max3A_725 = arith.constant 0 : i32
    %max3A_726 = vector.broadcast %max3A_725 : i32 to vector<16xi32>
    %max3A_727 = arith.maxsi %get3A_724, %max3A_726 : vector<16xi32>
    %swap3A_728 = arith.constant 3 : i32
    %swap3A_729 = arith.index_cast %swap3A_728 : i32 to index
    %swap3A_730 = arith.constant 176 : index
    %swap3A_731 = tpu.vector_load %arg5[%swap3A_729, %swap3A_730] {strides = array<i32>} : memref<128x200xi32, #tpu.memory_space<vmem>>, vector<1x16xi32>,
    %swap3A_732 = vector.shape_cast %swap3A_731 : vector<1x16xi32> to vector<16xi32>
    %swap3A_733 = vector.shape_cast %max3A_727 : vector<16xi32> to vector<1x16xi32>
    tpu.vector_store %arg5[%swap3A_729, %swap3A_730], %swap3A_733 {strides = array<i32>} : memref<128x200xi32, #tpu.memory_space<vmem>>, vector<1x16xi32>,
    %get3A_734 = arith.constant 3 : i32
    %get3A_735 = arith.index_cast %get3A_734 : i32 to index
    %get3A_736 = arith.constant 184 : index
    %get3A_737 = tpu.vector_load %arg5[%get3A_735, %get3A_736] {strides = array<i32>} : memref<128x200xi32, #tpu.memory_space<vmem>>, vector<1x16xi32>,
    %get3A_738 = vector.shape_cast %get3A_737 : vector<1x16xi32> to vector<16xi32>
    %max3A_739 = arith.constant 0 : i32
    %max3A_740 = vector.broadcast %max3A_739 : i32 to vector<16xi32>
    %max3A_741 = arith.maxsi %get3A_738, %max3A_740 : vector<16xi32>
    %swap3A_742 = arith.constant 3 : i32
    %swap3A_743 = arith.index_cast %swap3A_742 : i32 to index
    %swap3A_744 = arith.constant 184 : index
    %swap3A_745 = tpu.vector_load %arg5[%swap3A_743, %swap3A_744] {strides = array<i32>} : memref<128x200xi32, #tpu.memory_space<vmem>>, vector<1x16xi32>,
    %swap3A_746 = vector.shape_cast %swap3A_745 : vector<1x16xi32> to vector<16xi32>
    %swap3A_747 = vector.shape_cast %max3A_741 : vector<16xi32> to vector<1x16xi32>
    tpu.vector_store %arg5[%swap3A_743, %swap3A_744], %swap3A_747 {strides = array<i32>} : memref<128x200xi32, #tpu.memory_space<vmem>>, vector<1x16xi32>,
    %dma_start3A_748 = arith.constant 3 : i32
    %dma_start3A_749 = arith.constant 0 : i32
    %dma_start3A_750 = tpu.memref_slice %arg5[%dma_start3A_748, %dma_start3A_749] : memref<128x200xi32, #tpu.memory_space<vmem>> -> memref<1x200xi32, #tpu.memory_space<vmem>>
    %dma_start3A_751 = tpu.memref_squeeze %dma_start3A_750 : memref<1x200xi32, #tpu.memory_space<vmem>> -> memref<200xi32, #tpu.memory_space<vmem>>
    %dma_start3A_752 = arith.constant 0 : i32
    %dma_start3A_753 = arith.constant 0 : i32
    %dma_start3A_754 = tpu.memref_slice %arg3[%dma_start3A_752, %dma_start3A_753] : memref<1000000x64xf32, #tpu.memory_space<hbm>> -> memref<1000000x64xf32, #tpu.memory_space<hbm>>
    tpu.enqueue_indirect_dma source(%dma_start3A_754 : memref<1000000x64xf32, #tpu.memory_space<hbm>>) target(%arg9 : memref<200x64xf32, #tpu.memory_space<vmem>>) offsets(%dma_start3A_751 : memref<200xi32, #tpu.memory_space<vmem>>) semaphore(%arg13 : memref<!tpu.dma_semaphore, #tpu.memory_space<semaphore_mem>>)
    %scan3A = arith.constant 0 : i32
    %scan3A_755 = arith.constant 31 : i32
    %scan3A_756 = arith.addi %scan3A, %scan3A_755 : i32
    %scan3A_757 = arith.constant 1 : i32
    scf.for %scan3A_858 = %scan3A to %scan3A_756 step %scan3A_757  : i32 {
      %mul3A_859 = arith.constant 4 : i32
      %mul3A_860 = arith.muli %scan3A_858, %mul3A_859 : i32
      %add3A_861 = arith.constant 0 : i32
      %add3A_862 = arith.addi %add3A_861, %mul3A_860 : i32
      %add3A_863 = arith.constant 0 : i32
      %add3A_864 = arith.addi %add3A_862, %add3A_863 : i32
      %dma_wait3A_865 = arith.constant 0 : i32
      %dma_wait3A_866 = arith.constant 0 : i32
      %dma_wait3A_867 = tpu.memref_slice %arg5[%dma_wait3A_865, %dma_wait3A_866] : memref<128x200xi32, #tpu.memory_space<vmem>> -> memref<1x200xi32, #tpu.memory_space<vmem>>
      %dma_wait3A_868 = tpu.memref_squeeze %dma_wait3A_867 : memref<1x200xi32, #tpu.memory_space<vmem>> -> memref<200xi32, #tpu.memory_space<vmem>>
      %dma_wait3A_869 = arith.constant 0 : i32
      %dma_wait3A_870 = arith.constant 0 : i32
      %dma_wait3A_871 = tpu.memref_slice %arg3[%dma_wait3A_869, %dma_wait3A_870] : memref<1000000x64xf32, #tpu.memory_space<hbm>> -> memref<1000000x64xf32, #tpu.memory_space<hbm>>
      tpu.wait_indirect_dma semaphore(%arg10 : memref<!tpu.dma_semaphore, #tpu.memory_space<semaphore_mem>>) src(%dma_wait3A_871 : memref<1000000x64xf32, #tpu.memory_space<hbm>>) dst(%arg6 : memref<200x64xf32, #tpu.memory_space<vmem>>)
      %add3A_872 = arith.addi %mul3A_2, %add3A_864 : i32
      %dma_start3A_873 = arith.constant 0 : i32
      %dma_start3A_874 = arith.constant 0 : i32
      %dma_start3A_875 = tpu.memref_slice %arg4[%add3A_872, %dma_start3A_873, %dma_start3A_874] : memref<4096x200x64xf32, #tpu.memory_space<hbm>> -> memref<1x200x64xf32, #tpu.memory_space<hbm>>
      %dma_start3A_876 = tpu.memref_squeeze %dma_start3A_875 : memref<1x200x64xf32, #tpu.memory_space<hbm>> -> memref<200x64xf32, #tpu.memory_space<hbm>>
      %dma_start3A_877 = arith.constant 0 : i32
      %dma_start3A_878 = arith.constant 0 : i32
      %dma_start3A_879 = tpu.memref_slice %arg4[%add3A_872, %dma_start3A_877, %dma_start3A_878] : memref<4096x200x64xf32, #tpu.memory_space<hbm>> -> memref<1x200x64xf32, #tpu.memory_space<hbm>>
      %dma_start3A_880 = tpu.memref_squeeze %dma_start3A_879 : memref<1x200x64xf32, #tpu.memory_space<hbm>> -> memref<200x64xf32, #tpu.memory_space<hbm>>
      tpu.enqueue_dma source(%arg6 : memref<200x64xf32, #tpu.memory_space<vmem>>) target(%dma_start3A_880 : memref<200x64xf32, #tpu.memory_space<hbm>>) target_semaphore(%arg14 : memref<!tpu.dma_semaphore, #tpu.memory_space<semaphore_mem>>)
      %add3A_881 = arith.constant 4 : i32
      %add3A_882 = arith.addi %add3A_864, %add3A_881 : i32
      %get3A_883 = arith.index_cast %add3A_882 : i32 to index
      %get3A_884 = arith.constant 0 : index
      %get3A_885 = tpu.vector_load %arg5[%get3A_883, %get3A_884] {strides = array<i32>} : memref<128x200xi32, #tpu.memory_space<vmem>>, vector<1x16xi32>,
      %get3A_886 = vector.shape_cast %get3A_885 : vector<1x16xi32> to vector<16xi32>
      %max3A_887 = arith.constant 0 : i32
      %max3A_888 = vector.broadcast %max3A_887 : i32 to vector<16xi32>
      %max3A_889 = arith.maxsi %get3A_886, %max3A_888 : vector<16xi32>
      %swap3A_890 = arith.index_cast %add3A_882 : i32 to index
      %swap3A_891 = arith.constant 0 : index
      %swap3A_892 = tpu.vector_load %arg5[%swap3A_890, %swap3A_891] {strides = array<i32>} : memref<128x200xi32, #tpu.memory_space<vmem>>, vector<1x16xi32>,
      %swap3A_893 = vector.shape_cast %swap3A_892 : vector<1x16xi32> to vector<16xi32>
      %swap3A_894 = vector.shape_cast %max3A_889 : vector<16xi32> to vector<1x16xi32>
      tpu.vector_store %arg5[%swap3A_890, %swap3A_891], %swap3A_894 {strides = array<i32>} : memref<128x200xi32, #tpu.memory_space<vmem>>, vector<1x16xi32>,
      %get3A_895 = arith.index_cast %add3A_882 : i32 to index
      %get3A_896 = arith.constant 16 : index
      %get3A_897 = tpu.vector_load %arg5[%get3A_895, %get3A_896] {strides = array<i32>} : memref<128x200xi32, #tpu.memory_space<vmem>>, vector<1x16xi32>,
      %get3A_898 = vector.shape_cast %get3A_897 : vector<1x16xi32> to vector<16xi32>
      %max3A_899 = arith.constant 0 : i32
      %max3A_900 = vector.broadcast %max3A_899 : i32 to vector<16xi32>
      %max3A_901 = arith.maxsi %get3A_898, %max3A_900 : vector<16xi32>
      %swap3A_902 = arith.index_cast %add3A_882 : i32 to index
      %swap3A_903 = arith.constant 16 : index
      %swap3A_904 = tpu.vector_load %arg5[%swap3A_902, %swap3A_903] {strides = array<i32>} : memref<128x200xi32, #tpu.memory_space<vmem>>, vector<1x16xi32>,
      %swap3A_905 = vector.shape_cast %swap3A_904 : vector<1x16xi32> to vector<16xi32>
      %swap3A_906 = vector.shape_cast %max3A_901 : vector<16xi32> to vector<1x16xi32>
      tpu.vector_store %arg5[%swap3A_902, %swap3A_903], %swap3A_906 {strides = array<i32>} : memref<128x200xi32, #tpu.memory_space<vmem>>, vector<1x16xi32>,
      %get3A_907 = arith.index_cast %add3A_882 : i32 to index
      %get3A_908 = arith.constant 32 : index
      %get3A_909 = tpu.vector_load %arg5[%get3A_907, %get3A_908] {strides = array<i32>} : memref<128x200xi32, #tpu.memory_space<vmem>>, vector<1x16xi32>,
      %get3A_910 = vector.shape_cast %get3A_909 : vector<1x16xi32> to vector<16xi32>
      %max3A_911 = arith.constant 0 : i32
      %max3A_912 = vector.broadcast %max3A_911 : i32 to vector<16xi32>
      %max3A_913 = arith.maxsi %get3A_910, %max3A_912 : vector<16xi32>
      %swap3A_914 = arith.index_cast %add3A_882 : i32 to index
      %swap3A_915 = arith.constant 32 : index
      %swap3A_916 = tpu.vector_load %arg5[%swap3A_914, %swap3A_915] {strides = array<i32>} : memref<128x200xi32, #tpu.memory_space<vmem>>, vector<1x16xi32>,
      %swap3A_917 = vector.shape_cast %swap3A_916 : vector<1x16xi32> to vector<16xi32>
      %swap3A_918 = vector.shape_cast %max3A_913 : vector<16xi32> to vector<1x16xi32>
      tpu.vector_store %arg5[%swap3A_914, %swap3A_915], %swap3A_918 {strides = array<i32>} : memref<128x200xi32, #tpu.memory_space<vmem>>, vector<1x16xi32>,
      %get3A_919 = arith.index_cast %add3A_882 : i32 to index
      %get3A_920 = arith.constant 48 : index
      %get3A_921 = tpu.vector_load %arg5[%get3A_919, %get3A_920] {strides = array<i32>} : memref<128x200xi32, #tpu.memory_space<vmem>>, vector<1x16xi32>,
      %get3A_922 = vector.shape_cast %get3A_921 : vector<1x16xi32> to vector<16xi32>
      %max3A_923 = arith.constant 0 : i32
      %max3A_924 = vector.broadcast %max3A_923 : i32 to vector<16xi32>
      %max3A_925 = arith.maxsi %get3A_922, %max3A_924 : vector<16xi32>
      %swap3A_926 = arith.index_cast %add3A_882 : i32 to index
      %swap3A_927 = arith.constant 48 : index
      %swap3A_928 = tpu.vector_load %arg5[%swap3A_926, %swap3A_927] {strides = array<i32>} : memref<128x200xi32, #tpu.memory_space<vmem>>, vector<1x16xi32>,
      %swap3A_929 = vector.shape_cast %swap3A_928 : vector<1x16xi32> to vector<16xi32>
      %swap3A_930 = vector.shape_cast %max3A_925 : vector<16xi32> to vector<1x16xi32>
      tpu.vector_store %arg5[%swap3A_926, %swap3A_927], %swap3A_930 {strides = array<i32>} : memref<128x200xi32, #tpu.memory_space<vmem>>, vector<1x16xi32>,
      %get3A_931 = arith.index_cast %add3A_882 : i32 to index
      %get3A_932 = arith.constant 64 : index
      %get3A_933 = tpu.vector_load %arg5[%get3A_931, %get3A_932] {strides = array<i32>} : memref<128x200xi32, #tpu.memory_space<vmem>>, vector<1x16xi32>,
      %get3A_934 = vector.shape_cast %get3A_933 : vector<1x16xi32> to vector<16xi32>
      %max3A_935 = arith.constant 0 : i32
      %max3A_936 = vector.broadcast %max3A_935 : i32 to vector<16xi32>
      %max3A_937 = arith.maxsi %get3A_934, %max3A_936 : vector<16xi32>
      %swap3A_938 = arith.index_cast %add3A_882 : i32 to index
      %swap3A_939 = arith.constant 64 : index
      %swap3A_940 = tpu.vector_load %arg5[%swap3A_938, %swap3A_939] {strides = array<i32>} : memref<128x200xi32, #tpu.memory_space<vmem>>, vector<1x16xi32>,
      %swap3A_941 = vector.shape_cast %swap3A_940 : vector<1x16xi32> to vector<16xi32>
      %swap3A_942 = vector.shape_cast %max3A_937 : vector<16xi32> to vector<1x16xi32>
      tpu.vector_store %arg5[%swap3A_938, %swap3A_939], %swap3A_942 {strides = array<i32>} : memref<128x200xi32, #tpu.memory_space<vmem>>, vector<1x16xi32>,
      %get3A_943 = arith.index_cast %add3A_882 : i32 to index
      %get3A_944 = arith.constant 80 : index
      %get3A_945 = tpu.vector_load %arg5[%get3A_943, %get3A_944] {strides = array<i32>} : memref<128x200xi32, #tpu.memory_space<vmem>>, vector<1x16xi32>,
      %get3A_946 = vector.shape_cast %get3A_945 : vector<1x16xi32> to vector<16xi32>
      %max3A_947 = arith.constant 0 : i32
      %max3A_948 = vector.broadcast %max3A_947 : i32 to vector<16xi32>
      %max3A_949 = arith.maxsi %get3A_946, %max3A_948 : vector<16xi32>
      %swap3A_950 = arith.index_cast %add3A_882 : i32 to index
      %swap3A_951 = arith.constant 80 : index
      %swap3A_952 = tpu.vector_load %arg5[%swap3A_950, %swap3A_951] {strides = array<i32>} : memref<128x200xi32, #tpu.memory_space<vmem>>, vector<1x16xi32>,
      %swap3A_953 = vector.shape_cast %swap3A_952 : vector<1x16xi32> to vector<16xi32>
      %swap3A_954 = vector.shape_cast %max3A_949 : vector<16xi32> to vector<1x16xi32>
      tpu.vector_store %arg5[%swap3A_950, %swap3A_951], %swap3A_954 {strides = array<i32>} : memref<128x200xi32, #tpu.memory_space<vmem>>, vector<1x16xi32>,
      %get3A_955 = arith.index_cast %add3A_882 : i32 to index
      %get3A_956 = arith.constant 96 : index
      %get3A_957 = tpu.vector_load %arg5[%get3A_955, %get3A_956] {strides = array<i32>} : memref<128x200xi32, #tpu.memory_space<vmem>>, vector<1x16xi32>,
      %get3A_958 = vector.shape_cast %get3A_957 : vector<1x16xi32> to vector<16xi32>
      %max3A_959 = arith.constant 0 : i32
      %max3A_960 = vector.broadcast %max3A_959 : i32 to vector<16xi32>
      %max3A_961 = arith.maxsi %get3A_958, %max3A_960 : vector<16xi32>
      %swap3A_962 = arith.index_cast %add3A_882 : i32 to index
      %swap3A_963 = arith.constant 96 : index
      %swap3A_964 = tpu.vector_load %arg5[%swap3A_962, %swap3A_963] {strides = array<i32>} : memref<128x200xi32, #tpu.memory_space<vmem>>, vector<1x16xi32>,
      %swap3A_965 = vector.shape_cast %swap3A_964 : vector<1x16xi32> to vector<16xi32>
      %swap3A_966 = vector.shape_cast %max3A_961 : vector<16xi32> to vector<1x16xi32>
      tpu.vector_store %arg5[%swap3A_962, %swap3A_963], %swap3A_966 {strides = array<i32>} : memref<128x200xi32, #tpu.memory_space<vmem>>, vector<1x16xi32>,
      %get3A_967 = arith.index_cast %add3A_882 : i32 to index
      %get3A_968 = arith.constant 112 : index
      %get3A_969 = tpu.vector_load %arg5[%get3A_967, %get3A_968] {strides = array<i32>} : memref<128x200xi32, #tpu.memory_space<vmem>>, vector<1x16xi32>,
      %get3A_970 = vector.shape_cast %get3A_969 : vector<1x16xi32> to vector<16xi32>
      %max3A_971 = arith.constant 0 : i32
      %max3A_972 = vector.broadcast %max3A_971 : i32 to vector<16xi32>
      %max3A_973 = arith.maxsi %get3A_970, %max3A_972 : vector<16xi32>
      %swap3A_974 = arith.index_cast %add3A_882 : i32 to index
      %swap3A_975 = arith.constant 112 : index
      %swap3A_976 = tpu.vector_load %arg5[%swap3A_974, %swap3A_975] {strides = array<i32>} : memref<128x200xi32, #tpu.memory_space<vmem>>, vector<1x16xi32>,
      %swap3A_977 = vector.shape_cast %swap3A_976 : vector<1x16xi32> to vector<16xi32>
      %swap3A_978 = vector.shape_cast %max3A_973 : vector<16xi32> to vector<1x16xi32>
      tpu.vector_store %arg5[%swap3A_974, %swap3A_975], %swap3A_978 {strides = array<i32>} : memref<128x200xi32, #tpu.memory_space<vmem>>, vector<1x16xi32>,
      %get3A_979 = arith.index_cast %add3A_882 : i32 to index
      %get3A_980 = arith.constant 128 : index
      %get3A_981 = tpu.vector_load %arg5[%get3A_979, %get3A_980] {strides = array<i32>} : memref<128x200xi32, #tpu.memory_space<vmem>>, vector<1x16xi32>,
      %get3A_982 = vector.shape_cast %get3A_981 : vector<1x16xi32> to vector<16xi32>
      %max3A_983 = arith.constant 0 : i32
      %max3A_984 = vector.broadcast %max3A_983 : i32 to vector<16xi32>
      %max3A_985 = arith.maxsi %get3A_982, %max3A_984 : vector<16xi32>
      %swap3A_986 = arith.index_cast %add3A_882 : i32 to index
      %swap3A_987 = arith.constant 128 : index
      %swap3A_988 = tpu.vector_load %arg5[%swap3A_986, %swap3A_987] {strides = array<i32>} : memref<128x200xi32, #tpu.memory_space<vmem>>, vector<1x16xi32>,
      %swap3A_989 = vector.shape_cast %swap3A_988 : vector<1x16xi32> to vector<16xi32>
      %swap3A_990 = vector.shape_cast %max3A_985 : vector<16xi32> to vector<1x16xi32>
      tpu.vector_store %arg5[%swap3A_986, %swap3A_987], %swap3A_990 {strides = array<i32>} : memref<128x200xi32, #tpu.memory_space<vmem>>, vector<1x16xi32>,
      %get3A_991 = arith.index_cast %add3A_882 : i32 to index
      %get3A_992 = arith.constant 144 : index
      %get3A_993 = tpu.vector_load %arg5[%get3A_991, %get3A_992] {strides = array<i32>} : memref<128x200xi32, #tpu.memory_space<vmem>>, vector<1x16xi32>,
      %get3A_994 = vector.shape_cast %get3A_993 : vector<1x16xi32> to vector<16xi32>
      %max3A_995 = arith.constant 0 : i32
      %max3A_996 = vector.broadcast %max3A_995 : i32 to vector<16xi32>
      %max3A_997 = arith.maxsi %get3A_994, %max3A_996 : vector<16xi32>
      %swap3A_998 = arith.index_cast %add3A_882 : i32 to index
      %swap3A_999 = arith.constant 144 : index
      %swap3A_1000 = tpu.vector_load %arg5[%swap3A_998, %swap3A_999] {strides = array<i32>} : memref<128x200xi32, #tpu.memory_space<vmem>>, vector<1x16xi32>,
      %swap3A_1001 = vector.shape_cast %swap3A_1000 : vector<1x16xi32> to vector<16xi32>
      %swap3A_1002 = vector.shape_cast %max3A_997 : vector<16xi32> to vector<1x16xi32>
      tpu.vector_store %arg5[%swap3A_998, %swap3A_999], %swap3A_1002 {strides = array<i32>} : memref<128x200xi32, #tpu.memory_space<vmem>>, vector<1x16xi32>,
      %get3A_1003 = arith.index_cast %add3A_882 : i32 to index
      %get3A_1004 = arith.constant 160 : index
      %get3A_1005 = tpu.vector_load %arg5[%get3A_1003, %get3A_1004] {strides = array<i32>} : memref<128x200xi32, #tpu.memory_space<vmem>>, vector<1x16xi32>,
      %get3A_1006 = vector.shape_cast %get3A_1005 : vector<1x16xi32> to vector<16xi32>
      %max3A_1007 = arith.constant 0 : i32
      %max3A_1008 = vector.broadcast %max3A_1007 : i32 to vector<16xi32>
      %max3A_1009 = arith.maxsi %get3A_1006, %max3A_1008 : vector<16xi32>
      %swap3A_1010 = arith.index_cast %add3A_882 : i32 to index
      %swap3A_1011 = arith.constant 160 : index
      %swap3A_1012 = tpu.vector_load %arg5[%swap3A_1010, %swap3A_1011] {strides = array<i32>} : memref<128x200xi32, #tpu.memory_space<vmem>>, vector<1x16xi32>,
      %swap3A_1013 = vector.shape_cast %swap3A_1012 : vector<1x16xi32> to vector<16xi32>
      %swap3A_1014 = vector.shape_cast %max3A_1009 : vector<16xi32> to vector<1x16xi32>
      tpu.vector_store %arg5[%swap3A_1010, %swap3A_1011], %swap3A_1014 {strides = array<i32>} : memref<128x200xi32, #tpu.memory_space<vmem>>, vector<1x16xi32>,
      %get3A_1015 = arith.index_cast %add3A_882 : i32 to index
      %get3A_1016 = arith.constant 176 : index
      %get3A_1017 = tpu.vector_load %arg5[%get3A_1015, %get3A_1016] {strides = array<i32>} : memref<128x200xi32, #tpu.memory_space<vmem>>, vector<1x16xi32>,
      %get3A_1018 = vector.shape_cast %get3A_1017 : vector<1x16xi32> to vector<16xi32>
      %max3A_1019 = arith.constant 0 : i32
      %max3A_1020 = vector.broadcast %max3A_1019 : i32 to vector<16xi32>
      %max3A_1021 = arith.maxsi %get3A_1018, %max3A_1020 : vector<16xi32>
      %swap3A_1022 = arith.index_cast %add3A_882 : i32 to index
      %swap3A_1023 = arith.constant 176 : index
      %swap3A_1024 = tpu.vector_load %arg5[%swap3A_1022, %swap3A_1023] {strides = array<i32>} : memref<128x200xi32, #tpu.memory_space<vmem>>, vector<1x16xi32>,
      %swap3A_1025 = vector.shape_cast %swap3A_1024 : vector<1x16xi32> to vector<16xi32>
      %swap3A_1026 = vector.shape_cast %max3A_1021 : vector<16xi32> to vector<1x16xi32>
      tpu.vector_store %arg5[%swap3A_1022, %swap3A_1023], %swap3A_1026 {strides = array<i32>} : memref<128x200xi32, #tpu.memory_space<vmem>>, vector<1x16xi32>,
      %get3A_1027 = arith.index_cast %add3A_882 : i32 to index
      %get3A_1028 = arith.constant 184 : index
      %get3A_1029 = tpu.vector_load %arg5[%get3A_1027, %get3A_1028] {strides = array<i32>} : memref<128x200xi32, #tpu.memory_space<vmem>>, vector<1x16xi32>,
      %get3A_1030 = vector.shape_cast %get3A_1029 : vector<1x16xi32> to vector<16xi32>
      %max3A_1031 = arith.constant 0 : i32
      %max3A_1032 = vector.broadcast %max3A_1031 : i32 to vector<16xi32>
      %max3A_1033 = arith.maxsi %get3A_1030, %max3A_1032 : vector<16xi32>
      %swap3A_1034 = arith.index_cast %add3A_882 : i32 to index
      %swap3A_1035 = arith.constant 184 : index
      %swap3A_1036 = tpu.vector_load %arg5[%swap3A_1034, %swap3A_1035] {strides = array<i32>} : memref<128x200xi32, #tpu.memory_space<vmem>>, vector<1x16xi32>,
      %swap3A_1037 = vector.shape_cast %swap3A_1036 : vector<1x16xi32> to vector<16xi32>
      %swap3A_1038 = vector.shape_cast %max3A_1033 : vector<16xi32> to vector<1x16xi32>
      tpu.vector_store %arg5[%swap3A_1034, %swap3A_1035], %swap3A_1038 {strides = array<i32>} : memref<128x200xi32, #tpu.memory_space<vmem>>, vector<1x16xi32>,
      %dma_wait3A_1039 = arith.constant 0 : i32
      %dma_wait3A_1040 = arith.constant 0 : i32
      %dma_wait3A_1041 = tpu.memref_slice %arg4[%mul3A_2, %dma_wait3A_1039, %dma_wait3A_1040] : memref<4096x200x64xf32, #tpu.memory_space<hbm>> -> memref<1x200x64xf32, #tpu.memory_space<hbm>>
      %dma_wait3A_1042 = tpu.memref_squeeze %dma_wait3A_1041 : memref<1x200x64xf32, #tpu.memory_space<hbm>> -> memref<200x64xf32, #tpu.memory_space<hbm>>
      %dma_wait3A_1043 = arith.constant 0 : i32
      %dma_wait3A_1044 = arith.constant 0 : i32
      %dma_wait3A_1045 = tpu.memref_slice %arg4[%mul3A_2, %dma_wait3A_1043, %dma_wait3A_1044] : memref<4096x200x64xf32, #tpu.memory_space<hbm>> -> memref<1x200x64xf32, #tpu.memory_space<hbm>>
      %dma_wait3A_1046 = tpu.memref_squeeze %dma_wait3A_1045 : memref<1x200x64xf32, #tpu.memory_space<hbm>> -> memref<200x64xf32, #tpu.memory_space<hbm>>
      tpu.wait_dma2 semaphore(%arg14 : memref<!tpu.dma_semaphore, #tpu.memory_space<semaphore_mem>>) src(%arg6 : memref<200x64xf32, #tpu.memory_space<vmem>>) dst(%dma_wait3A_1046 : memref<200x64xf32, #tpu.memory_space<hbm>>)
      %add3A_1047 = arith.constant 4 : i32
      %add3A_1048 = arith.addi %add3A_864, %add3A_1047 : i32
      %dma_start3A_1049 = arith.constant 0 : i32
      %dma_start3A_1050 = tpu.memref_slice %arg5[%add3A_1048, %dma_start3A_1049] : memref<128x200xi32, #tpu.memory_space<vmem>> -> memref<1x200xi32, #tpu.memory_space<vmem>>
      %dma_start3A_1051 = tpu.memref_squeeze %dma_start3A_1050 : memref<1x200xi32, #tpu.memory_space<vmem>> -> memref<200xi32, #tpu.memory_space<vmem>>
      %dma_start3A_1052 = arith.constant 0 : i32
      %dma_start3A_1053 = arith.constant 0 : i32
      %dma_start3A_1054 = tpu.memref_slice %arg3[%dma_start3A_1052, %dma_start3A_1053] : memref<1000000x64xf32, #tpu.memory_space<hbm>> -> memref<1000000x64xf32, #tpu.memory_space<hbm>>
      tpu.enqueue_indirect_dma source(%dma_start3A_1054 : memref<1000000x64xf32, #tpu.memory_space<hbm>>) target(%arg6 : memref<200x64xf32, #tpu.memory_space<vmem>>) offsets(%dma_start3A_1051 : memref<200xi32, #tpu.memory_space<vmem>>) semaphore(%arg10 : memref<!tpu.dma_semaphore, #tpu.memory_space<semaphore_mem>>)
      %add3A_1055 = arith.constant 1 : i32
      %add3A_1056 = arith.addi %add3A_862, %add3A_1055 : i32
      %dma_wait3A_1057 = arith.constant 0 : i32
      %dma_wait3A_1058 = arith.constant 0 : i32
      %dma_wait3A_1059 = tpu.memref_slice %arg5[%dma_wait3A_1057, %dma_wait3A_1058] : memref<128x200xi32, #tpu.memory_space<vmem>> -> memref<1x200xi32, #tpu.memory_space<vmem>>
      %dma_wait3A_1060 = tpu.memref_squeeze %dma_wait3A_1059 : memref<1x200xi32, #tpu.memory_space<vmem>> -> memref<200xi32, #tpu.memory_space<vmem>>
      %dma_wait3A_1061 = arith.constant 0 : i32
      %dma_wait3A_1062 = arith.constant 0 : i32
      %dma_wait3A_1063 = tpu.memref_slice %arg3[%dma_wait3A_1061, %dma_wait3A_1062] : memref<1000000x64xf32, #tpu.memory_space<hbm>> -> memref<1000000x64xf32, #tpu.memory_space<hbm>>
      tpu.wait_indirect_dma semaphore(%arg11 : memref<!tpu.dma_semaphore, #tpu.memory_space<semaphore_mem>>) src(%dma_wait3A_1063 : memref<1000000x64xf32, #tpu.memory_space<hbm>>) dst(%arg7 : memref<200x64xf32, #tpu.memory_space<vmem>>)
      %add3A_1064 = arith.addi %mul3A_2, %add3A_1056 : i32
      %dma_start3A_1065 = arith.constant 0 : i32
      %dma_start3A_1066 = arith.constant 0 : i32
      %dma_start3A_1067 = tpu.memref_slice %arg4[%add3A_1064, %dma_start3A_1065, %dma_start3A_1066] : memref<4096x200x64xf32, #tpu.memory_space<hbm>> -> memref<1x200x64xf32, #tpu.memory_space<hbm>>
      %dma_start3A_1068 = tpu.memref_squeeze %dma_start3A_1067 : memref<1x200x64xf32, #tpu.memory_space<hbm>> -> memref<200x64xf32, #tpu.memory_space<hbm>>
      %dma_start3A_1069 = arith.constant 0 : i32
      %dma_start3A_1070 = arith.constant 0 : i32
      %dma_start3A_1071 = tpu.memref_slice %arg4[%add3A_1064, %dma_start3A_1069, %dma_start3A_1070] : memref<4096x200x64xf32, #tpu.memory_space<hbm>> -> memref<1x200x64xf32, #tpu.memory_space<hbm>>
      %dma_start3A_1072 = tpu.memref_squeeze %dma_start3A_1071 : memref<1x200x64xf32, #tpu.memory_space<hbm>> -> memref<200x64xf32, #tpu.memory_space<hbm>>
      tpu.enqueue_dma source(%arg7 : memref<200x64xf32, #tpu.memory_space<vmem>>) target(%dma_start3A_1072 : memref<200x64xf32, #tpu.memory_space<hbm>>) target_semaphore(%arg15 : memref<!tpu.dma_semaphore, #tpu.memory_space<semaphore_mem>>)
      %add3A_1073 = arith.constant 4 : i32
      %add3A_1074 = arith.addi %add3A_1056, %add3A_1073 : i32
      %get3A_1075 = arith.index_cast %add3A_1074 : i32 to index
      %get3A_1076 = arith.constant 0 : index
      %get3A_1077 = tpu.vector_load %arg5[%get3A_1075, %get3A_1076] {strides = array<i32>} : memref<128x200xi32, #tpu.memory_space<vmem>>, vector<1x16xi32>,
      %get3A_1078 = vector.shape_cast %get3A_1077 : vector<1x16xi32> to vector<16xi32>
      %max3A_1079 = arith.constant 0 : i32
      %max3A_1080 = vector.broadcast %max3A_1079 : i32 to vector<16xi32>
      %max3A_1081 = arith.maxsi %get3A_1078, %max3A_1080 : vector<16xi32>
      %swap3A_1082 = arith.index_cast %add3A_1074 : i32 to index
      %swap3A_1083 = arith.constant 0 : index
      %swap3A_1084 = tpu.vector_load %arg5[%swap3A_1082, %swap3A_1083] {strides = array<i32>} : memref<128x200xi32, #tpu.memory_space<vmem>>, vector<1x16xi32>,
      %swap3A_1085 = vector.shape_cast %swap3A_1084 : vector<1x16xi32> to vector<16xi32>
      %swap3A_1086 = vector.shape_cast %max3A_1081 : vector<16xi32> to vector<1x16xi32>
      tpu.vector_store %arg5[%swap3A_1082, %swap3A_1083], %swap3A_1086 {strides = array<i32>} : memref<128x200xi32, #tpu.memory_space<vmem>>, vector<1x16xi32>,
      %get3A_1087 = arith.index_cast %add3A_1074 : i32 to index
      %get3A_1088 = arith.constant 16 : index
      %get3A_1089 = tpu.vector_load %arg5[%get3A_1087, %get3A_1088] {strides = array<i32>} : memref<128x200xi32, #tpu.memory_space<vmem>>, vector<1x16xi32>,
      %get3A_1090 = vector.shape_cast %get3A_1089 : vector<1x16xi32> to vector<16xi32>
      %max3A_1091 = arith.constant 0 : i32
      %max3A_1092 = vector.broadcast %max3A_1091 : i32 to vector<16xi32>
      %max3A_1093 = arith.maxsi %get3A_1090, %max3A_1092 : vector<16xi32>
      %swap3A_1094 = arith.index_cast %add3A_1074 : i32 to index
      %swap3A_1095 = arith.constant 16 : index
      %swap3A_1096 = tpu.vector_load %arg5[%swap3A_1094, %swap3A_1095] {strides = array<i32>} : memref<128x200xi32, #tpu.memory_space<vmem>>, vector<1x16xi32>,
      %swap3A_1097 = vector.shape_cast %swap3A_1096 : vector<1x16xi32> to vector<16xi32>
      %swap3A_1098 = vector.shape_cast %max3A_1093 : vector<16xi32> to vector<1x16xi32>
      tpu.vector_store %arg5[%swap3A_1094, %swap3A_1095], %swap3A_1098 {strides = array<i32>} : memref<128x200xi32, #tpu.memory_space<vmem>>, vector<1x16xi32>,
      %get3A_1099 = arith.index_cast %add3A_1074 : i32 to index
      %get3A_1100 = arith.constant 32 : index
      %get3A_1101 = tpu.vector_load %arg5[%get3A_1099, %get3A_1100] {strides = array<i32>} : memref<128x200xi32, #tpu.memory_space<vmem>>, vector<1x16xi32>,
      %get3A_1102 = vector.shape_cast %get3A_1101 : vector<1x16xi32> to vector<16xi32>
      %max3A_1103 = arith.constant 0 : i32
      %max3A_1104 = vector.broadcast %max3A_1103 : i32 to vector<16xi32>
      %max3A_1105 = arith.maxsi %get3A_1102, %max3A_1104 : vector<16xi32>
      %swap3A_1106 = arith.index_cast %add3A_1074 : i32 to index
      %swap3A_1107 = arith.constant 32 : index
      %swap3A_1108 = tpu.vector_load %arg5[%swap3A_1106, %swap3A_1107] {strides = array<i32>} : memref<128x200xi32, #tpu.memory_space<vmem>>, vector<1x16xi32>,
      %swap3A_1109 = vector.shape_cast %swap3A_1108 : vector<1x16xi32> to vector<16xi32>
      %swap3A_1110 = vector.shape_cast %max3A_1105 : vector<16xi32> to vector<1x16xi32>
      tpu.vector_store %arg5[%swap3A_1106, %swap3A_1107], %swap3A_1110 {strides = array<i32>} : memref<128x200xi32, #tpu.memory_space<vmem>>, vector<1x16xi32>,
      %get3A_1111 = arith.index_cast %add3A_1074 : i32 to index
      %get3A_1112 = arith.constant 48 : index
      %get3A_1113 = tpu.vector_load %arg5[%get3A_1111, %get3A_1112] {strides = array<i32>} : memref<128x200xi32, #tpu.memory_space<vmem>>, vector<1x16xi32>,
      %get3A_1114 = vector.shape_cast %get3A_1113 : vector<1x16xi32> to vector<16xi32>
      %max3A_1115 = arith.constant 0 : i32
      %max3A_1116 = vector.broadcast %max3A_1115 : i32 to vector<16xi32>
      %max3A_1117 = arith.maxsi %get3A_1114, %max3A_1116 : vector<16xi32>
      %swap3A_1118 = arith.index_cast %add3A_1074 : i32 to index
      %swap3A_1119 = arith.constant 48 : index
      %swap3A_1120 = tpu.vector_load %arg5[%swap3A_1118, %swap3A_1119] {strides = array<i32>} : memref<128x200xi32, #tpu.memory_space<vmem>>, vector<1x16xi32>,
      %swap3A_1121 = vector.shape_cast %swap3A_1120 : vector<1x16xi32> to vector<16xi32>
      %swap3A_1122 = vector.shape_cast %max3A_1117 : vector<16xi32> to vector<1x16xi32>
      tpu.vector_store %arg5[%swap3A_1118, %swap3A_1119], %swap3A_1122 {strides = array<i32>} : memref<128x200xi32, #tpu.memory_space<vmem>>, vector<1x16xi32>,
      %get3A_1123 = arith.index_cast %add3A_1074 : i32 to index
      %get3A_1124 = arith.constant 64 : index
      %get3A_1125 = tpu.vector_load %arg5[%get3A_1123, %get3A_1124] {strides = array<i32>} : memref<128x200xi32, #tpu.memory_space<vmem>>, vector<1x16xi32>,
      %get3A_1126 = vector.shape_cast %get3A_1125 : vector<1x16xi32> to vector<16xi32>
      %max3A_1127 = arith.constant 0 : i32
      %max3A_1128 = vector.broadcast %max3A_1127 : i32 to vector<16xi32>
      %max3A_1129 = arith.maxsi %get3A_1126, %max3A_1128 : vector<16xi32>
      %swap3A_1130 = arith.index_cast %add3A_1074 : i32 to index
      %swap3A_1131 = arith.constant 64 : index
      %swap3A_1132 = tpu.vector_load %arg5[%swap3A_1130, %swap3A_1131] {strides = array<i32>} : memref<128x200xi32, #tpu.memory_space<vmem>>, vector<1x16xi32>,
      %swap3A_1133 = vector.shape_cast %swap3A_1132 : vector<1x16xi32> to vector<16xi32>
      %swap3A_1134 = vector.shape_cast %max3A_1129 : vector<16xi32> to vector<1x16xi32>
      tpu.vector_store %arg5[%swap3A_1130, %swap3A_1131], %swap3A_1134 {strides = array<i32>} : memref<128x200xi32, #tpu.memory_space<vmem>>, vector<1x16xi32>,
      %get3A_1135 = arith.index_cast %add3A_1074 : i32 to index
      %get3A_1136 = arith.constant 80 : index
      %get3A_1137 = tpu.vector_load %arg5[%get3A_1135, %get3A_1136] {strides = array<i32>} : memref<128x200xi32, #tpu.memory_space<vmem>>, vector<1x16xi32>,
      %get3A_1138 = vector.shape_cast %get3A_1137 : vector<1x16xi32> to vector<16xi32>
      %max3A_1139 = arith.constant 0 : i32
      %max3A_1140 = vector.broadcast %max3A_1139 : i32 to vector<16xi32>
      %max3A_1141 = arith.maxsi %get3A_1138, %max3A_1140 : vector<16xi32>
      %swap3A_1142 = arith.index_cast %add3A_1074 : i32 to index
      %swap3A_1143 = arith.constant 80 : index
      %swap3A_1144 = tpu.vector_load %arg5[%swap3A_1142, %swap3A_1143] {strides = array<i32>} : memref<128x200xi32, #tpu.memory_space<vmem>>, vector<1x16xi32>,
      %swap3A_1145 = vector.shape_cast %swap3A_1144 : vector<1x16xi32> to vector<16xi32>
      %swap3A_1146 = vector.shape_cast %max3A_1141 : vector<16xi32> to vector<1x16xi32>
      tpu.vector_store %arg5[%swap3A_1142, %swap3A_1143], %swap3A_1146 {strides = array<i32>} : memref<128x200xi32, #tpu.memory_space<vmem>>, vector<1x16xi32>,
      %get3A_1147 = arith.index_cast %add3A_1074 : i32 to index
      %get3A_1148 = arith.constant 96 : index
      %get3A_1149 = tpu.vector_load %arg5[%get3A_1147, %get3A_1148] {strides = array<i32>} : memref<128x200xi32, #tpu.memory_space<vmem>>, vector<1x16xi32>,
      %get3A_1150 = vector.shape_cast %get3A_1149 : vector<1x16xi32> to vector<16xi32>
      %max3A_1151 = arith.constant 0 : i32
      %max3A_1152 = vector.broadcast %max3A_1151 : i32 to vector<16xi32>
      %max3A_1153 = arith.maxsi %get3A_1150, %max3A_1152 : vector<16xi32>
      %swap3A_1154 = arith.index_cast %add3A_1074 : i32 to index
      %swap3A_1155 = arith.constant 96 : index
      %swap3A_1156 = tpu.vector_load %arg5[%swap3A_1154, %swap3A_1155] {strides = array<i32>} : memref<128x200xi32, #tpu.memory_space<vmem>>, vector<1x16xi32>,
      %swap3A_1157 = vector.shape_cast %swap3A_1156 : vector<1x16xi32> to vector<16xi32>
      %swap3A_1158 = vector.shape_cast %max3A_1153 : vector<16xi32> to vector<1x16xi32>
      tpu.vector_store %arg5[%swap3A_1154, %swap3A_1155], %swap3A_1158 {strides = array<i32>} : memref<128x200xi32, #tpu.memory_space<vmem>>, vector<1x16xi32>,
      %get3A_1159 = arith.index_cast %add3A_1074 : i32 to index
      %get3A_1160 = arith.constant 112 : index
      %get3A_1161 = tpu.vector_load %arg5[%get3A_1159, %get3A_1160] {strides = array<i32>} : memref<128x200xi32, #tpu.memory_space<vmem>>, vector<1x16xi32>,
      %get3A_1162 = vector.shape_cast %get3A_1161 : vector<1x16xi32> to vector<16xi32>
      %max3A_1163 = arith.constant 0 : i32
      %max3A_1164 = vector.broadcast %max3A_1163 : i32 to vector<16xi32>
      %max3A_1165 = arith.maxsi %get3A_1162, %max3A_1164 : vector<16xi32>
      %swap3A_1166 = arith.index_cast %add3A_1074 : i32 to index
      %swap3A_1167 = arith.constant 112 : index
      %swap3A_1168 = tpu.vector_load %arg5[%swap3A_1166, %swap3A_1167] {strides = array<i32>} : memref<128x200xi32, #tpu.memory_space<vmem>>, vector<1x16xi32>,
      %swap3A_1169 = vector.shape_cast %swap3A_1168 : vector<1x16xi32> to vector<16xi32>
      %swap3A_1170 = vector.shape_cast %max3A_1165 : vector<16xi32> to vector<1x16xi32>
      tpu.vector_store %arg5[%swap3A_1166, %swap3A_1167], %swap3A_1170 {strides = array<i32>} : memref<128x200xi32, #tpu.memory_space<vmem>>, vector<1x16xi32>,
      %get3A_1171 = arith.index_cast %add3A_1074 : i32 to index
      %get3A_1172 = arith.constant 128 : index
      %get3A_1173 = tpu.vector_load %arg5[%get3A_1171, %get3A_1172] {strides = array<i32>} : memref<128x200xi32, #tpu.memory_space<vmem>>, vector<1x16xi32>,
      %get3A_1174 = vector.shape_cast %get3A_1173 : vector<1x16xi32> to vector<16xi32>
      %max3A_1175 = arith.constant 0 : i32
      %max3A_1176 = vector.broadcast %max3A_1175 : i32 to vector<16xi32>
      %max3A_1177 = arith.maxsi %get3A_1174, %max3A_1176 : vector<16xi32>
      %swap3A_1178 = arith.index_cast %add3A_1074 : i32 to index
      %swap3A_1179 = arith.constant 128 : index
      %swap3A_1180 = tpu.vector_load %arg5[%swap3A_1178, %swap3A_1179] {strides = array<i32>} : memref<128x200xi32, #tpu.memory_space<vmem>>, vector<1x16xi32>,
      %swap3A_1181 = vector.shape_cast %swap3A_1180 : vector<1x16xi32> to vector<16xi32>
      %swap3A_1182 = vector.shape_cast %max3A_1177 : vector<16xi32> to vector<1x16xi32>
      tpu.vector_store %arg5[%swap3A_1178, %swap3A_1179], %swap3A_1182 {strides = array<i32>} : memref<128x200xi32, #tpu.memory_space<vmem>>, vector<1x16xi32>,
      %get3A_1183 = arith.index_cast %add3A_1074 : i32 to index
      %get3A_1184 = arith.constant 144 : index
      %get3A_1185 = tpu.vector_load %arg5[%get3A_1183, %get3A_1184] {strides = array<i32>} : memref<128x200xi32, #tpu.memory_space<vmem>>, vector<1x16xi32>,
      %get3A_1186 = vector.shape_cast %get3A_1185 : vector<1x16xi32> to vector<16xi32>
      %max3A_1187 = arith.constant 0 : i32
      %max3A_1188 = vector.broadcast %max3A_1187 : i32 to vector<16xi32>
      %max3A_1189 = arith.maxsi %get3A_1186, %max3A_1188 : vector<16xi32>
      %swap3A_1190 = arith.index_cast %add3A_1074 : i32 to index
      %swap3A_1191 = arith.constant 144 : index
      %swap3A_1192 = tpu.vector_load %arg5[%swap3A_1190, %swap3A_1191] {strides = array<i32>} : memref<128x200xi32, #tpu.memory_space<vmem>>, vector<1x16xi32>,
      %swap3A_1193 = vector.shape_cast %swap3A_1192 : vector<1x16xi32> to vector<16xi32>
      %swap3A_1194 = vector.shape_cast %max3A_1189 : vector<16xi32> to vector<1x16xi32>
      tpu.vector_store %arg5[%swap3A_1190, %swap3A_1191], %swap3A_1194 {strides = array<i32>} : memref<128x200xi32, #tpu.memory_space<vmem>>, vector<1x16xi32>,
      %get3A_1195 = arith.index_cast %add3A_1074 : i32 to index
      %get3A_1196 = arith.constant 160 : index
      %get3A_1197 = tpu.vector_load %arg5[%get3A_1195, %get3A_1196] {strides = array<i32>} : memref<128x200xi32, #tpu.memory_space<vmem>>, vector<1x16xi32>,
      %get3A_1198 = vector.shape_cast %get3A_1197 : vector<1x16xi32> to vector<16xi32>
      %max3A_1199 = arith.constant 0 : i32
      %max3A_1200 = vector.broadcast %max3A_1199 : i32 to vector<16xi32>
      %max3A_1201 = arith.maxsi %get3A_1198, %max3A_1200 : vector<16xi32>
      %swap3A_1202 = arith.index_cast %add3A_1074 : i32 to index
      %swap3A_1203 = arith.constant 160 : index
      %swap3A_1204 = tpu.vector_load %arg5[%swap3A_1202, %swap3A_1203] {strides = array<i32>} : memref<128x200xi32, #tpu.memory_space<vmem>>, vector<1x16xi32>,
      %swap3A_1205 = vector.shape_cast %swap3A_1204 : vector<1x16xi32> to vector<16xi32>
      %swap3A_1206 = vector.shape_cast %max3A_1201 : vector<16xi32> to vector<1x16xi32>
      tpu.vector_store %arg5[%swap3A_1202, %swap3A_1203], %swap3A_1206 {strides = array<i32>} : memref<128x200xi32, #tpu.memory_space<vmem>>, vector<1x16xi32>,
      %get3A_1207 = arith.index_cast %add3A_1074 : i32 to index
      %get3A_1208 = arith.constant 176 : index
      %get3A_1209 = tpu.vector_load %arg5[%get3A_1207, %get3A_1208] {strides = array<i32>} : memref<128x200xi32, #tpu.memory_space<vmem>>, vector<1x16xi32>,
      %get3A_1210 = vector.shape_cast %get3A_1209 : vector<1x16xi32> to vector<16xi32>
      %max3A_1211 = arith.constant 0 : i32
      %max3A_1212 = vector.broadcast %max3A_1211 : i32 to vector<16xi32>
      %max3A_1213 = arith.maxsi %get3A_1210, %max3A_1212 : vector<16xi32>
      %swap3A_1214 = arith.index_cast %add3A_1074 : i32 to index
      %swap3A_1215 = arith.constant 176 : index
      %swap3A_1216 = tpu.vector_load %arg5[%swap3A_1214, %swap3A_1215] {strides = array<i32>} : memref<128x200xi32, #tpu.memory_space<vmem>>, vector<1x16xi32>,
      %swap3A_1217 = vector.shape_cast %swap3A_1216 : vector<1x16xi32> to vector<16xi32>
      %swap3A_1218 = vector.shape_cast %max3A_1213 : vector<16xi32> to vector<1x16xi32>
      tpu.vector_store %arg5[%swap3A_1214, %swap3A_1215], %swap3A_1218 {strides = array<i32>} : memref<128x200xi32, #tpu.memory_space<vmem>>, vector<1x16xi32>,
      %get3A_1219 = arith.index_cast %add3A_1074 : i32 to index
      %get3A_1220 = arith.constant 184 : index
      %get3A_1221 = tpu.vector_load %arg5[%get3A_1219, %get3A_1220] {strides = array<i32>} : memref<128x200xi32, #tpu.memory_space<vmem>>, vector<1x16xi32>,
      %get3A_1222 = vector.shape_cast %get3A_1221 : vector<1x16xi32> to vector<16xi32>
      %max3A_1223 = arith.constant 0 : i32
      %max3A_1224 = vector.broadcast %max3A_1223 : i32 to vector<16xi32>
      %max3A_1225 = arith.maxsi %get3A_1222, %max3A_1224 : vector<16xi32>
      %swap3A_1226 = arith.index_cast %add3A_1074 : i32 to index
      %swap3A_1227 = arith.constant 184 : index
      %swap3A_1228 = tpu.vector_load %arg5[%swap3A_1226, %swap3A_1227] {strides = array<i32>} : memref<128x200xi32, #tpu.memory_space<vmem>>, vector<1x16xi32>,
      %swap3A_1229 = vector.shape_cast %swap3A_1228 : vector<1x16xi32> to vector<16xi32>
      %swap3A_1230 = vector.shape_cast %max3A_1225 : vector<16xi32> to vector<1x16xi32>
      tpu.vector_store %arg5[%swap3A_1226, %swap3A_1227], %swap3A_1230 {strides = array<i32>} : memref<128x200xi32, #tpu.memory_space<vmem>>, vector<1x16xi32>,
      %dma_wait3A_1231 = arith.constant 0 : i32
      %dma_wait3A_1232 = arith.constant 0 : i32
      %dma_wait3A_1233 = tpu.memref_slice %arg4[%mul3A_2, %dma_wait3A_1231, %dma_wait3A_1232] : memref<4096x200x64xf32, #tpu.memory_space<hbm>> -> memref<1x200x64xf32, #tpu.memory_space<hbm>>
      %dma_wait3A_1234 = tpu.memref_squeeze %dma_wait3A_1233 : memref<1x200x64xf32, #tpu.memory_space<hbm>> -> memref<200x64xf32, #tpu.memory_space<hbm>>
      %dma_wait3A_1235 = arith.constant 0 : i32
      %dma_wait3A_1236 = arith.constant 0 : i32
      %dma_wait3A_1237 = tpu.memref_slice %arg4[%mul3A_2, %dma_wait3A_1235, %dma_wait3A_1236] : memref<4096x200x64xf32, #tpu.memory_space<hbm>> -> memref<1x200x64xf32, #tpu.memory_space<hbm>>
      %dma_wait3A_1238 = tpu.memref_squeeze %dma_wait3A_1237 : memref<1x200x64xf32, #tpu.memory_space<hbm>> -> memref<200x64xf32, #tpu.memory_space<hbm>>
      tpu.wait_dma2 semaphore(%arg15 : memref<!tpu.dma_semaphore, #tpu.memory_space<semaphore_mem>>) src(%arg7 : memref<200x64xf32, #tpu.memory_space<vmem>>) dst(%dma_wait3A_1238 : memref<200x64xf32, #tpu.memory_space<hbm>>)
      %add3A_1239 = arith.constant 4 : i32
      %add3A_1240 = arith.addi %add3A_1056, %add3A_1239 : i32
      %dma_start3A_1241 = arith.constant 0 : i32
      %dma_start3A_1242 = tpu.memref_slice %arg5[%add3A_1240, %dma_start3A_1241] : memref<128x200xi32, #tpu.memory_space<vmem>> -> memref<1x200xi32, #tpu.memory_space<vmem>>
      %dma_start3A_1243 = tpu.memref_squeeze %dma_start3A_1242 : memref<1x200xi32, #tpu.memory_space<vmem>> -> memref<200xi32, #tpu.memory_space<vmem>>
      %dma_start3A_1244 = arith.constant 0 : i32
      %dma_start3A_1245 = arith.constant 0 : i32
      %dma_start3A_1246 = tpu.memref_slice %arg3[%dma_start3A_1244, %dma_start3A_1245] : memref<1000000x64xf32, #tpu.memory_space<hbm>> -> memref<1000000x64xf32, #tpu.memory_space<hbm>>
      tpu.enqueue_indirect_dma source(%dma_start3A_1246 : memref<1000000x64xf32, #tpu.memory_space<hbm>>) target(%arg7 : memref<200x64xf32, #tpu.memory_space<vmem>>) offsets(%dma_start3A_1243 : memref<200xi32, #tpu.memory_space<vmem>>) semaphore(%arg11 : memref<!tpu.dma_semaphore, #tpu.memory_space<semaphore_mem>>)
      %add3A_1247 = arith.constant 2 : i32
      %add3A_1248 = arith.addi %add3A_862, %add3A_1247 : i32
      %dma_wait3A_1249 = arith.constant 0 : i32
      %dma_wait3A_1250 = arith.constant 0 : i32
      %dma_wait3A_1251 = tpu.memref_slice %arg5[%dma_wait3A_1249, %dma_wait3A_1250] : memref<128x200xi32, #tpu.memory_space<vmem>> -> memref<1x200xi32, #tpu.memory_space<vmem>>
      %dma_wait3A_1252 = tpu.memref_squeeze %dma_wait3A_1251 : memref<1x200xi32, #tpu.memory_space<vmem>> -> memref<200xi32, #tpu.memory_space<vmem>>
      %dma_wait3A_1253 = arith.constant 0 : i32
      %dma_wait3A_1254 = arith.constant 0 : i32
      %dma_wait3A_1255 = tpu.memref_slice %arg3[%dma_wait3A_1253, %dma_wait3A_1254] : memref<1000000x64xf32, #tpu.memory_space<hbm>> -> memref<1000000x64xf32, #tpu.memory_space<hbm>>
      tpu.wait_indirect_dma semaphore(%arg12 : memref<!tpu.dma_semaphore, #tpu.memory_space<semaphore_mem>>) src(%dma_wait3A_1255 : memref<1000000x64xf32, #tpu.memory_space<hbm>>) dst(%arg8 : memref<200x64xf32, #tpu.memory_space<vmem>>)
      %add3A_1256 = arith.addi %mul3A_2, %add3A_1248 : i32
      %dma_start3A_1257 = arith.constant 0 : i32
      %dma_start3A_1258 = arith.constant 0 : i32
      %dma_start3A_1259 = tpu.memref_slice %arg4[%add3A_1256, %dma_start3A_1257, %dma_start3A_1258] : memref<4096x200x64xf32, #tpu.memory_space<hbm>> -> memref<1x200x64xf32, #tpu.memory_space<hbm>>
      %dma_start3A_1260 = tpu.memref_squeeze %dma_start3A_1259 : memref<1x200x64xf32, #tpu.memory_space<hbm>> -> memref<200x64xf32, #tpu.memory_space<hbm>>
      %dma_start3A_1261 = arith.constant 0 : i32
      %dma_start3A_1262 = arith.constant 0 : i32
      %dma_start3A_1263 = tpu.memref_slice %arg4[%add3A_1256, %dma_start3A_1261, %dma_start3A_1262] : memref<4096x200x64xf32, #tpu.memory_space<hbm>> -> memref<1x200x64xf32, #tpu.memory_space<hbm>>
      %dma_start3A_1264 = tpu.memref_squeeze %dma_start3A_1263 : memref<1x200x64xf32, #tpu.memory_space<hbm>> -> memref<200x64xf32, #tpu.memory_space<hbm>>
      tpu.enqueue_dma source(%arg8 : memref<200x64xf32, #tpu.memory_space<vmem>>) target(%dma_start3A_1264 : memref<200x64xf32, #tpu.memory_space<hbm>>) target_semaphore(%arg16 : memref<!tpu.dma_semaphore, #tpu.memory_space<semaphore_mem>>)
      %add3A_1265 = arith.constant 4 : i32
      %add3A_1266 = arith.addi %add3A_1248, %add3A_1265 : i32
      %get3A_1267 = arith.index_cast %add3A_1266 : i32 to index
      %get3A_1268 = arith.constant 0 : index
      %get3A_1269 = tpu.vector_load %arg5[%get3A_1267, %get3A_1268] {strides = array<i32>} : memref<128x200xi32, #tpu.memory_space<vmem>>, vector<1x16xi32>,
      %get3A_1270 = vector.shape_cast %get3A_1269 : vector<1x16xi32> to vector<16xi32>
      %max3A_1271 = arith.constant 0 : i32
      %max3A_1272 = vector.broadcast %max3A_1271 : i32 to vector<16xi32>
      %max3A_1273 = arith.maxsi %get3A_1270, %max3A_1272 : vector<16xi32>
      %swap3A_1274 = arith.index_cast %add3A_1266 : i32 to index
      %swap3A_1275 = arith.constant 0 : index
      %swap3A_1276 = tpu.vector_load %arg5[%swap3A_1274, %swap3A_1275] {strides = array<i32>} : memref<128x200xi32, #tpu.memory_space<vmem>>, vector<1x16xi32>,
      %swap3A_1277 = vector.shape_cast %swap3A_1276 : vector<1x16xi32> to vector<16xi32>
      %swap3A_1278 = vector.shape_cast %max3A_1273 : vector<16xi32> to vector<1x16xi32>
      tpu.vector_store %arg5[%swap3A_1274, %swap3A_1275], %swap3A_1278 {strides = array<i32>} : memref<128x200xi32, #tpu.memory_space<vmem>>, vector<1x16xi32>,
      %get3A_1279 = arith.index_cast %add3A_1266 : i32 to index
      %get3A_1280 = arith.constant 16 : index
      %get3A_1281 = tpu.vector_load %arg5[%get3A_1279, %get3A_1280] {strides = array<i32>} : memref<128x200xi32, #tpu.memory_space<vmem>>, vector<1x16xi32>,
      %get3A_1282 = vector.shape_cast %get3A_1281 : vector<1x16xi32> to vector<16xi32>
      %max3A_1283 = arith.constant 0 : i32
      %max3A_1284 = vector.broadcast %max3A_1283 : i32 to vector<16xi32>
      %max3A_1285 = arith.maxsi %get3A_1282, %max3A_1284 : vector<16xi32>
      %swap3A_1286 = arith.index_cast %add3A_1266 : i32 to index
      %swap3A_1287 = arith.constant 16 : index
      %swap3A_1288 = tpu.vector_load %arg5[%swap3A_1286, %swap3A_1287] {strides = array<i32>} : memref<128x200xi32, #tpu.memory_space<vmem>>, vector<1x16xi32>,
      %swap3A_1289 = vector.shape_cast %swap3A_1288 : vector<1x16xi32> to vector<16xi32>
      %swap3A_1290 = vector.shape_cast %max3A_1285 : vector<16xi32> to vector<1x16xi32>
      tpu.vector_store %arg5[%swap3A_1286, %swap3A_1287], %swap3A_1290 {strides = array<i32>} : memref<128x200xi32, #tpu.memory_space<vmem>>, vector<1x16xi32>,
      %get3A_1291 = arith.index_cast %add3A_1266 : i32 to index
      %get3A_1292 = arith.constant 32 : index
      %get3A_1293 = tpu.vector_load %arg5[%get3A_1291, %get3A_1292] {strides = array<i32>} : memref<128x200xi32, #tpu.memory_space<vmem>>, vector<1x16xi32>,
      %get3A_1294 = vector.shape_cast %get3A_1293 : vector<1x16xi32> to vector<16xi32>
      %max3A_1295 = arith.constant 0 : i32
      %max3A_1296 = vector.broadcast %max3A_1295 : i32 to vector<16xi32>
      %max3A_1297 = arith.maxsi %get3A_1294, %max3A_1296 : vector<16xi32>
      %swap3A_1298 = arith.index_cast %add3A_1266 : i32 to index
      %swap3A_1299 = arith.constant 32 : index
      %swap3A_1300 = tpu.vector_load %arg5[%swap3A_1298, %swap3A_1299] {strides = array<i32>} : memref<128x200xi32, #tpu.memory_space<vmem>>, vector<1x16xi32>,
      %swap3A_1301 = vector.shape_cast %swap3A_1300 : vector<1x16xi32> to vector<16xi32>
      %swap3A_1302 = vector.shape_cast %max3A_1297 : vector<16xi32> to vector<1x16xi32>
      tpu.vector_store %arg5[%swap3A_1298, %swap3A_1299], %swap3A_1302 {strides = array<i32>} : memref<128x200xi32, #tpu.memory_space<vmem>>, vector<1x16xi32>,
      %get3A_1303 = arith.index_cast %add3A_1266 : i32 to index
      %get3A_1304 = arith.constant 48 : index
      %get3A_1305 = tpu.vector_load %arg5[%get3A_1303, %get3A_1304] {strides = array<i32>} : memref<128x200xi32, #tpu.memory_space<vmem>>, vector<1x16xi32>,
      %get3A_1306 = vector.shape_cast %get3A_1305 : vector<1x16xi32> to vector<16xi32>
      %max3A_1307 = arith.constant 0 : i32
      %max3A_1308 = vector.broadcast %max3A_1307 : i32 to vector<16xi32>
      %max3A_1309 = arith.maxsi %get3A_1306, %max3A_1308 : vector<16xi32>
      %swap3A_1310 = arith.index_cast %add3A_1266 : i32 to index
      %swap3A_1311 = arith.constant 48 : index
      %swap3A_1312 = tpu.vector_load %arg5[%swap3A_1310, %swap3A_1311] {strides = array<i32>} : memref<128x200xi32, #tpu.memory_space<vmem>>, vector<1x16xi32>,
      %swap3A_1313 = vector.shape_cast %swap3A_1312 : vector<1x16xi32> to vector<16xi32>
      %swap3A_1314 = vector.shape_cast %max3A_1309 : vector<16xi32> to vector<1x16xi32>
      tpu.vector_store %arg5[%swap3A_1310, %swap3A_1311], %swap3A_1314 {strides = array<i32>} : memref<128x200xi32, #tpu.memory_space<vmem>>, vector<1x16xi32>,
      %get3A_1315 = arith.index_cast %add3A_1266 : i32 to index
      %get3A_1316 = arith.constant 64 : index
      %get3A_1317 = tpu.vector_load %arg5[%get3A_1315, %get3A_1316] {strides = array<i32>} : memref<128x200xi32, #tpu.memory_space<vmem>>, vector<1x16xi32>,
      %get3A_1318 = vector.shape_cast %get3A_1317 : vector<1x16xi32> to vector<16xi32>
      %max3A_1319 = arith.constant 0 : i32
      %max3A_1320 = vector.broadcast %max3A_1319 : i32 to vector<16xi32>
      %max3A_1321 = arith.maxsi %get3A_1318, %max3A_1320 : vector<16xi32>
      %swap3A_1322 = arith.index_cast %add3A_1266 : i32 to index
      %swap3A_1323 = arith.constant 64 : index
      %swap3A_1324 = tpu.vector_load %arg5[%swap3A_1322, %swap3A_1323] {strides = array<i32>} : memref<128x200xi32, #tpu.memory_space<vmem>>, vector<1x16xi32>,
      %swap3A_1325 = vector.shape_cast %swap3A_1324 : vector<1x16xi32> to vector<16xi32>
      %swap3A_1326 = vector.shape_cast %max3A_1321 : vector<16xi32> to vector<1x16xi32>
      tpu.vector_store %arg5[%swap3A_1322, %swap3A_1323], %swap3A_1326 {strides = array<i32>} : memref<128x200xi32, #tpu.memory_space<vmem>>, vector<1x16xi32>,
      %get3A_1327 = arith.index_cast %add3A_1266 : i32 to index
      %get3A_1328 = arith.constant 80 : index
      %get3A_1329 = tpu.vector_load %arg5[%get3A_1327, %get3A_1328] {strides = array<i32>} : memref<128x200xi32, #tpu.memory_space<vmem>>, vector<1x16xi32>,
      %get3A_1330 = vector.shape_cast %get3A_1329 : vector<1x16xi32> to vector<16xi32>
      %max3A_1331 = arith.constant 0 : i32
      %max3A_1332 = vector.broadcast %max3A_1331 : i32 to vector<16xi32>
      %max3A_1333 = arith.maxsi %get3A_1330, %max3A_1332 : vector<16xi32>
      %swap3A_1334 = arith.index_cast %add3A_1266 : i32 to index
      %swap3A_1335 = arith.constant 80 : index
      %swap3A_1336 = tpu.vector_load %arg5[%swap3A_1334, %swap3A_1335] {strides = array<i32>} : memref<128x200xi32, #tpu.memory_space<vmem>>, vector<1x16xi32>,
      %swap3A_1337 = vector.shape_cast %swap3A_1336 : vector<1x16xi32> to vector<16xi32>
      %swap3A_1338 = vector.shape_cast %max3A_1333 : vector<16xi32> to vector<1x16xi32>
      tpu.vector_store %arg5[%swap3A_1334, %swap3A_1335], %swap3A_1338 {strides = array<i32>} : memref<128x200xi32, #tpu.memory_space<vmem>>, vector<1x16xi32>,
      %get3A_1339 = arith.index_cast %add3A_1266 : i32 to index
      %get3A_1340 = arith.constant 96 : index
      %get3A_1341 = tpu.vector_load %arg5[%get3A_1339, %get3A_1340] {strides = array<i32>} : memref<128x200xi32, #tpu.memory_space<vmem>>, vector<1x16xi32>,
      %get3A_1342 = vector.shape_cast %get3A_1341 : vector<1x16xi32> to vector<16xi32>
      %max3A_1343 = arith.constant 0 : i32
      %max3A_1344 = vector.broadcast %max3A_1343 : i32 to vector<16xi32>
      %max3A_1345 = arith.maxsi %get3A_1342, %max3A_1344 : vector<16xi32>
      %swap3A_1346 = arith.index_cast %add3A_1266 : i32 to index
      %swap3A_1347 = arith.constant 96 : index
      %swap3A_1348 = tpu.vector_load %arg5[%swap3A_1346, %swap3A_1347] {strides = array<i32>} : memref<128x200xi32, #tpu.memory_space<vmem>>, vector<1x16xi32>,
      %swap3A_1349 = vector.shape_cast %swap3A_1348 : vector<1x16xi32> to vector<16xi32>
      %swap3A_1350 = vector.shape_cast %max3A_1345 : vector<16xi32> to vector<1x16xi32>
      tpu.vector_store %arg5[%swap3A_1346, %swap3A_1347], %swap3A_1350 {strides = array<i32>} : memref<128x200xi32, #tpu.memory_space<vmem>>, vector<1x16xi32>,
      %get3A_1351 = arith.index_cast %add3A_1266 : i32 to index
      %get3A_1352 = arith.constant 112 : index
      %get3A_1353 = tpu.vector_load %arg5[%get3A_1351, %get3A_1352] {strides = array<i32>} : memref<128x200xi32, #tpu.memory_space<vmem>>, vector<1x16xi32>,
      %get3A_1354 = vector.shape_cast %get3A_1353 : vector<1x16xi32> to vector<16xi32>
      %max3A_1355 = arith.constant 0 : i32
      %max3A_1356 = vector.broadcast %max3A_1355 : i32 to vector<16xi32>
      %max3A_1357 = arith.maxsi %get3A_1354, %max3A_1356 : vector<16xi32>
      %swap3A_1358 = arith.index_cast %add3A_1266 : i32 to index
      %swap3A_1359 = arith.constant 112 : index
      %swap3A_1360 = tpu.vector_load %arg5[%swap3A_1358, %swap3A_1359] {strides = array<i32>} : memref<128x200xi32, #tpu.memory_space<vmem>>, vector<1x16xi32>,
      %swap3A_1361 = vector.shape_cast %swap3A_1360 : vector<1x16xi32> to vector<16xi32>
      %swap3A_1362 = vector.shape_cast %max3A_1357 : vector<16xi32> to vector<1x16xi32>
      tpu.vector_store %arg5[%swap3A_1358, %swap3A_1359], %swap3A_1362 {strides = array<i32>} : memref<128x200xi32, #tpu.memory_space<vmem>>, vector<1x16xi32>,
      %get3A_1363 = arith.index_cast %add3A_1266 : i32 to index
      %get3A_1364 = arith.constant 128 : index
      %get3A_1365 = tpu.vector_load %arg5[%get3A_1363, %get3A_1364] {strides = array<i32>} : memref<128x200xi32, #tpu.memory_space<vmem>>, vector<1x16xi32>,
      %get3A_1366 = vector.shape_cast %get3A_1365 : vector<1x16xi32> to vector<16xi32>
      %max3A_1367 = arith.constant 0 : i32
      %max3A_1368 = vector.broadcast %max3A_1367 : i32 to vector<16xi32>
      %max3A_1369 = arith.maxsi %get3A_1366, %max3A_1368 : vector<16xi32>
      %swap3A_1370 = arith.index_cast %add3A_1266 : i32 to index
      %swap3A_1371 = arith.constant 128 : index
      %swap3A_1372 = tpu.vector_load %arg5[%swap3A_1370, %swap3A_1371] {strides = array<i32>} : memref<128x200xi32, #tpu.memory_space<vmem>>, vector<1x16xi32>,
      %swap3A_1373 = vector.shape_cast %swap3A_1372 : vector<1x16xi32> to vector<16xi32>
      %swap3A_1374 = vector.shape_cast %max3A_1369 : vector<16xi32> to vector<1x16xi32>
      tpu.vector_store %arg5[%swap3A_1370, %swap3A_1371], %swap3A_1374 {strides = array<i32>} : memref<128x200xi32, #tpu.memory_space<vmem>>, vector<1x16xi32>,
      %get3A_1375 = arith.index_cast %add3A_1266 : i32 to index
      %get3A_1376 = arith.constant 144 : index
      %get3A_1377 = tpu.vector_load %arg5[%get3A_1375, %get3A_1376] {strides = array<i32>} : memref<128x200xi32, #tpu.memory_space<vmem>>, vector<1x16xi32>,
      %get3A_1378 = vector.shape_cast %get3A_1377 : vector<1x16xi32> to vector<16xi32>
      %max3A_1379 = arith.constant 0 : i32
      %max3A_1380 = vector.broadcast %max3A_1379 : i32 to vector<16xi32>
      %max3A_1381 = arith.maxsi %get3A_1378, %max3A_1380 : vector<16xi32>
      %swap3A_1382 = arith.index_cast %add3A_1266 : i32 to index
      %swap3A_1383 = arith.constant 144 : index
      %swap3A_1384 = tpu.vector_load %arg5[%swap3A_1382, %swap3A_1383] {strides = array<i32>} : memref<128x200xi32, #tpu.memory_space<vmem>>, vector<1x16xi32>,
      %swap3A_1385 = vector.shape_cast %swap3A_1384 : vector<1x16xi32> to vector<16xi32>
      %swap3A_1386 = vector.shape_cast %max3A_1381 : vector<16xi32> to vector<1x16xi32>
      tpu.vector_store %arg5[%swap3A_1382, %swap3A_1383], %swap3A_1386 {strides = array<i32>} : memref<128x200xi32, #tpu.memory_space<vmem>>, vector<1x16xi32>,
      %get3A_1387 = arith.index_cast %add3A_1266 : i32 to index
      %get3A_1388 = arith.constant 160 : index
      %get3A_1389 = tpu.vector_load %arg5[%get3A_1387, %get3A_1388] {strides = array<i32>} : memref<128x200xi32, #tpu.memory_space<vmem>>, vector<1x16xi32>,
      %get3A_1390 = vector.shape_cast %get3A_1389 : vector<1x16xi32> to vector<16xi32>
      %max3A_1391 = arith.constant 0 : i32
      %max3A_1392 = vector.broadcast %max3A_1391 : i32 to vector<16xi32>
      %max3A_1393 = arith.maxsi %get3A_1390, %max3A_1392 : vector<16xi32>
      %swap3A_1394 = arith.index_cast %add3A_1266 : i32 to index
      %swap3A_1395 = arith.constant 160 : index
      %swap3A_1396 = tpu.vector_load %arg5[%swap3A_1394, %swap3A_1395] {strides = array<i32>} : memref<128x200xi32, #tpu.memory_space<vmem>>, vector<1x16xi32>,
      %swap3A_1397 = vector.shape_cast %swap3A_1396 : vector<1x16xi32> to vector<16xi32>
      %swap3A_1398 = vector.shape_cast %max3A_1393 : vector<16xi32> to vector<1x16xi32>
      tpu.vector_store %arg5[%swap3A_1394, %swap3A_1395], %swap3A_1398 {strides = array<i32>} : memref<128x200xi32, #tpu.memory_space<vmem>>, vector<1x16xi32>,
      %get3A_1399 = arith.index_cast %add3A_1266 : i32 to index
      %get3A_1400 = arith.constant 176 : index
      %get3A_1401 = tpu.vector_load %arg5[%get3A_1399, %get3A_1400] {strides = array<i32>} : memref<128x200xi32, #tpu.memory_space<vmem>>, vector<1x16xi32>,
      %get3A_1402 = vector.shape_cast %get3A_1401 : vector<1x16xi32> to vector<16xi32>
      %max3A_1403 = arith.constant 0 : i32
      %max3A_1404 = vector.broadcast %max3A_1403 : i32 to vector<16xi32>
      %max3A_1405 = arith.maxsi %get3A_1402, %max3A_1404 : vector<16xi32>
      %swap3A_1406 = arith.index_cast %add3A_1266 : i32 to index
      %swap3A_1407 = arith.constant 176 : index
      %swap3A_1408 = tpu.vector_load %arg5[%swap3A_1406, %swap3A_1407] {strides = array<i32>} : memref<128x200xi32, #tpu.memory_space<vmem>>, vector<1x16xi32>,
      %swap3A_1409 = vector.shape_cast %swap3A_1408 : vector<1x16xi32> to vector<16xi32>
      %swap3A_1410 = vector.shape_cast %max3A_1405 : vector<16xi32> to vector<1x16xi32>
      tpu.vector_store %arg5[%swap3A_1406, %swap3A_1407], %swap3A_1410 {strides = array<i32>} : memref<128x200xi32, #tpu.memory_space<vmem>>, vector<1x16xi32>,
      %get3A_1411 = arith.index_cast %add3A_1266 : i32 to index
      %get3A_1412 = arith.constant 184 : index
      %get3A_1413 = tpu.vector_load %arg5[%get3A_1411, %get3A_1412] {strides = array<i32>} : memref<128x200xi32, #tpu.memory_space<vmem>>, vector<1x16xi32>,
      %get3A_1414 = vector.shape_cast %get3A_1413 : vector<1x16xi32> to vector<16xi32>
      %max3A_1415 = arith.constant 0 : i32
      %max3A_1416 = vector.broadcast %max3A_1415 : i32 to vector<16xi32>
      %max3A_1417 = arith.maxsi %get3A_1414, %max3A_1416 : vector<16xi32>
      %swap3A_1418 = arith.index_cast %add3A_1266 : i32 to index
      %swap3A_1419 = arith.constant 184 : index
      %swap3A_1420 = tpu.vector_load %arg5[%swap3A_1418, %swap3A_1419] {strides = array<i32>} : memref<128x200xi32, #tpu.memory_space<vmem>>, vector<1x16xi32>,
      %swap3A_1421 = vector.shape_cast %swap3A_1420 : vector<1x16xi32> to vector<16xi32>
      %swap3A_1422 = vector.shape_cast %max3A_1417 : vector<16xi32> to vector<1x16xi32>
      tpu.vector_store %arg5[%swap3A_1418, %swap3A_1419], %swap3A_1422 {strides = array<i32>} : memref<128x200xi32, #tpu.memory_space<vmem>>, vector<1x16xi32>,
      %dma_wait3A_1423 = arith.constant 0 : i32
      %dma_wait3A_1424 = arith.constant 0 : i32
      %dma_wait3A_1425 = tpu.memref_slice %arg4[%mul3A_2, %dma_wait3A_1423, %dma_wait3A_1424] : memref<4096x200x64xf32, #tpu.memory_space<hbm>> -> memref<1x200x64xf32, #tpu.memory_space<hbm>>
      %dma_wait3A_1426 = tpu.memref_squeeze %dma_wait3A_1425 : memref<1x200x64xf32, #tpu.memory_space<hbm>> -> memref<200x64xf32, #tpu.memory_space<hbm>>
      %dma_wait3A_1427 = arith.constant 0 : i32
      %dma_wait3A_1428 = arith.constant 0 : i32
      %dma_wait3A_1429 = tpu.memref_slice %arg4[%mul3A_2, %dma_wait3A_1427, %dma_wait3A_1428] : memref<4096x200x64xf32, #tpu.memory_space<hbm>> -> memref<1x200x64xf32, #tpu.memory_space<hbm>>
      %dma_wait3A_1430 = tpu.memref_squeeze %dma_wait3A_1429 : memref<1x200x64xf32, #tpu.memory_space<hbm>> -> memref<200x64xf32, #tpu.memory_space<hbm>>
      tpu.wait_dma2 semaphore(%arg16 : memref<!tpu.dma_semaphore, #tpu.memory_space<semaphore_mem>>) src(%arg8 : memref<200x64xf32, #tpu.memory_space<vmem>>) dst(%dma_wait3A_1430 : memref<200x64xf32, #tpu.memory_space<hbm>>)
      %add3A_1431 = arith.constant 4 : i32
      %add3A_1432 = arith.addi %add3A_1248, %add3A_1431 : i32
      %dma_start3A_1433 = arith.constant 0 : i32
      %dma_start3A_1434 = tpu.memref_slice %arg5[%add3A_1432, %dma_start3A_1433] : memref<128x200xi32, #tpu.memory_space<vmem>> -> memref<1x200xi32, #tpu.memory_space<vmem>>
      %dma_start3A_1435 = tpu.memref_squeeze %dma_start3A_1434 : memref<1x200xi32, #tpu.memory_space<vmem>> -> memref<200xi32, #tpu.memory_space<vmem>>
      %dma_start3A_1436 = arith.constant 0 : i32
      %dma_start3A_1437 = arith.constant 0 : i32
      %dma_start3A_1438 = tpu.memref_slice %arg3[%dma_start3A_1436, %dma_start3A_1437] : memref<1000000x64xf32, #tpu.memory_space<hbm>> -> memref<1000000x64xf32, #tpu.memory_space<hbm>>
      tpu.enqueue_indirect_dma source(%dma_start3A_1438 : memref<1000000x64xf32, #tpu.memory_space<hbm>>) target(%arg8 : memref<200x64xf32, #tpu.memory_space<vmem>>) offsets(%dma_start3A_1435 : memref<200xi32, #tpu.memory_space<vmem>>) semaphore(%arg12 : memref<!tpu.dma_semaphore, #tpu.memory_space<semaphore_mem>>)
      %add3A_1439 = arith.constant 3 : i32
      %add3A_1440 = arith.addi %add3A_862, %add3A_1439 : i32
      %dma_wait3A_1441 = arith.constant 0 : i32
      %dma_wait3A_1442 = arith.constant 0 : i32
      %dma_wait3A_1443 = tpu.memref_slice %arg5[%dma_wait3A_1441, %dma_wait3A_1442] : memref<128x200xi32, #tpu.memory_space<vmem>> -> memref<1x200xi32, #tpu.memory_space<vmem>>
      %dma_wait3A_1444 = tpu.memref_squeeze %dma_wait3A_1443 : memref<1x200xi32, #tpu.memory_space<vmem>> -> memref<200xi32, #tpu.memory_space<vmem>>
      %dma_wait3A_1445 = arith.constant 0 : i32
      %dma_wait3A_1446 = arith.constant 0 : i32
      %dma_wait3A_1447 = tpu.memref_slice %arg3[%dma_wait3A_1445, %dma_wait3A_1446] : memref<1000000x64xf32, #tpu.memory_space<hbm>> -> memref<1000000x64xf32, #tpu.memory_space<hbm>>
      tpu.wait_indirect_dma semaphore(%arg13 : memref<!tpu.dma_semaphore, #tpu.memory_space<semaphore_mem>>) src(%dma_wait3A_1447 : memref<1000000x64xf32, #tpu.memory_space<hbm>>) dst(%arg9 : memref<200x64xf32, #tpu.memory_space<vmem>>)
      %add3A_1448 = arith.addi %mul3A_2, %add3A_1440 : i32
      %dma_start3A_1449 = arith.constant 0 : i32
      %dma_start3A_1450 = arith.constant 0 : i32
      %dma_start3A_1451 = tpu.memref_slice %arg4[%add3A_1448, %dma_start3A_1449, %dma_start3A_1450] : memref<4096x200x64xf32, #tpu.memory_space<hbm>> -> memref<1x200x64xf32, #tpu.memory_space<hbm>>
      %dma_start3A_1452 = tpu.memref_squeeze %dma_start3A_1451 : memref<1x200x64xf32, #tpu.memory_space<hbm>> -> memref<200x64xf32, #tpu.memory_space<hbm>>
      %dma_start3A_1453 = arith.constant 0 : i32
      %dma_start3A_1454 = arith.constant 0 : i32
      %dma_start3A_1455 = tpu.memref_slice %arg4[%add3A_1448, %dma_start3A_1453, %dma_start3A_1454] : memref<4096x200x64xf32, #tpu.memory_space<hbm>> -> memref<1x200x64xf32, #tpu.memory_space<hbm>>
      %dma_start3A_1456 = tpu.memref_squeeze %dma_start3A_1455 : memref<1x200x64xf32, #tpu.memory_space<hbm>> -> memref<200x64xf32, #tpu.memory_space<hbm>>
      tpu.enqueue_dma source(%arg9 : memref<200x64xf32, #tpu.memory_space<vmem>>) target(%dma_start3A_1456 : memref<200x64xf32, #tpu.memory_space<hbm>>) target_semaphore(%arg17 : memref<!tpu.dma_semaphore, #tpu.memory_space<semaphore_mem>>)
      %add3A_1457 = arith.constant 4 : i32
      %add3A_1458 = arith.addi %add3A_1440, %add3A_1457 : i32
      %get3A_1459 = arith.index_cast %add3A_1458 : i32 to index
      %get3A_1460 = arith.constant 0 : index
      %get3A_1461 = tpu.vector_load %arg5[%get3A_1459, %get3A_1460] {strides = array<i32>} : memref<128x200xi32, #tpu.memory_space<vmem>>, vector<1x16xi32>,
      %get3A_1462 = vector.shape_cast %get3A_1461 : vector<1x16xi32> to vector<16xi32>
      %max3A_1463 = arith.constant 0 : i32
      %max3A_1464 = vector.broadcast %max3A_1463 : i32 to vector<16xi32>
      %max3A_1465 = arith.maxsi %get3A_1462, %max3A_1464 : vector<16xi32>
      %swap3A_1466 = arith.index_cast %add3A_1458 : i32 to index
      %swap3A_1467 = arith.constant 0 : index
      %swap3A_1468 = tpu.vector_load %arg5[%swap3A_1466, %swap3A_1467] {strides = array<i32>} : memref<128x200xi32, #tpu.memory_space<vmem>>, vector<1x16xi32>,
      %swap3A_1469 = vector.shape_cast %swap3A_1468 : vector<1x16xi32> to vector<16xi32>
      %swap3A_1470 = vector.shape_cast %max3A_1465 : vector<16xi32> to vector<1x16xi32>
      tpu.vector_store %arg5[%swap3A_1466, %swap3A_1467], %swap3A_1470 {strides = array<i32>} : memref<128x200xi32, #tpu.memory_space<vmem>>, vector<1x16xi32>,
      %get3A_1471 = arith.index_cast %add3A_1458 : i32 to index
      %get3A_1472 = arith.constant 16 : index
      %get3A_1473 = tpu.vector_load %arg5[%get3A_1471, %get3A_1472] {strides = array<i32>} : memref<128x200xi32, #tpu.memory_space<vmem>>, vector<1x16xi32>,
      %get3A_1474 = vector.shape_cast %get3A_1473 : vector<1x16xi32> to vector<16xi32>
      %max3A_1475 = arith.constant 0 : i32
      %max3A_1476 = vector.broadcast %max3A_1475 : i32 to vector<16xi32>
      %max3A_1477 = arith.maxsi %get3A_1474, %max3A_1476 : vector<16xi32>
      %swap3A_1478 = arith.index_cast %add3A_1458 : i32 to index
      %swap3A_1479 = arith.constant 16 : index
      %swap3A_1480 = tpu.vector_load %arg5[%swap3A_1478, %swap3A_1479] {strides = array<i32>} : memref<128x200xi32, #tpu.memory_space<vmem>>, vector<1x16xi32>,
      %swap3A_1481 = vector.shape_cast %swap3A_1480 : vector<1x16xi32> to vector<16xi32>
      %swap3A_1482 = vector.shape_cast %max3A_1477 : vector<16xi32> to vector<1x16xi32>
      tpu.vector_store %arg5[%swap3A_1478, %swap3A_1479], %swap3A_1482 {strides = array<i32>} : memref<128x200xi32, #tpu.memory_space<vmem>>, vector<1x16xi32>,
      %get3A_1483 = arith.index_cast %add3A_1458 : i32 to index
      %get3A_1484 = arith.constant 32 : index
      %get3A_1485 = tpu.vector_load %arg5[%get3A_1483, %get3A_1484] {strides = array<i32>} : memref<128x200xi32, #tpu.memory_space<vmem>>, vector<1x16xi32>,
      %get3A_1486 = vector.shape_cast %get3A_1485 : vector<1x16xi32> to vector<16xi32>
      %max3A_1487 = arith.constant 0 : i32
      %max3A_1488 = vector.broadcast %max3A_1487 : i32 to vector<16xi32>
      %max3A_1489 = arith.maxsi %get3A_1486, %max3A_1488 : vector<16xi32>
      %swap3A_1490 = arith.index_cast %add3A_1458 : i32 to index
      %swap3A_1491 = arith.constant 32 : index
      %swap3A_1492 = tpu.vector_load %arg5[%swap3A_1490, %swap3A_1491] {strides = array<i32>} : memref<128x200xi32, #tpu.memory_space<vmem>>, vector<1x16xi32>,
      %swap3A_1493 = vector.shape_cast %swap3A_1492 : vector<1x16xi32> to vector<16xi32>
      %swap3A_1494 = vector.shape_cast %max3A_1489 : vector<16xi32> to vector<1x16xi32>
      tpu.vector_store %arg5[%swap3A_1490, %swap3A_1491], %swap3A_1494 {strides = array<i32>} : memref<128x200xi32, #tpu.memory_space<vmem>>, vector<1x16xi32>,
      %get3A_1495 = arith.index_cast %add3A_1458 : i32 to index
      %get3A_1496 = arith.constant 48 : index
      %get3A_1497 = tpu.vector_load %arg5[%get3A_1495, %get3A_1496] {strides = array<i32>} : memref<128x200xi32, #tpu.memory_space<vmem>>, vector<1x16xi32>,
      %get3A_1498 = vector.shape_cast %get3A_1497 : vector<1x16xi32> to vector<16xi32>
      %max3A_1499 = arith.constant 0 : i32
      %max3A_1500 = vector.broadcast %max3A_1499 : i32 to vector<16xi32>
      %max3A_1501 = arith.maxsi %get3A_1498, %max3A_1500 : vector<16xi32>
      %swap3A_1502 = arith.index_cast %add3A_1458 : i32 to index
      %swap3A_1503 = arith.constant 48 : index
      %swap3A_1504 = tpu.vector_load %arg5[%swap3A_1502, %swap3A_1503] {strides = array<i32>} : memref<128x200xi32, #tpu.memory_space<vmem>>, vector<1x16xi32>,
      %swap3A_1505 = vector.shape_cast %swap3A_1504 : vector<1x16xi32> to vector<16xi32>
      %swap3A_1506 = vector.shape_cast %max3A_1501 : vector<16xi32> to vector<1x16xi32>
      tpu.vector_store %arg5[%swap3A_1502, %swap3A_1503], %swap3A_1506 {strides = array<i32>} : memref<128x200xi32, #tpu.memory_space<vmem>>, vector<1x16xi32>,
      %get3A_1507 = arith.index_cast %add3A_1458 : i32 to index
      %get3A_1508 = arith.constant 64 : index
      %get3A_1509 = tpu.vector_load %arg5[%get3A_1507, %get3A_1508] {strides = array<i32>} : memref<128x200xi32, #tpu.memory_space<vmem>>, vector<1x16xi32>,
      %get3A_1510 = vector.shape_cast %get3A_1509 : vector<1x16xi32> to vector<16xi32>
      %max3A_1511 = arith.constant 0 : i32
      %max3A_1512 = vector.broadcast %max3A_1511 : i32 to vector<16xi32>
      %max3A_1513 = arith.maxsi %get3A_1510, %max3A_1512 : vector<16xi32>
      %swap3A_1514 = arith.index_cast %add3A_1458 : i32 to index
      %swap3A_1515 = arith.constant 64 : index
      %swap3A_1516 = tpu.vector_load %arg5[%swap3A_1514, %swap3A_1515] {strides = array<i32>} : memref<128x200xi32, #tpu.memory_space<vmem>>, vector<1x16xi32>,
      %swap3A_1517 = vector.shape_cast %swap3A_1516 : vector<1x16xi32> to vector<16xi32>
      %swap3A_1518 = vector.shape_cast %max3A_1513 : vector<16xi32> to vector<1x16xi32>
      tpu.vector_store %arg5[%swap3A_1514, %swap3A_1515], %swap3A_1518 {strides = array<i32>} : memref<128x200xi32, #tpu.memory_space<vmem>>, vector<1x16xi32>,
      %get3A_1519 = arith.index_cast %add3A_1458 : i32 to index
      %get3A_1520 = arith.constant 80 : index
      %get3A_1521 = tpu.vector_load %arg5[%get3A_1519, %get3A_1520] {strides = array<i32>} : memref<128x200xi32, #tpu.memory_space<vmem>>, vector<1x16xi32>,
      %get3A_1522 = vector.shape_cast %get3A_1521 : vector<1x16xi32> to vector<16xi32>
      %max3A_1523 = arith.constant 0 : i32
      %max3A_1524 = vector.broadcast %max3A_1523 : i32 to vector<16xi32>
      %max3A_1525 = arith.maxsi %get3A_1522, %max3A_1524 : vector<16xi32>
      %swap3A_1526 = arith.index_cast %add3A_1458 : i32 to index
      %swap3A_1527 = arith.constant 80 : index
      %swap3A_1528 = tpu.vector_load %arg5[%swap3A_1526, %swap3A_1527] {strides = array<i32>} : memref<128x200xi32, #tpu.memory_space<vmem>>, vector<1x16xi32>,
      %swap3A_1529 = vector.shape_cast %swap3A_1528 : vector<1x16xi32> to vector<16xi32>
      %swap3A_1530 = vector.shape_cast %max3A_1525 : vector<16xi32> to vector<1x16xi32>
      tpu.vector_store %arg5[%swap3A_1526, %swap3A_1527], %swap3A_1530 {strides = array<i32>} : memref<128x200xi32, #tpu.memory_space<vmem>>, vector<1x16xi32>,
      %get3A_1531 = arith.index_cast %add3A_1458 : i32 to index
      %get3A_1532 = arith.constant 96 : index
      %get3A_1533 = tpu.vector_load %arg5[%get3A_1531, %get3A_1532] {strides = array<i32>} : memref<128x200xi32, #tpu.memory_space<vmem>>, vector<1x16xi32>,
      %get3A_1534 = vector.shape_cast %get3A_1533 : vector<1x16xi32> to vector<16xi32>
      %max3A_1535 = arith.constant 0 : i32
      %max3A_1536 = vector.broadcast %max3A_1535 : i32 to vector<16xi32>
      %max3A_1537 = arith.maxsi %get3A_1534, %max3A_1536 : vector<16xi32>
      %swap3A_1538 = arith.index_cast %add3A_1458 : i32 to index
      %swap3A_1539 = arith.constant 96 : index
      %swap3A_1540 = tpu.vector_load %arg5[%swap3A_1538, %swap3A_1539] {strides = array<i32>} : memref<128x200xi32, #tpu.memory_space<vmem>>, vector<1x16xi32>,
      %swap3A_1541 = vector.shape_cast %swap3A_1540 : vector<1x16xi32> to vector<16xi32>
      %swap3A_1542 = vector.shape_cast %max3A_1537 : vector<16xi32> to vector<1x16xi32>
      tpu.vector_store %arg5[%swap3A_1538, %swap3A_1539], %swap3A_1542 {strides = array<i32>} : memref<128x200xi32, #tpu.memory_space<vmem>>, vector<1x16xi32>,
      %get3A_1543 = arith.index_cast %add3A_1458 : i32 to index
      %get3A_1544 = arith.constant 112 : index
      %get3A_1545 = tpu.vector_load %arg5[%get3A_1543, %get3A_1544] {strides = array<i32>} : memref<128x200xi32, #tpu.memory_space<vmem>>, vector<1x16xi32>,
      %get3A_1546 = vector.shape_cast %get3A_1545 : vector<1x16xi32> to vector<16xi32>
      %max3A_1547 = arith.constant 0 : i32
      %max3A_1548 = vector.broadcast %max3A_1547 : i32 to vector<16xi32>
      %max3A_1549 = arith.maxsi %get3A_1546, %max3A_1548 : vector<16xi32>
      %swap3A_1550 = arith.index_cast %add3A_1458 : i32 to index
      %swap3A_1551 = arith.constant 112 : index
      %swap3A_1552 = tpu.vector_load %arg5[%swap3A_1550, %swap3A_1551] {strides = array<i32>} : memref<128x200xi32, #tpu.memory_space<vmem>>, vector<1x16xi32>,
      %swap3A_1553 = vector.shape_cast %swap3A_1552 : vector<1x16xi32> to vector<16xi32>
      %swap3A_1554 = vector.shape_cast %max3A_1549 : vector<16xi32> to vector<1x16xi32>
      tpu.vector_store %arg5[%swap3A_1550, %swap3A_1551], %swap3A_1554 {strides = array<i32>} : memref<128x200xi32, #tpu.memory_space<vmem>>, vector<1x16xi32>,
      %get3A_1555 = arith.index_cast %add3A_1458 : i32 to index
      %get3A_1556 = arith.constant 128 : index
      %get3A_1557 = tpu.vector_load %arg5[%get3A_1555, %get3A_1556] {strides = array<i32>} : memref<128x200xi32, #tpu.memory_space<vmem>>, vector<1x16xi32>,
      %get3A_1558 = vector.shape_cast %get3A_1557 : vector<1x16xi32> to vector<16xi32>
      %max3A_1559 = arith.constant 0 : i32
      %max3A_1560 = vector.broadcast %max3A_1559 : i32 to vector<16xi32>
      %max3A_1561 = arith.maxsi %get3A_1558, %max3A_1560 : vector<16xi32>
      %swap3A_1562 = arith.index_cast %add3A_1458 : i32 to index
      %swap3A_1563 = arith.constant 128 : index
      %swap3A_1564 = tpu.vector_load %arg5[%swap3A_1562, %swap3A_1563] {strides = array<i32>} : memref<128x200xi32, #tpu.memory_space<vmem>>, vector<1x16xi32>,
      %swap3A_1565 = vector.shape_cast %swap3A_1564 : vector<1x16xi32> to vector<16xi32>
      %swap3A_1566 = vector.shape_cast %max3A_1561 : vector<16xi32> to vector<1x16xi32>
      tpu.vector_store %arg5[%swap3A_1562, %swap3A_1563], %swap3A_1566 {strides = array<i32>} : memref<128x200xi32, #tpu.memory_space<vmem>>, vector<1x16xi32>,
      %get3A_1567 = arith.index_cast %add3A_1458 : i32 to index
      %get3A_1568 = arith.constant 144 : index
      %get3A_1569 = tpu.vector_load %arg5[%get3A_1567, %get3A_1568] {strides = array<i32>} : memref<128x200xi32, #tpu.memory_space<vmem>>, vector<1x16xi32>,
      %get3A_1570 = vector.shape_cast %get3A_1569 : vector<1x16xi32> to vector<16xi32>
      %max3A_1571 = arith.constant 0 : i32
      %max3A_1572 = vector.broadcast %max3A_1571 : i32 to vector<16xi32>
      %max3A_1573 = arith.maxsi %get3A_1570, %max3A_1572 : vector<16xi32>
      %swap3A_1574 = arith.index_cast %add3A_1458 : i32 to index
      %swap3A_1575 = arith.constant 144 : index
      %swap3A_1576 = tpu.vector_load %arg5[%swap3A_1574, %swap3A_1575] {strides = array<i32>} : memref<128x200xi32, #tpu.memory_space<vmem>>, vector<1x16xi32>,
      %swap3A_1577 = vector.shape_cast %swap3A_1576 : vector<1x16xi32> to vector<16xi32>
      %swap3A_1578 = vector.shape_cast %max3A_1573 : vector<16xi32> to vector<1x16xi32>
      tpu.vector_store %arg5[%swap3A_1574, %swap3A_1575], %swap3A_1578 {strides = array<i32>} : memref<128x200xi32, #tpu.memory_space<vmem>>, vector<1x16xi32>,
      %get3A_1579 = arith.index_cast %add3A_1458 : i32 to index
      %get3A_1580 = arith.constant 160 : index
      %get3A_1581 = tpu.vector_load %arg5[%get3A_1579, %get3A_1580] {strides = array<i32>} : memref<128x200xi32, #tpu.memory_space<vmem>>, vector<1x16xi32>,
      %get3A_1582 = vector.shape_cast %get3A_1581 : vector<1x16xi32> to vector<16xi32>
      %max3A_1583 = arith.constant 0 : i32
      %max3A_1584 = vector.broadcast %max3A_1583 : i32 to vector<16xi32>
      %max3A_1585 = arith.maxsi %get3A_1582, %max3A_1584 : vector<16xi32>
      %swap3A_1586 = arith.index_cast %add3A_1458 : i32 to index
      %swap3A_1587 = arith.constant 160 : index
      %swap3A_1588 = tpu.vector_load %arg5[%swap3A_1586, %swap3A_1587] {strides = array<i32>} : memref<128x200xi32, #tpu.memory_space<vmem>>, vector<1x16xi32>,
      %swap3A_1589 = vector.shape_cast %swap3A_1588 : vector<1x16xi32> to vector<16xi32>
      %swap3A_1590 = vector.shape_cast %max3A_1585 : vector<16xi32> to vector<1x16xi32>
      tpu.vector_store %arg5[%swap3A_1586, %swap3A_1587], %swap3A_1590 {strides = array<i32>} : memref<128x200xi32, #tpu.memory_space<vmem>>, vector<1x16xi32>,
      %get3A_1591 = arith.index_cast %add3A_1458 : i32 to index
      %get3A_1592 = arith.constant 176 : index
      %get3A_1593 = tpu.vector_load %arg5[%get3A_1591, %get3A_1592] {strides = array<i32>} : memref<128x200xi32, #tpu.memory_space<vmem>>, vector<1x16xi32>,
      %get3A_1594 = vector.shape_cast %get3A_1593 : vector<1x16xi32> to vector<16xi32>
      %max3A_1595 = arith.constant 0 : i32
      %max3A_1596 = vector.broadcast %max3A_1595 : i32 to vector<16xi32>
      %max3A_1597 = arith.maxsi %get3A_1594, %max3A_1596 : vector<16xi32>
      %swap3A_1598 = arith.index_cast %add3A_1458 : i32 to index
      %swap3A_1599 = arith.constant 176 : index
      %swap3A_1600 = tpu.vector_load %arg5[%swap3A_1598, %swap3A_1599] {strides = array<i32>} : memref<128x200xi32, #tpu.memory_space<vmem>>, vector<1x16xi32>,
      %swap3A_1601 = vector.shape_cast %swap3A_1600 : vector<1x16xi32> to vector<16xi32>
      %swap3A_1602 = vector.shape_cast %max3A_1597 : vector<16xi32> to vector<1x16xi32>
      tpu.vector_store %arg5[%swap3A_1598, %swap3A_1599], %swap3A_1602 {strides = array<i32>} : memref<128x200xi32, #tpu.memory_space<vmem>>, vector<1x16xi32>,
      %get3A_1603 = arith.index_cast %add3A_1458 : i32 to index
      %get3A_1604 = arith.constant 184 : index
      %get3A_1605 = tpu.vector_load %arg5[%get3A_1603, %get3A_1604] {strides = array<i32>} : memref<128x200xi32, #tpu.memory_space<vmem>>, vector<1x16xi32>,
      %get3A_1606 = vector.shape_cast %get3A_1605 : vector<1x16xi32> to vector<16xi32>
      %max3A_1607 = arith.constant 0 : i32
      %max3A_1608 = vector.broadcast %max3A_1607 : i32 to vector<16xi32>
      %max3A_1609 = arith.maxsi %get3A_1606, %max3A_1608 : vector<16xi32>
      %swap3A_1610 = arith.index_cast %add3A_1458 : i32 to index
      %swap3A_1611 = arith.constant 184 : index
      %swap3A_1612 = tpu.vector_load %arg5[%swap3A_1610, %swap3A_1611] {strides = array<i32>} : memref<128x200xi32, #tpu.memory_space<vmem>>, vector<1x16xi32>,
      %swap3A_1613 = vector.shape_cast %swap3A_1612 : vector<1x16xi32> to vector<16xi32>
      %swap3A_1614 = vector.shape_cast %max3A_1609 : vector<16xi32> to vector<1x16xi32>
      tpu.vector_store %arg5[%swap3A_1610, %swap3A_1611], %swap3A_1614 {strides = array<i32>} : memref<128x200xi32, #tpu.memory_space<vmem>>, vector<1x16xi32>,
      %dma_wait3A_1615 = arith.constant 0 : i32
      %dma_wait3A_1616 = arith.constant 0 : i32
      %dma_wait3A_1617 = tpu.memref_slice %arg4[%mul3A_2, %dma_wait3A_1615, %dma_wait3A_1616] : memref<4096x200x64xf32, #tpu.memory_space<hbm>> -> memref<1x200x64xf32, #tpu.memory_space<hbm>>
      %dma_wait3A_1618 = tpu.memref_squeeze %dma_wait3A_1617 : memref<1x200x64xf32, #tpu.memory_space<hbm>> -> memref<200x64xf32, #tpu.memory_space<hbm>>
      %dma_wait3A_1619 = arith.constant 0 : i32
      %dma_wait3A_1620 = arith.constant 0 : i32
      %dma_wait3A_1621 = tpu.memref_slice %arg4[%mul3A_2, %dma_wait3A_1619, %dma_wait3A_1620] : memref<4096x200x64xf32, #tpu.memory_space<hbm>> -> memref<1x200x64xf32, #tpu.memory_space<hbm>>
      %dma_wait3A_1622 = tpu.memref_squeeze %dma_wait3A_1621 : memref<1x200x64xf32, #tpu.memory_space<hbm>> -> memref<200x64xf32, #tpu.memory_space<hbm>>
      tpu.wait_dma2 semaphore(%arg17 : memref<!tpu.dma_semaphore, #tpu.memory_space<semaphore_mem>>) src(%arg9 : memref<200x64xf32, #tpu.memory_space<vmem>>) dst(%dma_wait3A_1622 : memref<200x64xf32, #tpu.memory_space<hbm>>)
      %add3A_1623 = arith.constant 4 : i32
      %add3A_1624 = arith.addi %add3A_1440, %add3A_1623 : i32
      %dma_start3A_1625 = arith.constant 0 : i32
      %dma_start3A_1626 = tpu.memref_slice %arg5[%add3A_1624, %dma_start3A_1625] : memref<128x200xi32, #tpu.memory_space<vmem>> -> memref<1x200xi32, #tpu.memory_space<vmem>>
      %dma_start3A_1627 = tpu.memref_squeeze %dma_start3A_1626 : memref<1x200xi32, #tpu.memory_space<vmem>> -> memref<200xi32, #tpu.memory_space<vmem>>
      %dma_start3A_1628 = arith.constant 0 : i32
      %dma_start3A_1629 = arith.constant 0 : i32
      %dma_start3A_1630 = tpu.memref_slice %arg3[%dma_start3A_1628, %dma_start3A_1629] : memref<1000000x64xf32, #tpu.memory_space<hbm>> -> memref<1000000x64xf32, #tpu.memory_space<hbm>>
      tpu.enqueue_indirect_dma source(%dma_start3A_1630 : memref<1000000x64xf32, #tpu.memory_space<hbm>>) target(%arg9 : memref<200x64xf32, #tpu.memory_space<vmem>>) offsets(%dma_start3A_1627 : memref<200xi32, #tpu.memory_space<vmem>>) semaphore(%arg13 : memref<!tpu.dma_semaphore, #tpu.memory_space<semaphore_mem>>)
    }
    %scan3A_758 = arith.constant 31 : i32
    %dma_wait3A = arith.constant 0 : i32
    %dma_wait3A_759 = arith.constant 0 : i32
    %dma_wait3A_760 = tpu.memref_slice %arg5[%dma_wait3A, %dma_wait3A_759] : memref<128x200xi32, #tpu.memory_space<vmem>> -> memref<1x200xi32, #tpu.memory_space<vmem>>
    %dma_wait3A_761 = tpu.memref_squeeze %dma_wait3A_760 : memref<1x200xi32, #tpu.memory_space<vmem>> -> memref<200xi32, #tpu.memory_space<vmem>>
    %dma_wait3A_762 = arith.constant 0 : i32
    %dma_wait3A_763 = arith.constant 0 : i32
    %dma_wait3A_764 = tpu.memref_slice %arg3[%dma_wait3A_762, %dma_wait3A_763] : memref<1000000x64xf32, #tpu.memory_space<hbm>> -> memref<1000000x64xf32, #tpu.memory_space<hbm>>
    tpu.wait_indirect_dma semaphore(%arg10 : memref<!tpu.dma_semaphore, #tpu.memory_space<semaphore_mem>>) src(%dma_wait3A_764 : memref<1000000x64xf32, #tpu.memory_space<hbm>>) dst(%arg6 : memref<200x64xf32, #tpu.memory_space<vmem>>)
    %add3A_765 = arith.constant 124 : i32
    %add3A_766 = arith.addi %mul3A_2, %add3A_765 : i32
    %dma_start3A_767 = arith.constant 0 : i32
    %dma_start3A_768 = arith.constant 0 : i32
    %dma_start3A_769 = tpu.memref_slice %arg4[%add3A_766, %dma_start3A_767, %dma_start3A_768] : memref<4096x200x64xf32, #tpu.memory_space<hbm>> -> memref<1x200x64xf32, #tpu.memory_space<hbm>>
    %dma_start3A_770 = tpu.memref_squeeze %dma_start3A_769 : memref<1x200x64xf32, #tpu.memory_space<hbm>> -> memref<200x64xf32, #tpu.memory_space<hbm>>
    %dma_start3A_771 = arith.constant 0 : i32
    %dma_start3A_772 = arith.constant 0 : i32
    %dma_start3A_773 = tpu.memref_slice %arg4[%add3A_766, %dma_start3A_771, %dma_start3A_772] : memref<4096x200x64xf32, #tpu.memory_space<hbm>> -> memref<1x200x64xf32, #tpu.memory_space<hbm>>
    %dma_start3A_774 = tpu.memref_squeeze %dma_start3A_773 : memref<1x200x64xf32, #tpu.memory_space<hbm>> -> memref<200x64xf32, #tpu.memory_space<hbm>>
    tpu.enqueue_dma source(%arg6 : memref<200x64xf32, #tpu.memory_space<vmem>>) target(%dma_start3A_774 : memref<200x64xf32, #tpu.memory_space<hbm>>) target_semaphore(%arg14 : memref<!tpu.dma_semaphore, #tpu.memory_space<semaphore_mem>>)
    %dma_wait3A_775 = arith.constant 0 : i32
    %dma_wait3A_776 = arith.constant 0 : i32
    %dma_wait3A_777 = tpu.memref_slice %arg5[%dma_wait3A_775, %dma_wait3A_776] : memref<128x200xi32, #tpu.memory_space<vmem>> -> memref<1x200xi32, #tpu.memory_space<vmem>>
    %dma_wait3A_778 = tpu.memref_squeeze %dma_wait3A_777 : memref<1x200xi32, #tpu.memory_space<vmem>> -> memref<200xi32, #tpu.memory_space<vmem>>
    %dma_wait3A_779 = arith.constant 0 : i32
    %dma_wait3A_780 = arith.constant 0 : i32
    %dma_wait3A_781 = tpu.memref_slice %arg3[%dma_wait3A_779, %dma_wait3A_780] : memref<1000000x64xf32, #tpu.memory_space<hbm>> -> memref<1000000x64xf32, #tpu.memory_space<hbm>>
    tpu.wait_indirect_dma semaphore(%arg11 : memref<!tpu.dma_semaphore, #tpu.memory_space<semaphore_mem>>) src(%dma_wait3A_781 : memref<1000000x64xf32, #tpu.memory_space<hbm>>) dst(%arg7 : memref<200x64xf32, #tpu.memory_space<vmem>>)
    %add3A_782 = arith.constant 125 : i32
    %add3A_783 = arith.addi %mul3A_2, %add3A_782 : i32
    %dma_start3A_784 = arith.constant 0 : i32
    %dma_start3A_785 = arith.constant 0 : i32
    %dma_start3A_786 = tpu.memref_slice %arg4[%add3A_783, %dma_start3A_784, %dma_start3A_785] : memref<4096x200x64xf32, #tpu.memory_space<hbm>> -> memref<1x200x64xf32, #tpu.memory_space<hbm>>
    %dma_start3A_787 = tpu.memref_squeeze %dma_start3A_786 : memref<1x200x64xf32, #tpu.memory_space<hbm>> -> memref<200x64xf32, #tpu.memory_space<hbm>>
    %dma_start3A_788 = arith.constant 0 : i32
    %dma_start3A_789 = arith.constant 0 : i32
    %dma_start3A_790 = tpu.memref_slice %arg4[%add3A_783, %dma_start3A_788, %dma_start3A_789] : memref<4096x200x64xf32, #tpu.memory_space<hbm>> -> memref<1x200x64xf32, #tpu.memory_space<hbm>>
    %dma_start3A_791 = tpu.memref_squeeze %dma_start3A_790 : memref<1x200x64xf32, #tpu.memory_space<hbm>> -> memref<200x64xf32, #tpu.memory_space<hbm>>
    tpu.enqueue_dma source(%arg7 : memref<200x64xf32, #tpu.memory_space<vmem>>) target(%dma_start3A_791 : memref<200x64xf32, #tpu.memory_space<hbm>>) target_semaphore(%arg15 : memref<!tpu.dma_semaphore, #tpu.memory_space<semaphore_mem>>)
    %dma_wait3A_792 = arith.constant 0 : i32
    %dma_wait3A_793 = arith.constant 0 : i32
    %dma_wait3A_794 = tpu.memref_slice %arg5[%dma_wait3A_792, %dma_wait3A_793] : memref<128x200xi32, #tpu.memory_space<vmem>> -> memref<1x200xi32, #tpu.memory_space<vmem>>
    %dma_wait3A_795 = tpu.memref_squeeze %dma_wait3A_794 : memref<1x200xi32, #tpu.memory_space<vmem>> -> memref<200xi32, #tpu.memory_space<vmem>>
    %dma_wait3A_796 = arith.constant 0 : i32
    %dma_wait3A_797 = arith.constant 0 : i32
    %dma_wait3A_798 = tpu.memref_slice %arg3[%dma_wait3A_796, %dma_wait3A_797] : memref<1000000x64xf32, #tpu.memory_space<hbm>> -> memref<1000000x64xf32, #tpu.memory_space<hbm>>
    tpu.wait_indirect_dma semaphore(%arg12 : memref<!tpu.dma_semaphore, #tpu.memory_space<semaphore_mem>>) src(%dma_wait3A_798 : memref<1000000x64xf32, #tpu.memory_space<hbm>>) dst(%arg8 : memref<200x64xf32, #tpu.memory_space<vmem>>)
    %add3A_799 = arith.constant 126 : i32
    %add3A_800 = arith.addi %mul3A_2, %add3A_799 : i32
    %dma_start3A_801 = arith.constant 0 : i32
    %dma_start3A_802 = arith.constant 0 : i32
    %dma_start3A_803 = tpu.memref_slice %arg4[%add3A_800, %dma_start3A_801, %dma_start3A_802] : memref<4096x200x64xf32, #tpu.memory_space<hbm>> -> memref<1x200x64xf32, #tpu.memory_space<hbm>>
    %dma_start3A_804 = tpu.memref_squeeze %dma_start3A_803 : memref<1x200x64xf32, #tpu.memory_space<hbm>> -> memref<200x64xf32, #tpu.memory_space<hbm>>
    %dma_start3A_805 = arith.constant 0 : i32
    %dma_start3A_806 = arith.constant 0 : i32
    %dma_start3A_807 = tpu.memref_slice %arg4[%add3A_800, %dma_start3A_805, %dma_start3A_806] : memref<4096x200x64xf32, #tpu.memory_space<hbm>> -> memref<1x200x64xf32, #tpu.memory_space<hbm>>
    %dma_start3A_808 = tpu.memref_squeeze %dma_start3A_807 : memref<1x200x64xf32, #tpu.memory_space<hbm>> -> memref<200x64xf32, #tpu.memory_space<hbm>>
    tpu.enqueue_dma source(%arg8 : memref<200x64xf32, #tpu.memory_space<vmem>>) target(%dma_start3A_808 : memref<200x64xf32, #tpu.memory_space<hbm>>) target_semaphore(%arg16 : memref<!tpu.dma_semaphore, #tpu.memory_space<semaphore_mem>>)
    %dma_wait3A_809 = arith.constant 0 : i32
    %dma_wait3A_810 = arith.constant 0 : i32
    %dma_wait3A_811 = tpu.memref_slice %arg5[%dma_wait3A_809, %dma_wait3A_810] : memref<128x200xi32, #tpu.memory_space<vmem>> -> memref<1x200xi32, #tpu.memory_space<vmem>>
    %dma_wait3A_812 = tpu.memref_squeeze %dma_wait3A_811 : memref<1x200xi32, #tpu.memory_space<vmem>> -> memref<200xi32, #tpu.memory_space<vmem>>
    %dma_wait3A_813 = arith.constant 0 : i32
    %dma_wait3A_814 = arith.constant 0 : i32
    %dma_wait3A_815 = tpu.memref_slice %arg3[%dma_wait3A_813, %dma_wait3A_814] : memref<1000000x64xf32, #tpu.memory_space<hbm>> -> memref<1000000x64xf32, #tpu.memory_space<hbm>>
    tpu.wait_indirect_dma semaphore(%arg13 : memref<!tpu.dma_semaphore, #tpu.memory_space<semaphore_mem>>) src(%dma_wait3A_815 : memref<1000000x64xf32, #tpu.memory_space<hbm>>) dst(%arg9 : memref<200x64xf32, #tpu.memory_space<vmem>>)
    %add3A_816 = arith.constant 127 : i32
    %add3A_817 = arith.addi %mul3A_2, %add3A_816 : i32
    %dma_start3A_818 = arith.constant 0 : i32
    %dma_start3A_819 = arith.constant 0 : i32
    %dma_start3A_820 = tpu.memref_slice %arg4[%add3A_817, %dma_start3A_818, %dma_start3A_819] : memref<4096x200x64xf32, #tpu.memory_space<hbm>> -> memref<1x200x64xf32, #tpu.memory_space<hbm>>
    %dma_start3A_821 = tpu.memref_squeeze %dma_start3A_820 : memref<1x200x64xf32, #tpu.memory_space<hbm>> -> memref<200x64xf32, #tpu.memory_space<hbm>>
    %dma_start3A_822 = arith.constant 0 : i32
    %dma_start3A_823 = arith.constant 0 : i32
    %dma_start3A_824 = tpu.memref_slice %arg4[%add3A_817, %dma_start3A_822, %dma_start3A_823] : memref<4096x200x64xf32, #tpu.memory_space<hbm>> -> memref<1x200x64xf32, #tpu.memory_space<hbm>>
    %dma_start3A_825 = tpu.memref_squeeze %dma_start3A_824 : memref<1x200x64xf32, #tpu.memory_space<hbm>> -> memref<200x64xf32, #tpu.memory_space<hbm>>
    tpu.enqueue_dma source(%arg9 : memref<200x64xf32, #tpu.memory_space<vmem>>) target(%dma_start3A_825 : memref<200x64xf32, #tpu.memory_space<hbm>>) target_semaphore(%arg17 : memref<!tpu.dma_semaphore, #tpu.memory_space<semaphore_mem>>)
    %dma_wait3A_826 = arith.constant 0 : i32
    %dma_wait3A_827 = arith.constant 0 : i32
    %dma_wait3A_828 = tpu.memref_slice %arg4[%mul3A_2, %dma_wait3A_826, %dma_wait3A_827] : memref<4096x200x64xf32, #tpu.memory_space<hbm>> -> memref<1x200x64xf32, #tpu.memory_space<hbm>>
    %dma_wait3A_829 = tpu.memref_squeeze %dma_wait3A_828 : memref<1x200x64xf32, #tpu.memory_space<hbm>> -> memref<200x64xf32, #tpu.memory_space<hbm>>
    %dma_wait3A_830 = arith.constant 0 : i32
    %dma_wait3A_831 = arith.constant 0 : i32
    %dma_wait3A_832 = tpu.memref_slice %arg4[%mul3A_2, %dma_wait3A_830, %dma_wait3A_831] : memref<4096x200x64xf32, #tpu.memory_space<hbm>> -> memref<1x200x64xf32, #tpu.memory_space<hbm>>
    %dma_wait3A_833 = tpu.memref_squeeze %dma_wait3A_832 : memref<1x200x64xf32, #tpu.memory_space<hbm>> -> memref<200x64xf32, #tpu.memory_space<hbm>>
    tpu.wait_dma2 semaphore(%arg14 : memref<!tpu.dma_semaphore, #tpu.memory_space<semaphore_mem>>) src(%arg6 : memref<200x64xf32, #tpu.memory_space<vmem>>) dst(%dma_wait3A_833 : memref<200x64xf32, #tpu.memory_space<hbm>>)
    %dma_wait3A_834 = arith.constant 0 : i32
    %dma_wait3A_835 = arith.constant 0 : i32
    %dma_wait3A_836 = tpu.memref_slice %arg4[%mul3A_2, %dma_wait3A_834, %dma_wait3A_835] : memref<4096x200x64xf32, #tpu.memory_space<hbm>> -> memref<1x200x64xf32, #tpu.memory_space<hbm>>
    %dma_wait3A_837 = tpu.memref_squeeze %dma_wait3A_836 : memref<1x200x64xf32, #tpu.memory_space<hbm>> -> memref<200x64xf32, #tpu.memory_space<hbm>>
    %dma_wait3A_838 = arith.constant 0 : i32
    %dma_wait3A_839 = arith.constant 0 : i32
    %dma_wait3A_840 = tpu.memref_slice %arg4[%mul3A_2, %dma_wait3A_838, %dma_wait3A_839] : memref<4096x200x64xf32, #tpu.memory_space<hbm>> -> memref<1x200x64xf32, #tpu.memory_space<hbm>>
    %dma_wait3A_841 = tpu.memref_squeeze %dma_wait3A_840 : memref<1x200x64xf32, #tpu.memory_space<hbm>> -> memref<200x64xf32, #tpu.memory_space<hbm>>
    tpu.wait_dma2 semaphore(%arg15 : memref<!tpu.dma_semaphore, #tpu.memory_space<semaphore_mem>>) src(%arg7 : memref<200x64xf32, #tpu.memory_space<vmem>>) dst(%dma_wait3A_841 : memref<200x64xf32, #tpu.memory_space<hbm>>)
    %dma_wait3A_842 = arith.constant 0 : i32
    %dma_wait3A_843 = arith.constant 0 : i32
    %dma_wait3A_844 = tpu.memref_slice %arg4[%mul3A_2, %dma_wait3A_842, %dma_wait3A_843] : memref<4096x200x64xf32, #tpu.memory_space<hbm>> -> memref<1x200x64xf32, #tpu.memory_space<hbm>>
    %dma_wait3A_845 = tpu.memref_squeeze %dma_wait3A_844 : memref<1x200x64xf32, #tpu.memory_space<hbm>> -> memref<200x64xf32, #tpu.memory_space<hbm>>
    %dma_wait3A_846 = arith.constant 0 : i32
    %dma_wait3A_847 = arith.constant 0 : i32
    %dma_wait3A_848 = tpu.memref_slice %arg4[%mul3A_2, %dma_wait3A_846, %dma_wait3A_847] : memref<4096x200x64xf32, #tpu.memory_space<hbm>> -> memref<1x200x64xf32, #tpu.memory_space<hbm>>
    %dma_wait3A_849 = tpu.memref_squeeze %dma_wait3A_848 : memref<1x200x64xf32, #tpu.memory_space<hbm>> -> memref<200x64xf32, #tpu.memory_space<hbm>>
    tpu.wait_dma2 semaphore(%arg16 : memref<!tpu.dma_semaphore, #tpu.memory_space<semaphore_mem>>) src(%arg8 : memref<200x64xf32, #tpu.memory_space<vmem>>) dst(%dma_wait3A_849 : memref<200x64xf32, #tpu.memory_space<hbm>>)
    %dma_wait3A_850 = arith.constant 0 : i32
    %dma_wait3A_851 = arith.constant 0 : i32
    %dma_wait3A_852 = tpu.memref_slice %arg4[%mul3A_2, %dma_wait3A_850, %dma_wait3A_851] : memref<4096x200x64xf32, #tpu.memory_space<hbm>> -> memref<1x200x64xf32, #tpu.memory_space<hbm>>
    %dma_wait3A_853 = tpu.memref_squeeze %dma_wait3A_852 : memref<1x200x64xf32, #tpu.memory_space<hbm>> -> memref<200x64xf32, #tpu.memory_space<hbm>>
    %dma_wait3A_854 = arith.constant 0 : i32
    %dma_wait3A_855 = arith.constant 0 : i32
    %dma_wait3A_856 = tpu.memref_slice %arg4[%mul3A_2, %dma_wait3A_854, %dma_wait3A_855] : memref<4096x200x64xf32, #tpu.memory_space<hbm>> -> memref<1x200x64xf32, #tpu.memory_space<hbm>>
    %dma_wait3A_857 = tpu.memref_squeeze %dma_wait3A_856 : memref<1x200x64xf32, #tpu.memory_space<hbm>> -> memref<200x64xf32, #tpu.memory_space<hbm>>
    tpu.wait_dma2 semaphore(%arg17 : memref<!tpu.dma_semaphore, #tpu.memory_space<semaphore_mem>>) src(%arg9 : memref<200x64xf32, #tpu.memory_space<vmem>>) dst(%dma_wait3A_857 : memref<200x64xf32, #tpu.memory_space<hbm>>)
    return
  }
}

</mosaic_0001>

<sc_bundles>
// kernel: kernel.3.cloned.1.call-start
scs
__scs_entry_jumppad:
0x0: {  	(pc) =	sbr.rel $0x88, $3  }
0x1: {  	(tag) =	ssettag $0x0;
	lr =	simm.s32 $0x1  }
0x2: {  	[smem:$0x3F9F] =	sst lr;
	_ =	strace $0xD0000000  }
0x3: {  	_ = 	snop  }
0x4: {  	_ = 	snop  }
0x5: {  	_ = 	snop  }
0x6: {  	_ = 	snop  }
0x7: {  	_ = 	snop  }
__scs_overlays_trampoline_lowered:
0x8: {  	[smem:$0x3FAE] =	sst s0  }
0x9: {  	[smem:$0x3FAF] =	sst s1  }
0xa: {  	[smem:$0x3FB0] =	sst s2  }
0xb: {  	[smem:$0x3FB1] =	sst s3  }
0xc: {  	[smem:$0x3FB2] =	sst s4  }
0xd: {  	[smem:$0x3FB3] =	sst s5  }
0xe: {  	[smem:$0x3FB4] =	sst s6  }
0xf: {  	[smem:$0x3FB5] =	sst s7  }
0x10: {  	[smem:$0x3FB6] =	sst s8  }
0x11: {  	[smem:$0x3FB7] =	sst s9;
	s0 =	simm.s32 @!p0 $0x0  }
0x12: {  	s1 =	sld [smem:$0x3F9D];
	s0 =	simm.s32 @p0 $0x1  }
0x13: {  	[smem:$0x3FB8] =	sst s0;
	s0 =	simm.s32 @!p1 $0x0  }
0x14: {  	s2 =	sld [smem:$0x3F9C];
	s0 =	simm.s32 @p1 $0x1  }
0x15: {  	[smem:$0x3FB9] =	sst s0;
	s0 =	simm.s32 @!p2 $0x0  }
0x16: {  	s3 =	sld [smem:$0x3FDB];
	s0 =	simm.s32 @p2 $0x1  }
0x17: {  	s4 =	simm.s32 $0x1BF5;
	[smem:$0x3FBB] =	sst s0  }
0x18: {  	s0 =	sld [smem:$0x3F9E];
	_ =	swait.ge [sflag:s4], $0x0  }
0x19: {  	s7 =	sld [smem:$0x3F9F]  }
0x1a: {  	s8 =	sadd.s32 $0xFFFFE003, lr  }
0x1b: {  	s9 =	sadd.s32 $0xFFFFFEF7, lr;
	s5 =	simm.s32 $0xFFFFFFFF;
	p2 =	slt.u32 s8, $0xFFFFF086  }
0x1c: {  	p1 =	slt.u32 s9, $0xF7A;
	s5 =	simm.s32 @!p2 $0x0  }
0x1d: {  	s5 =	simm.s32 @p1 $0x1;
	p0 =	seq.s32 s7, s2  }
0x1e: {  	s7 =	smul.u32 @!p0 $0xF7A, s2;
	p2 =	seq.s32 @!p0 s5, $0x0  }
0x1f: {  	s9 =	smul.u32 $0xF7A, s1;
	s8 =	simm.s32 @!p0 $0x1BF5;
	p2 =	por !p2, p0  }
0x20: {  	[sflag:s8] =	ssyncset.s32 @!p0 $0xFFFFF086;
	s6 =	sadd.s32 @!p0 s3, s7;
	s7 =	simm.s32 @!p0 $0x108  }
0x21: {  	s3 =	sadd.s32 s3, s9;
	s6 =	sadd.s32 @!p0 $0x88, s6;
	s7 =	simm.s32 @p2 $0x1082  }
0x22: {  	[simem:s7], [sflag:s8] =	dma.local @!p0 [hbm:s6], $0xF7A  }
0x23: {  	s9 =	sor.u32 $0xD0000000, s2;
	s6 =	simm.s32 $0x108;
	_ =	swait.ge @!p0 [sflag:s8], $0x0  }
0x24: {  	s3 =	sadd.s32 $0x88, s3;
	s6 =	simm.s32 @!p1 $0x1082;
	[sflag:s4] =	ssyncset.s32 $0xFFFFF086  }
0x25: {  	[simem:s6], [sflag:s4] =	dma.local [hbm:s3], $0xF7A  }
0x26: {  	[smem:$0x3F9F] =	sst s1;
	(tag) =	ssettag s2;
	_ =	strace s9  }
0x27: {  	s1 =	sld [smem:$0x3FAF]  }
0x28: {  	s2 =	sld [smem:$0x3FB0]  }
0x29: {  	s4 =	sld [smem:$0x3FB2]  }
0x2a: {  	p0 =	seq.s32 s5, $0x0;
	s5 =	sld [smem:$0x3FB3]  }
0x2b: {  	s6 =	sld [smem:$0x3FB4]  }
0x2c: {  	s7 =	sld [smem:$0x3FB5]  }
0x2d: {  	s3 =	simm.s32 $0x108;
	s8 =	sld [smem:$0x3FB6]  }
0x2e: {  	s3 =	simm.s32 @!p0 $0x1082;
	s9 =	sld [smem:$0x3FB7]  }
0x2f: {  	lr =	sadd.s32 s0, s3;
	s0 =	sld [smem:$0x3FAE]  }
0x30: {  	s3 =	sld [smem:$0x3FB1]  }
0x31: {  	[smem:$0x3FBA] =	sst s10  }
0x32: {  	s10 =	sld [smem:$0x3FB8];
	_ =	sdelay $0x3  }
0x33: {  	p0 =	seq.s32 s10, $0x1;
	s10 =	sld [smem:$0x3FBA];
	_ =	sdelay $0x3  }
0x34: {  	[smem:$0x3FBA] =	sst s10  }
0x35: {  	s10 =	sld [smem:$0x3FB9];
	_ =	sdelay $0x3  }
0x36: {  	p1 =	seq.s32 s10, $0x1;
	s10 =	sld [smem:$0x3FBA];
	_ =	sdelay $0x3  }
0x37: {  	[smem:$0x3FBA] =	sst s10  }
0x38: {  	s10 =	sld [smem:$0x3FBB]  }
0x39: {  	_ = 	snop;
	(pc) =	sbr.ind lr, $3  }
0x3a: {  	_ = 	snop  }
0x3b: {  	_ = 	snop  }
0x3c: {  	p2 =	seq.s32 s10, $0x1;
	s10 =	sld [smem:$0x3FBA]  }
0x3d: {  	_ =	shalt  }
0x3e: {  	_ =	shalt  }
0x3f: {  	_ =	shalt  }
0x40: {  	_ =	shalt  }
0x41: {  	_ =	shalt  }
0x42: {  	_ =	shalt  }
0x43: {  	_ =	shalt  }
0x44: {  	_ =	shalt  }
0x45: {  	_ =	shalt  }
0x46: {  	_ =	shalt  }
0x47: {  	_ =	shalt  }
0x48: {  	_ =	shalt  }
0x49: {  	_ =	shalt  }
0x4a: {  	_ =	shalt  }
0x4b: {  	_ =	shalt  }
0x4c: {  	_ =	shalt  }
0x4d: {  	_ =	shalt  }
0x4e: {  	_ =	shalt  }
0x4f: {  	_ =	shalt  }
0x50: {  	_ =	shalt  }
0x51: {  	_ =	shalt  }
0x52: {  	_ =	shalt  }
0x53: {  	_ =	shalt  }
0x54: {  	_ =	shalt  }
0x55: {  	_ =	shalt  }
0x56: {  	_ =	shalt  }
0x57: {  	_ =	shalt  }
0x58: {  	_ =	shalt  }
0x59: {  	_ =	shalt  }
0x5a: {  	_ =	shalt  }
0x5b: {  	_ =	shalt  }
0x5c: {  	_ =	shalt  }
0x5d: {  	_ =	shalt  }
0x5e: {  	_ =	shalt  }
0x5f: {  	_ =	shalt  }
0x60: {  	_ =	shalt  }
0x61: {  	_ =	shalt  }
0x62: {  	_ =	shalt  }
0x63: {  	_ =	shalt  }
0x64: {  	_ =	shalt  }
0x65: {  	_ =	shalt  }
0x66: {  	_ =	shalt  }
0x67: {  	_ =	shalt  }
0x68: {  	_ =	shalt  }
0x69: {  	_ =	shalt  }
0x6a: {  	_ =	shalt  }
0x6b: {  	_ =	shalt  }
0x6c: {  	_ =	shalt  }
0x6d: {  	_ =	shalt  }
0x6e: {  	_ =	shalt  }
0x6f: {  	_ =	shalt  }
0x70: {  	_ =	shalt  }
0x71: {  	_ =	shalt  }
0x72: {  	_ =	shalt  }
0x73: {  	_ =	shalt  }
0x74: {  	_ =	shalt  }
0x75: {  	_ =	shalt  }
0x76: {  	_ =	shalt  }
0x77: {  	_ =	shalt  }
0x78: {  	_ =	shalt  }
0x79: {  	_ =	shalt  }
0x7a: {  	_ =	shalt  }
0x7b: {  	_ =	shalt  }
0x7c: {  	_ =	shalt  }
0x7d: {  	_ =	shalt  }
0x7e: {  	_ =	shalt  }
0x7f: {  	_ =	shalt  }
0x80: {  	_ =	shalt  }
0x81: {  	_ =	shalt  }
0x82: {  	_ =	shalt  }
0x83: {  	_ =	shalt  }
0x84: {  	_ =	shalt  }
0x85: {  	_ =	shalt  }
0x86: {  	_ =	shalt  }
0x87: {  	_ =	shalt  }
.Lfunc_end0:
.L_simem_size_0:
called_computation.1_lowered:
.L_overlay_start_0:
0x88: {  	s2 =	sld [smem:$0x3FD9]  }
0x89: {  	s3 =	sld [smem:$0x3FFE];
	_ =	sdelay $0x1  }
0x8a: {  	s1 =	srdreg.scid  }
0x8b: {  	s0 =	sand.u32 $0x1, s1  }
0x8c: {  	s17 =	sshll.u32 s0, $0xA;
	s2 =	sadd.s32 s3, s2  }
0x8d: {  	s2 =	sadd.s32 s2, s17  }
0x8e: {  	[smem:$0x3FC6] =	sst s2  }
0x8f: {  	_ = 	snop  }
0x90: {  	s2 =	sld [smem:$0x3FD0];
	(tm) =	ssettm $0x1  }
0x91: {  	s18 =	sld [smem:$0x3FFB];
	_ =	sdelay $0x3  }
0x92: {  	_ =	strace s18  }
0x93: {  	s3 =	sld [smem:$0x3FFC];
	_ =	sdelay $0x3  }
0x94: {  	_ =	strace s3  }
0x95: {  	s3 =	sld [smem:$0x3FFD];
	_ =	sdelay $0x3  }
0x96: {  	_ =	strace s3  }
0x97: {  	_ =	strace $0x8FFFFFFF  }
0x98: {  	s19 =	sld [smem:$0x3FDB];
	_ =	sdelay $0x1  }
0x99: {  	s4 =	simm.s32 $_scs_section_size  }
0x9a: {  	s5 =	simm.s32 $_size__tile_overlayer_lowered;
	s6 =	simm.s32 $_tile_overlayer_lowered  }
0x9b: {  	s22 =	simm.s32 $0x1BFF;
	s21 =	sshll.u32 s6, $0x1;
	s3 =	sadd.s32 s4, s19  }
0x9c: {  	s7 =	simm.s32 $0x0;
	s20 =	sshll.u32 s5, $0x1;
	s5 =	sadd.s32 s21, s3  }
0x9d: {  	[timem:s7], [sflag:s22] =	dma.local [hbm:s5], s20  }
0x9e: {  	_ =	swait.ge [sflag:s22], s20  }
0x9f: {  	s4 =	ssub.s32 $0x0, s20;
	[sflag:s22] =	ssyncset.done $0x0  }
0xa0: {  	[sflag:s22] =	ssyncadd.s32 s4;
	_ =	sdelay $0x1  }
0xa1: {  	s23 =	simm.s32 $0x1B8B  }
0xa2: {  	_ =	swait.ge [sflag:s23], $0x1  }
0xa3: {  	[sflag:s23] =	ssyncset.done $0x0  }
0xa4: {  	s25 =	simm.s32 $0x1B8E;
	s24 =	sld [smem:$0x3FFE];
	[sflag:s23] =	ssyncadd.s32 $0xFFFFFFFF  }
0xa5: {  	s26 =	simm.s32 $execute0_lowered;
	[smem:$0x3FD2] =	sst s25  }
0xa6: {  	s5 =	sshll.u32 s26, $0x1;
	_ =	strace $0x80000046;
	[dreg:$0x1] =	wrdreg $0xFFFFFFFF  }
0xa7: {  	s28 =	simm.s32 $_size_execute0_lowered;
	s3 =	sadd.s32 s3, s5;
	[dreg:$0x0] =	wrdreg $0x0  }
0xa8: {  	s5 =	sshll.u32 s28, $0x1;
	[dreg:$0x2] =	wrdreg s3  }
0xa9: {  	[dreg:$0x3] =	wrdreg s5  }
0xaa: {  	[dreg:$0x4] =	wrdreg $0xC0  }
0xab: {  	_ =	task [dreg:s7], $0x5FFFF  }
0xac: {  	[dreg:$0x1] =	wrdreg $0xFFFFFFFF  }
0xad: {  	[dreg:$0x0] =	wrdreg $0x60  }
0xae: {  	[dreg:$0x2] =	wrdreg s24  }
0xaf: {  	[dreg:$0x3] =	wrdreg s2  }
0xb0: {  	[dreg:$0x4] =	wrdreg $0x9  }
0xb1: {  	_ =	task.clear_ibuf [dreg:s7], $0x5FFFF;
	_ =	strace $0x90000046  }
0xb2: {  	s29 =	simm.s32 $0x9;
	_ =	strace $0x80000048  }
0xb3: {  	_ =	swait.ge [sflag:s29], $0x1  }
0xb4: {  	[sflag:s29] =	ssyncadd.s32 $0xFFFFFFFF  }
0xb5: {  	_ =	strace $0x90000048  }
0xb6: {  	_ =	sfence  }
0xb7: {  	s30 =	sld [smem:$0x0];
	_ =	sdelay $0x2  }
0xb8: {  	s31 =	sshll.u32 s1, $0xD;
	s1 =	sshrl.u32 s1, $0x2  }
0xb9: {  	s3 =	sand.u32 $0x4000, s31;
	s1 =	sadd.s32 s1, s30  }
0xba: {  	s0 =	sor.u32 s3, s0;
	s1 =	sshll.u32 s1, $0x11  }
0xbb: {  	s0 =	sor.u32 s1, s0  }
0xbc: {  	s0 =	sadd.s32 $0x8F2B, s0  }
0xbd: {  	[sflag:s0] =	ssyncadd.remote.s32 $0x1  }
0xbe: {  	_ =	sfence.sel $0xFFFF  }
0xbf: {  	[dreg:$0x0] =	wrdreg $0xFFFFFFFF;
	(pc) =	sbr.abs _section_cstart, $3  }
0xc0: {  	[dreg:$0x1] =	wrdreg $0xFFFFFFFF  }
0xc1: {  	_ =	task.clear_ibuf [dreg:s7], $0x2FFFF;
	_ =	strace $0x9FFFFFFF  }
0xc2: {  	(tm) =	ssettm $0x7FFFFFFF  }
0xc3: {  	_ =	shalt  }
tec
execute0_lowered:
.L_overlay_start_1:
0x0: {  	(tag) =	ssettag $0x1  }
0x1: {  	s1 =	srdreg.scid;
	s3 =	rddreg [dreg:$0x0]  }
0x2: {  	s0 =	stileid.u32;
	s10 =	rddreg [dreg:$0x1];
	s12 =	simm.s32 $0xC8  }
0x3: {  	s13 =	simm.s32 $0x6400;
	s14 =	simm.s32 $0x9600;
	s15 =	simm.s32 $0x190  }
0x4: {  	s16 =	simm.s32 $0xC800;
	s17 =	simm.s32 $0x258;
	s18 =	simm.s32 $0xFA00  }
0x5: {  	s19 =	simm.s32 $0x1;
	s20 =	simm.s32 $0x5;
	s21 =	simm.s32 $0x2  }
0x6: {  	s22 =	simm.s32 $0x6;
	s23 =	simm.s32 $0x3;
	s24 =	simm.s32 $0x7  }
0x7: {  	s25 =	simm.s32 $0x4;
	s26 =	simm.s32 $0x8;
	s1 =	sand.u32 $0x1, s1  }
0x8: {  	s28 =	simm.s32 $0x0;
	s2 =	sshll.u32 s0, $0x8;
	s4 =	sshll.u32 s1, $0x7  }
0x9: {  	s11 =	smul.u32 $0x64000, s0;
	s6 =	ssub.s32 $0x2, s1;
	s4 =	sor.u32 s4, s2  }
0xa: {  	s2 =	simm.s32 $0x0;
	s7 =	sshrl.u32 s6, $0x1;
	s5 =	smul.u32 $0x19, s4  }
0xb: {  	[smem:$0x7FF] =	sst s2;
	s4 =	smul.u32 $0x3200, s4;
	s9 =	ssub.s32 s6, s7  }
0xc: {  	s1 =	smul.u32 $0x32000, s1;
	_ =	strace $0x80000047;
	s9 =	smax.u32 s9, $0x1  }
0xd: {  	s5 =	sadd.s32 s5, s3;
	s4 =	sshrl.u32 s4, $0x3;
	s3 =	sadd.s32 $0xF42E00, s3  }
0xe: {  	s8 =	sadd.s32 s10, s4;
	s4 =	sadd.s32 $0xA00, s5;
	s10 =	sadd.s32 s11, s10  }
0xf: {  	s11 =	simm.s32 $0x9;
	s5 =	sadd.s32 $0x30700, s8;
	s6 =	sadd.s32 $0x30D40, s8  }
0x10: {  	s7 =	sadd.s32 $0x31380, s8;
	s8 =	sadd.s32 $0x319C0, s8;
	s10 =	sadd.s32 s1, s10  }
.LBB2_1:
0x11: {  	[tilespmem:s2], [sflag:$0x9] =	stream.linear.gather [hbm4b:s4+s2], $0x6400, $0x38;
	[tilespmem:$0x12C00] =	vst v63  }
0x12: {  	_ =	swait.ge [sflag:s11], $0x6400  }
0x13: {  	[sflag:s11] =	ssyncset.done $0x0  }
0x14: {  	[sflag:s11] =	ssyncadd.s32 $0xFFFF9C00  }
0x15: {  	v0 =	vld [tilespmem:$0x0]  }
0x16: {  	v1 =	vld [tilespmem:$0x10]  }
0x17: {  	v2 =	vld [tilespmem:$0x20]  }
0x18: {  	v3 =	vld [tilespmem:$0x30]  }
0x19: {  	v4 =	vld [tilespmem:$0xB0]  }
0x1a: {  	v5 =	vld [tilespmem:$0x40];
	vm0 =	vgt.s32 v0, $0x0  }
0x1b: {  	v6 =	vld [tilespmem:$0x50];
	vm11 =	vgt.s32 v1, $0x0;
	v0 =	vnsel vm0, $0x0, v0  }
0x1c: {  	v37 =	vld [tilespmem:$0x60];
	vm12 =	vgt.s32 v2, $0x0;
	v36 =	vnsel vm11, $0x0, v1;
	[tilespmem:$0x0] =	vst v0  }
0x1d: {  	v39 =	vld [tilespmem:$0x70];
	vm13 =	vgt.s32 v3, $0x0;
	v38 =	vnsel vm12, $0x0, v2;
	[tilespmem:$0x10] =	vst v36  }
0x1e: {  	v41 =	vld [tilespmem:$0x80];
	vm14 =	vgt.s32 v4, $0x0;
	v40 =	vnsel vm13, $0x0, v3;
	[tilespmem:$0x20] =	vst v38  }
0x1f: {  	v7 =	vld [tilespmem:$0xA0];
	vm1 =	vgt.s32 v5, $0x0;
	v4 =	vnsel vm14, $0x0, v4;
	[tilespmem:$0x30] =	vst v40  }
0x20: {  	v42 =	vld [tilespmem:$0x90];
	vm15 =	vgt.s32 v6, $0x0;
	v5 =	vnsel vm1, $0x0, v5;
	[tilespmem:$0xB0] =	vst v4  }
0x21: {  	vm4 =	vgt.s32 v37, $0x0;
	v43 =	vnsel vm15, $0x0, v6;
	[tilespmem:$0x40] =	vst v5;
	v44 =	vld [tilespmem:$0xB8]  }
0x22: {  	vm5 =	vgt.s32 v39, $0x0;
	v1 =	vnsel vm4, $0x0, v37;
	[tilespmem:$0x50] =	vst v43  }
0x23: {  	vm6 =	vgt.s32 v41, $0x0;
	v45 =	vnsel vm5, $0x0, v39;
	[tilespmem:$0x60] =	vst v1  }
0x24: {  	vm8 =	vgt.s32 v7, $0x0;
	v46 =	vnsel vm6, $0x0, v41;
	[tilespmem:$0x70] =	vst v45  }
0x25: {  	vm7 =	vgt.s32 v42, $0x0;
	v47 =	vnsel vm8, $0x0, v7;
	[tilespmem:$0x80] =	vst v46  }
0x26: {  	v0 =	vnsel vm7, $0x0, v42;
	[tilespmem:$0xA0] =	vst v47;
	vm9 =	vgt.s32 v44, $0x0  }
0x27: {  	[tilespmem:$0x90] =	vst v0;
	v48 =	vnsel vm9, $0x0, v44  }
0x28: {  	[tilespmem:$0xB8] =	vst v48  }
0x29: {  	[tilespmem:s13], [sflag:$0x1] =	stream.indirect.gather [hbm4b:s3+s12], $0x40, s2, s12, $0xb8;
	[tilespmem:$0x12C00] =	vst v63  }
0x2a: {  	v49 =	vld [tilespmem:$0xC8]  }
0x2b: {  	v50 =	vld [tilespmem:$0xD8]  }
0x2c: {  	v51 =	vld [tilespmem:$0xE8]  }
0x2d: {  	v52 =	vld [tilespmem:$0xF8]  }
0x2e: {  	v53 =	vld [tilespmem:$0x178]  }
0x2f: {  	v54 =	vld [tilespmem:$0x108];
	vm10 =	vgt.s32 v49, $0x0  }
0x30: {  	v55 =	vld [tilespmem:$0x118];
	vm11 =	vgt.s32 v50, $0x0;
	v0 =	vnsel vm10, $0x0, v49  }
0x31: {  	v57 =	vld [tilespmem:$0x128];
	vm12 =	vgt.s32 v51, $0x0;
	v56 =	vnsel vm11, $0x0, v50;
	[tilespmem:$0xC8] =	vst v0  }
0x32: {  	v59 =	vld [tilespmem:$0x138];
	vm13 =	vgt.s32 v52, $0x0;
	v58 =	vnsel vm12, $0x0, v51;
	[tilespmem:$0xD8] =	vst v56  }
0x33: {  	v61 =	vld [tilespmem:$0x148];
	vm14 =	vgt.s32 v53, $0x0;
	v60 =	vnsel vm13, $0x0, v52;
	[tilespmem:$0xE8] =	vst v58  }
0x34: {  	v63 =	vld [tilespmem:$0x168];
	vm15 =	vgt.s32 v54, $0x0;
	v4 =	vnsel vm14, $0x0, v53;
	[tilespmem:$0xF8] =	vst v60  }
0x35: {  	v62 =	vld [tilespmem:$0x158];
	vm4 =	vgt.s32 v55, $0x0;
	v5 =	vnsel vm15, $0x0, v54;
	[tilespmem:$0x178] =	vst v4  }
0x36: {  	vm5 =	vgt.s32 v57, $0x0;
	v9 =	vnsel vm4, $0x0, v55;
	[tilespmem:$0x108] =	vst v5;
	v10 =	vld [tilespmem:$0x180]  }
0x37: {  	vm6 =	vgt.s32 v59, $0x0;
	v1 =	vnsel vm5, $0x0, v57;
	[tilespmem:$0x118] =	vst v9  }
0x38: {  	vm7 =	vgt.s32 v61, $0x0;
	v11 =	vnsel vm6, $0x0, v59;
	[tilespmem:$0x128] =	vst v1  }
0x39: {  	vm9 =	vgt.s32 v63, $0x0;
	v12 =	vnsel vm7, $0x0, v61;
	[tilespmem:$0x138] =	vst v11  }
0x3a: {  	vm8 =	vgt.s32 v62, $0x0;
	v13 =	vnsel vm9, $0x0, v63;
	[tilespmem:$0x148] =	vst v12  }
0x3b: {  	v0 =	vnsel vm8, $0x0, v62;
	[tilespmem:$0x168] =	vst v13;
	vm10 =	vgt.s32 v10, $0x0  }
0x3c: {  	[tilespmem:$0x158] =	vst v0;
	v14 =	vnsel vm10, $0x0, v10  }
0x3d: {  	[tilespmem:$0x180] =	vst v14  }
0x3e: {  	[tilespmem:s14], [sflag:$0x2] =	stream.indirect.gather [hbm4b:s3+s12], $0x40, s12, s12, $0xb8;
	[tilespmem:$0x12C00] =	vst v63  }
0x3f: {  	v15 =	vld [tilespmem:$0x190]  }
0x40: {  	v16 =	vld [tilespmem:$0x1A0]  }
0x41: {  	v17 =	vld [tilespmem:$0x1B0]  }
0x42: {  	v18 =	vld [tilespmem:$0x1C0]  }
0x43: {  	v19 =	vld [tilespmem:$0x240]  }
0x44: {  	v20 =	vld [tilespmem:$0x1D0];
	vm11 =	vgt.s32 v15, $0x0  }
0x45: {  	v21 =	vld [tilespmem:$0x1E0];
	vm12 =	vgt.s32 v16, $0x0;
	v0 =	vnsel vm11, $0x0, v15  }
0x46: {  	v23 =	vld [tilespmem:$0x1F0];
	vm13 =	vgt.s32 v17, $0x0;
	v22 =	vnsel vm12, $0x0, v16;
	[tilespmem:$0x190] =	vst v0  }
0x47: {  	v25 =	vld [tilespmem:$0x200];
	vm14 =	vgt.s32 v18, $0x0;
	v24 =	vnsel vm13, $0x0, v17;
	[tilespmem:$0x1A0] =	vst v22  }
0x48: {  	v27 =	vld [tilespmem:$0x210];
	vm15 =	vgt.s32 v19, $0x0;
	v26 =	vnsel vm14, $0x0, v18;
	[tilespmem:$0x1B0] =	vst v24  }
0x49: {  	v29 =	vld [tilespmem:$0x230];
	vm4 =	vgt.s32 v20, $0x0;
	v4 =	vnsel vm15, $0x0, v19;
	[tilespmem:$0x1C0] =	vst v26  }
0x4a: {  	v28 =	vld [tilespmem:$0x220];
	vm5 =	vgt.s32 v21, $0x0;
	v5 =	vnsel vm4, $0x0, v20;
	[tilespmem:$0x240] =	vst v4  }
0x4b: {  	vm6 =	vgt.s32 v23, $0x0;
	v30 =	vnsel vm5, $0x0, v21;
	[tilespmem:$0x1D0] =	vst v5;
	v31 =	vld [tilespmem:$0x248]  }
0x4c: {  	vm7 =	vgt.s32 v25, $0x0;
	v1 =	vnsel vm6, $0x0, v23;
	[tilespmem:$0x1E0] =	vst v30  }
0x4d: {  	vm8 =	vgt.s32 v27, $0x0;
	v32 =	vnsel vm7, $0x0, v25;
	[tilespmem:$0x1F0] =	vst v1  }
0x4e: {  	vm10 =	vgt.s32 v29, $0x0;
	v33 =	vnsel vm8, $0x0, v27;
	[tilespmem:$0x200] =	vst v32  }
0x4f: {  	vm9 =	vgt.s32 v28, $0x0;
	v34 =	vnsel vm10, $0x0, v29;
	[tilespmem:$0x210] =	vst v33  }
0x50: {  	v0 =	vnsel vm9, $0x0, v28;
	[tilespmem:$0x230] =	vst v34;
	vm11 =	vgt.s32 v31, $0x0  }
0x51: {  	[tilespmem:$0x220] =	vst v0;
	v35 =	vnsel vm11, $0x0, v31  }
0x52: {  	[tilespmem:$0x248] =	vst v35  }
0x53: {  	[tilespmem:s16], [sflag:$0x3] =	stream.indirect.gather [hbm4b:s3+s12], $0x40, s15, s12, $0xb8;
	[tilespmem:$0x12C00] =	vst v63  }
0x54: {  	v36 =	vld [tilespmem:$0x258]  }
0x55: {  	v37 =	vld [tilespmem:$0x268]  }
0x56: {  	v38 =	vld [tilespmem:$0x278]  }
0x57: {  	v39 =	vld [tilespmem:$0x288]  }
0x58: {  	v40 =	vld [tilespmem:$0x308]  }
0x59: {  	v41 =	vld [tilespmem:$0x298];
	vm12 =	vgt.s32 v36, $0x0  }
0x5a: {  	v42 =	vld [tilespmem:$0x2A8];
	vm13 =	vgt.s32 v37, $0x0;
	v0 =	vnsel vm12, $0x0, v36  }
0x5b: {  	v44 =	vld [tilespmem:$0x2B8];
	vm14 =	vgt.s32 v38, $0x0;
	v43 =	vnsel vm13, $0x0, v37;
	[tilespmem:$0x258] =	vst v0  }
0x5c: {  	v46 =	vld [tilespmem:$0x2C8];
	vm15 =	vgt.s32 v39, $0x0;
	v45 =	vnsel vm14, $0x0, v38;
	[tilespmem:$0x268] =	vst v43  }
0x5d: {  	v48 =	vld [tilespmem:$0x2D8];
	vm4 =	vgt.s32 v40, $0x0;
	v47 =	vnsel vm15, $0x0, v39;
	[tilespmem:$0x278] =	vst v45  }
0x5e: {  	v50 =	vld [tilespmem:$0x2F8];
	vm5 =	vgt.s32 v41, $0x0;
	v4 =	vnsel vm4, $0x0, v40;
	[tilespmem:$0x288] =	vst v47  }
0x5f: {  	v49 =	vld [tilespmem:$0x2E8];
	vm6 =	vgt.s32 v42, $0x0;
	v5 =	vnsel vm5, $0x0, v41;
	[tilespmem:$0x308] =	vst v4  }
0x60: {  	vm7 =	vgt.s32 v44, $0x0;
	v51 =	vnsel vm6, $0x0, v42;
	[tilespmem:$0x298] =	vst v5;
	v52 =	vld [tilespmem:$0x310]  }
0x61: {  	vm8 =	vgt.s32 v46, $0x0;
	v1 =	vnsel vm7, $0x0, v44;
	[tilespmem:$0x2A8] =	vst v51  }
0x62: {  	vm9 =	vgt.s32 v48, $0x0;
	v53 =	vnsel vm8, $0x0, v46;
	[tilespmem:$0x2B8] =	vst v1  }
0x63: {  	vm11 =	vgt.s32 v50, $0x0;
	v54 =	vnsel vm9, $0x0, v48;
	[tilespmem:$0x2C8] =	vst v53  }
0x64: {  	vm10 =	vgt.s32 v49, $0x0;
	v55 =	vnsel vm11, $0x0, v50;
	[tilespmem:$0x2D8] =	vst v54  }
0x65: {  	v0 =	vnsel vm10, $0x0, v49;
	[tilespmem:$0x2F8] =	vst v55;
	vm12 =	vgt.s32 v52, $0x0  }
0x66: {  	[tilespmem:$0x2E8] =	vst v0;
	v56 =	vnsel vm12, $0x0, v52  }
0x67: {  	[tilespmem:$0x310] =	vst v56  }
0x68: {  	[tilespmem:s18], [sflag:$0x4] =	stream.indirect.gather [hbm4b:s3+s12], $0x40, s17, s12, $0xb8;
	[tilespmem:$0x12C00] =	vst v63  }
0x69: {  	_ =	swait.ge [sflag:s19], $0x3200  }
0x6a: {  	[sflag:s19] =	ssyncset.done $0x0  }
0x6b: {  	s29 =	simm.s32 $0x0;
	[sflag:s19] =	ssyncadd.s32 $0xFFFFCE00  }
0x6c: {  	[hbm4b:s10+s2] =	stream.linear.scatter [tilespmem:s13], [sflag:$0x5], $0x3200, $0x38;
	[tilespmem:$0x12C00] =	vst v63  }
0x6d: {  	v57 =	vld [tilespmem:s29+$0x360]  }
0x6e: {  	v61 =	vld [tilespmem:s29+$0x370]  }
0x6f: {  	v62 =	vld [tilespmem:s29+$0x380]  }
0x70: {  	v63 =	vld [tilespmem:s29+$0x390]  }
0x71: {  	v60 =	vld [tilespmem:s29+$0x3D0]  }
0x72: {  	v12 =	vld [tilespmem:s29+$0x3A0];
	vm13 =	vgt.s32 v57, $0x0  }
0x73: {  	v58 =	vld [tilespmem:s29+$0x350];
	vm14 =	vgt.s32 v61, $0x0;
	v0 =	vnsel vm13, $0x0, v57  }
0x74: {  	v59 =	vld [tilespmem:s29+$0x340];
	vm15 =	vgt.s32 v62, $0x0;
	v13 =	vnsel vm14, $0x0, v61;
	[tilespmem:s29+$0x360] =	vst v0  }
0x75: {  	v9 =	vld [tilespmem:s29+$0x330];
	vm4 =	vgt.s32 v63, $0x0;
	v15 =	vnsel vm15, $0x0, v62;
	[tilespmem:s29+$0x370] =	vst v13  }
0x76: {  	v16 =	vld [tilespmem:s29+$0x3C0];
	vm5 =	vgt.s32 v60, $0x0;
	v17 =	vnsel vm4, $0x0, v63;
	[tilespmem:s29+$0x380] =	vst v15  }
0x77: {  	v14 =	vld [tilespmem:s29+$0x3B0];
	vm6 =	vgt.s32 v12, $0x0;
	v3 =	vnsel vm5, $0x0, v60;
	[tilespmem:s29+$0x390] =	vst v17  }
0x78: {  	v8 =	vld [tilespmem:s29+$0x320];
	vm7 =	vgt.s32 v58, $0x0;
	v18 =	vnsel vm6, $0x0, v12;
	[tilespmem:s29+$0x3D0] =	vst v3  }
0x79: {  	vm8 =	vgt.s32 v59, $0x0;
	v19 =	vnsel vm7, $0x0, v58;
	[tilespmem:s29+$0x3A0] =	vst v18;
	v20 =	vld [tilespmem:s29+$0x3D8]  }
0x7a: {  	vm9 =	vgt.s32 v9, $0x0;
	v2 =	vnsel vm8, $0x0, v59;
	[tilespmem:s29+$0x350] =	vst v19  }
0x7b: {  	vm10 =	vgt.s32 v16, $0x0;
	v21 =	vnsel vm9, $0x0, v9;
	[tilespmem:s29+$0x340] =	vst v2  }
0x7c: {  	vm11 =	vgt.s32 v14, $0x0;
	v22 =	vnsel vm10, $0x0, v16;
	[tilespmem:s29+$0x330] =	vst v21  }
0x7d: {  	vm12 =	vgt.s32 v8, $0x0;
	v23 =	vnsel vm11, $0x0, v14;
	[tilespmem:s29+$0x3C0] =	vst v22  }
0x7e: {  	v24 =	vnsel vm12, $0x0, v8;
	[tilespmem:s29+$0x3B0] =	vst v23;
	vm13 =	vgt.s32 v20, $0x0  }
0x7f: {  	[tilespmem:s29+$0x320] =	vst v24;
	v25 =	vnsel vm13, $0x0, v20  }
0x80: {  	[tilespmem:s29+$0x3D8] =	vst v25  }
0x81: {  	_ =	swait.ge [sflag:s20], $0x3200  }
0x82: {  	[sflag:s20] =	ssyncset.done $0x0  }
0x83: {  	s1 =	simm.s32 $0x320;
	[sflag:s20] =	ssyncadd.s32 $0xFFFFCE00  }
0x84: {  	[tilespmem:s13], [sflag:$0x1] =	stream.indirect.gather [hbm4b:s3+s12], $0x40, s1, s12, $0xb8;
	[tilespmem:$0x12C00] =	vst v63  }
0x85: {  	_ =	swait.ge [sflag:s21], $0x3200  }
0x86: {  	[sflag:s21] =	ssyncset.done $0x0  }
0x87: {  	s1 =	sadd.s32 $0x640, s10;
	[sflag:s21] =	ssyncadd.s32 $0xFFFFCE00  }
0x88: {  	[hbm4b:s1+s2] =	stream.linear.scatter [tilespmem:s14], [sflag:$0x6], $0x3200, $0x38;
	[tilespmem:$0x12C00] =	vst v63  }
0x89: {  	v27 =	vld [tilespmem:s29+$0x448]  }
0x8a: {  	v28 =	vld [tilespmem:s29+$0x418]  }
0x8b: {  	v29 =	vld [tilespmem:s29+$0x488]  }
0x8c: {  	v30 =	vld [tilespmem:s29+$0x3E8]  }
0x8d: {  	v31 =	vld [tilespmem:s29+$0x498]  }
0x8e: {  	v26 =	vld [tilespmem:s29+$0x428];
	vm14 =	vgt.s32 v27, $0x0  }
0x8f: {  	v33 =	vld [tilespmem:s29+$0x438];
	vm15 =	vgt.s32 v28, $0x0;
	v1 =	vnsel vm14, $0x0, v27  }
0x90: {  	v32 =	vld [tilespmem:s29+$0x3F8];
	vm4 =	vgt.s32 v29, $0x0;
	v2 =	vnsel vm15, $0x0, v28;
	[tilespmem:s29+$0x448] =	vst v1  }
0x91: {  	v34 =	vld [tilespmem:s29+$0x408];
	vm5 =	vgt.s32 v30, $0x0;
	v36 =	vnsel vm4, $0x0, v29;
	[tilespmem:s29+$0x418] =	vst v2  }
0x92: {  	v37 =	vld [tilespmem:s29+$0x468];
	vm6 =	vgt.s32 v31, $0x0;
	v4 =	vnsel vm5, $0x0, v30;
	[tilespmem:s29+$0x488] =	vst v36  }
0x93: {  	v38 =	vld [tilespmem:s29+$0x478];
	vm7 =	vgt.s32 v26, $0x0;
	v39 =	vnsel vm6, $0x0, v31;
	[tilespmem:s29+$0x3E8] =	vst v4  }
0x94: {  	v35 =	vld [tilespmem:s29+$0x458];
	vm8 =	vgt.s32 v33, $0x0;
	v0 =	vnsel vm7, $0x0, v26;
	[tilespmem:s29+$0x498] =	vst v39  }
0x95: {  	vm9 =	vgt.s32 v32, $0x0;
	v40 =	vnsel vm8, $0x0, v33;
	[tilespmem:s29+$0x428] =	vst v0;
	v4 =	vld [tilespmem:s29+$0x4A0]  }
0x96: {  	vm10 =	vgt.s32 v34, $0x0;
	v41 =	vnsel vm9, $0x0, v32;
	[tilespmem:s29+$0x438] =	vst v40  }
0x97: {  	vm11 =	vgt.s32 v37, $0x0;
	v42 =	vnsel vm10, $0x0, v34;
	[tilespmem:s29+$0x3F8] =	vst v41  }
0x98: {  	vm12 =	vgt.s32 v38, $0x0;
	v43 =	vnsel vm11, $0x0, v37;
	[tilespmem:s29+$0x408] =	vst v42  }
0x99: {  	vm13 =	vgt.s32 v35, $0x0;
	v44 =	vnsel vm12, $0x0, v38;
	[tilespmem:s29+$0x468] =	vst v43  }
0x9a: {  	v1 =	vnsel vm13, $0x0, v35;
	[tilespmem:s29+$0x478] =	vst v44;
	vm14 =	vgt.s32 v4, $0x0  }
0x9b: {  	[tilespmem:s29+$0x458] =	vst v1;
	v45 =	vnsel vm14, $0x0, v4  }
0x9c: {  	[tilespmem:s29+$0x4A0] =	vst v45  }
0x9d: {  	_ =	swait.ge [sflag:s22], $0x3200  }
0x9e: {  	[sflag:s22] =	ssyncset.done $0x0  }
0x9f: {  	s1 =	simm.s32 $0x3E8;
	[sflag:s22] =	ssyncadd.s32 $0xFFFFCE00  }
0xa0: {  	[tilespmem:s14], [sflag:$0x2] =	stream.indirect.gather [hbm4b:s3+s12], $0x40, s1, s12, $0xb8;
	[tilespmem:$0x12C00] =	vst v63  }
0xa1: {  	_ =	swait.ge [sflag:s23], $0x3200  }
0xa2: {  	[sflag:s23] =	ssyncset.done $0x0  }
0xa3: {  	s1 =	sadd.s32 $0xC80, s10;
	[sflag:s23] =	ssyncadd.s32 $0xFFFFCE00  }
0xa4: {  	[hbm4b:s1+s2] =	stream.linear.scatter [tilespmem:s16], [sflag:$0x7], $0x3200, $0x38;
	[tilespmem:$0x12C00] =	vst v63  }
0xa5: {  	v47 =	vld [tilespmem:s29+$0x4C0]  }
0xa6: {  	v46 =	vld [tilespmem:s29+$0x530]  }
0xa7: {  	v49 =	vld [tilespmem:s29+$0x4B0]  }
0xa8: {  	v48 =	vld [tilespmem:s29+$0x550]  }
0xa9: {  	v50 =	vld [tilespmem:s29+$0x560]  }
0xaa: {  	v52 =	vld [tilespmem:s29+$0x4E0];
	vm15 =	vgt.s32 v47, $0x0  }
0xab: {  	v53 =	vld [tilespmem:s29+$0x4F0];
	vm4 =	vgt.s32 v46, $0x0;
	v1 =	vnsel vm15, $0x0, v47  }
0xac: {  	v55 =	vld [tilespmem:s29+$0x510];
	vm5 =	vgt.s32 v49, $0x0;
	v0 =	vnsel vm4, $0x0, v46;
	[tilespmem:s29+$0x4C0] =	vst v1  }
0xad: {  	v57 =	vld [tilespmem:s29+$0x540];
	vm6 =	vgt.s32 v48, $0x0;
	v3 =	vnsel vm5, $0x0, v49;
	[tilespmem:s29+$0x530] =	vst v0  }
0xae: {  	v51 =	vld [tilespmem:s29+$0x4D0];
	vm7 =	vgt.s32 v50, $0x0;
	v2 =	vnsel vm6, $0x0, v48;
	[tilespmem:s29+$0x4B0] =	vst v3  }
0xaf: {  	v54 =	vld [tilespmem:s29+$0x500];
	vm8 =	vgt.s32 v52, $0x0;
	v4 =	vnsel vm7, $0x0, v50;
	[tilespmem:s29+$0x550] =	vst v2  }
0xb0: {  	v56 =	vld [tilespmem:s29+$0x520];
	vm9 =	vgt.s32 v53, $0x0;
	v58 =	vnsel vm8, $0x0, v52;
	[tilespmem:s29+$0x560] =	vst v4  }
0xb1: {  	vm11 =	vgt.s32 v55, $0x0;
	v59 =	vnsel vm9, $0x0, v53;
	[tilespmem:s29+$0x4E0] =	vst v58;
	v4 =	vld [tilespmem:s29+$0x568]  }
0xb2: {  	vm13 =	vgt.s32 v57, $0x0;
	v60 =	vnsel vm11, $0x0, v55;
	[tilespmem:s29+$0x4F0] =	vst v59  }
0xb3: {  	vm14 =	vgt.s32 v51, $0x0;
	v61 =	vnsel vm13, $0x0, v57;
	[tilespmem:s29+$0x510] =	vst v60  }
0xb4: {  	vm10 =	vgt.s32 v54, $0x0;
	v62 =	vnsel vm14, $0x0, v51;
	[tilespmem:s29+$0x540] =	vst v61  }
0xb5: {  	vm12 =	vgt.s32 v56, $0x0;
	v1 =	vnsel vm10, $0x0, v54;
	[tilespmem:s29+$0x4D0] =	vst v62  }
0xb6: {  	v0 =	vnsel vm12, $0x0, v56;
	[tilespmem:s29+$0x500] =	vst v1;
	vm15 =	vgt.s32 v4, $0x0  }
0xb7: {  	[tilespmem:s29+$0x520] =	vst v0;
	v63 =	vnsel vm15, $0x0, v4  }
0xb8: {  	[tilespmem:s29+$0x568] =	vst v63  }
0xb9: {  	_ =	swait.ge [sflag:s24], $0x3200  }
0xba: {  	[sflag:s24] =	ssyncset.done $0x0  }
0xbb: {  	s1 =	simm.s32 $0x4B0;
	[sflag:s24] =	ssyncadd.s32 $0xFFFFCE00  }
0xbc: {  	[tilespmem:s16], [sflag:$0x3] =	stream.indirect.gather [hbm4b:s3+s12], $0x40, s1, s12, $0xb8;
	[tilespmem:$0x12C00] =	vst v63  }
0xbd: {  	_ =	swait.ge [sflag:s25], $0x3200  }
0xbe: {  	s30 =	simm.s32 $0xC80;
	[sflag:s25] =	ssyncset.done $0x0  }
0xbf: {  	s31 =	smov.u32 s10;
	s1 =	sadd.s32 $0x12C0, s10;
	[sflag:s25] =	ssyncadd.s32 $0xFFFFCE00  }
0xc0: {  	[hbm4b:s1+s2] =	stream.linear.scatter [tilespmem:s18], [sflag:$0x8], $0x3200, $0x38;
	[tilespmem:$0x12C00] =	vst v63  }
.LBB2_2:
0xc1: {  	p0 =	sne.s32 s30, $0x17700  }
0xc2: {  	v0 =	vld [tilespmem:s29+$0x618];
	s31 =	sadd.s32 $0x1900, s31;
	s1 =	smov.u32 s30;
	s30 =	sadd.s32 $0xC80, s30  }
0xc3: {  	v1 =	vld [tilespmem:s29+$0x608]  }
0xc4: {  	v2 =	vld [tilespmem:s29+$0x5F8]  }
0xc5: {  	v3 =	vld [tilespmem:s29+$0x5E8]  }
0xc6: {  	v4 =	vld [tilespmem:s29+$0x628]  }
0xc7: {  	v5 =	vld [tilespmem:s29+$0x5D8];
	vm0 =	vgt.s32 v0, $0x0  }
0xc8: {  	v6 =	vld [tilespmem:s29+$0x5C8];
	vm1 =	vgt.s32 v1, $0x0;
	v0 =	vnsel vm0, $0x0, v0  }
0xc9: {  	v7 =	vld [tilespmem:s29+$0x5B8];
	vm0 =	vgt.s32 v2, $0x0;
	v1 =	vnsel vm1, $0x0, v1;
	[tilespmem:s29+$0x618] =	vst v0  }
0xca: {  	v0 =	vld [tilespmem:s29+$0x5A8];
	vm1 =	vgt.s32 v3, $0x0;
	v2 =	vnsel vm0, $0x0, v2;
	[tilespmem:s29+$0x608] =	vst v1  }
0xcb: {  	v1 =	vld [tilespmem:s29+$0x598];
	v3 =	vnsel vm1, $0x0, v3;
	[tilespmem:s29+$0x5F8] =	vst v2;
	vm0 =	vgt.s32 v4, $0x0  }
0xcc: {  	v2 =	vld [tilespmem:s29+$0x588];
	vm1 =	vgt.s32 v5, $0x0;
	[tilespmem:s29+$0x5E8] =	vst v3;
	v3 =	vnsel vm0, $0x0, v4  }
0xcd: {  	v4 =	vld [tilespmem:s29+$0x578];
	vm0 =	vgt.s32 v6, $0x0;
	v5 =	vnsel vm1, $0x0, v5;
	[tilespmem:s29+$0x628] =	vst v3  }
0xce: {  	vm1 =	vgt.s32 v7, $0x0;
	v3 =	vnsel vm0, $0x0, v6;
	[tilespmem:s29+$0x5D8] =	vst v5;
	v5 =	vld [tilespmem:s29+$0x630]  }
0xcf: {  	vm0 =	vgt.s32 v0, $0x0;
	v6 =	vnsel vm1, $0x0, v7;
	[tilespmem:s29+$0x5C8] =	vst v3  }
0xd0: {  	vm1 =	vgt.s32 v1, $0x0;
	v0 =	vnsel vm0, $0x0, v0;
	[tilespmem:s29+$0x5B8] =	vst v6  }
0xd1: {  	vm0 =	vgt.s32 v2, $0x0;
	v1 =	vnsel vm1, $0x0, v1;
	[tilespmem:s29+$0x5A8] =	vst v0  }
0xd2: {  	vm1 =	vgt.s32 v4, $0x0;
	v0 =	vnsel vm0, $0x0, v2;
	[tilespmem:s29+$0x598] =	vst v1  }
0xd3: {  	v1 =	vnsel vm1, $0x0, v4;
	[tilespmem:s29+$0x588] =	vst v0;
	vm0 =	vgt.s32 v5, $0x0  }
0xd4: {  	[tilespmem:s29+$0x578] =	vst v1;
	v0 =	vnsel vm0, $0x0, v5  }
0xd5: {  	[tilespmem:s29+$0x630] =	vst v0  }
0xd6: {  	_ =	swait.ge [sflag:s26], $0x3200  }
0xd7: {  	[sflag:s26] =	ssyncset.done $0x0  }
0xd8: {  	s29 =	sadd.s32 $0x578, s29;
	[sflag:s26] =	ssyncadd.s32 $0xFFFFCE00  }
0xd9: {  	[tilespmem:s18], [sflag:$0x4] =	stream.indirect.gather [hbm4b:s3+s12], $0x40, s29, s12, $0xb8;
	[tilespmem:$0x12C00] =	vst v63  }
0xda: {  	_ =	swait.ge [sflag:s19], $0x3200  }
0xdb: {  	[sflag:s19] =	ssyncset.done $0x0  }
0xdc: {  	s29 =	sshra.s32 s1, $0x2;
	[sflag:s19] =	ssyncadd.s32 $0xFFFFCE00  }
0xdd: {  	[hbm4b:s31+s2] =	stream.linear.scatter [tilespmem:s13], [sflag:$0x5], $0x3200, $0x38;
	[tilespmem:$0x12C00] =	vst v63  }
0xde: {  	v0 =	vld [tilespmem:s29+$0x360]  }
0xdf: {  	v1 =	vld [tilespmem:s29+$0x350]  }
0xe0: {  	v2 =	vld [tilespmem:s29+$0x340]  }
0xe1: {  	v3 =	vld [tilespmem:s29+$0x3D0]  }
0xe2: {  	v4 =	vld [tilespmem:s29+$0x370]  }
0xe3: {  	v5 =	vld [tilespmem:s29+$0x380]  }
0xe4: {  	v6 =	vld [tilespmem:s29+$0x390]  }
0xe5: {  	vm1 =	vgt.s32 v1, $0x0;
	vm0 =	vgt.s32 v2, $0x0;
	v7 =	vld [tilespmem:s29+$0x3A0]  }
0xe6: {  	v1 =	vnsel vm1, $0x0, v1;
	vm1 =	vgt.s32 v0, $0x0;
	v8 =	vld [tilespmem:s29+$0x320];
	vm2 =	vgt.s32 v3, $0x0  }
0xe7: {  	v2 =	vnsel vm0, $0x0, v2;
	v0 =	vnsel vm1, $0x0, v0;
	v9 =	vld [tilespmem:s29+$0x330];
	vm0 =	vgt.s32 v4, $0x0  }
0xe8: {  	v3 =	vnsel vm2, $0x0, v3;
	[tilespmem:s29+$0x360] =	vst v0;
	v0 =	vnsel vm0, $0x0, v4;
	vm0 =	vgt.s32 v5, $0x0;
	v4 =	vld [tilespmem:s29+$0x3B0]  }
0xe9: {  	[tilespmem:s29+$0x370] =	vst v0;
	v0 =	vnsel vm0, $0x0, v5;
	vm0 =	vgt.s32 v6, $0x0;
	v5 =	vld [tilespmem:s29+$0x3C0]  }
0xea: {  	[tilespmem:s29+$0x380] =	vst v0;
	v0 =	vnsel vm0, $0x0, v6;
	vm0 =	vgt.s32 v7, $0x0  }
0xeb: {  	vm1 =	vgt.s32 v8, $0x0;
	[tilespmem:s29+$0x390] =	vst v0;
	v0 =	vnsel vm0, $0x0, v7  }
0xec: {  	v6 =	vnsel vm1, $0x0, v8;
	vm0 =	vgt.s32 v9, $0x0;
	[tilespmem:s29+$0x3D0] =	vst v3  }
0xed: {  	v3 =	vnsel vm0, $0x0, v9;
	[tilespmem:s29+$0x3A0] =	vst v0;
	vm0 =	vgt.s32 v4, $0x0;
	v0 =	vld [tilespmem:s29+$0x3D8]  }
0xee: {  	[tilespmem:s29+$0x350] =	vst v1;
	v1 =	vnsel vm0, $0x0, v4;
	vm0 =	vgt.s32 v5, $0x0  }
0xef: {  	[tilespmem:s29+$0x340] =	vst v2;
	v2 =	vnsel vm0, $0x0, v5  }
0xf0: {  	[tilespmem:s29+$0x330] =	vst v3  }
0xf1: {  	[tilespmem:s29+$0x3C0] =	vst v2  }
0xf2: {  	[tilespmem:s29+$0x3B0] =	vst v1;
	vm0 =	vgt.s32 v0, $0x0  }
0xf3: {  	[tilespmem:s29+$0x320] =	vst v6;
	v0 =	vnsel vm0, $0x0, v0  }
0xf4: {  	[tilespmem:s29+$0x3D8] =	vst v0  }
0xf5: {  	_ =	swait.ge [sflag:s20], $0x3200  }
0xf6: {  	[sflag:s20] =	ssyncset.done $0x0  }
0xf7: {  	s1 =	sadd.s32 $0x320, s29;
	[sflag:s20] =	ssyncadd.s32 $0xFFFFCE00  }
0xf8: {  	[tilespmem:s13], [sflag:$0x1] =	stream.indirect.gather [hbm4b:s3+s12], $0x40, s1, s12, $0xb8;
	[tilespmem:$0x12C00] =	vst v63  }
0xf9: {  	_ =	swait.ge [sflag:s21], $0x3200  }
0xfa: {  	[sflag:s21] =	ssyncset.done $0x0  }
0xfb: {  	s1 =	sadd.s32 $0x640, s31;
	[sflag:s21] =	ssyncadd.s32 $0xFFFFCE00  }
0xfc: {  	[hbm4b:s1+s2] =	stream.linear.scatter [tilespmem:s14], [sflag:$0x6], $0x3200, $0x38;
	[tilespmem:$0x12C00] =	vst v63  }
0xfd: {  	v0 =	vld [tilespmem:s29+$0x428]  }
0xfe: {  	v1 =	vld [tilespmem:s29+$0x448]  }
0xff: {  	v2 =	vld [tilespmem:s29+$0x418]  }
0x100: {  	v3 =	vld [tilespmem:s29+$0x488]  }
0x101: {  	v4 =	vld [tilespmem:s29+$0x3E8]  }
0x102: {  	v5 =	vld [tilespmem:s29+$0x498]  }
0x103: {  	v6 =	vld [tilespmem:s29+$0x3F8];
	vm0 =	vgt.s32 v1, $0x0  }
0x104: {  	vm2 =	vgt.s32 v0, $0x0;
	vm1 =	vgt.s32 v2, $0x0;
	v7 =	vld [tilespmem:s29+$0x438];
	v1 =	vnsel vm0, $0x0, v1  }
0x105: {  	v0 =	vnsel vm2, $0x0, v0;
	v8 =	vld [tilespmem:s29+$0x408];
	v2 =	vnsel vm1, $0x0, v2;
	[tilespmem:s29+$0x448] =	vst v1;
	vm0 =	vgt.s32 v3, $0x0  }
0x106: {  	vm1 =	vgt.s32 v4, $0x0;
	[tilespmem:s29+$0x418] =	vst v2;
	v1 =	vld [tilespmem:s29+$0x458];
	v2 =	vnsel vm0, $0x0, v3  }
0x107: {  	v3 =	vnsel vm1, $0x0, v4;
	v4 =	vld [tilespmem:s29+$0x468];
	[tilespmem:s29+$0x488] =	vst v2;
	vm0 =	vgt.s32 v5, $0x0  }
0x108: {  	[tilespmem:s29+$0x3E8] =	vst v3;
	vm1 =	vgt.s32 v6, $0x0;
	v2 =	vld [tilespmem:s29+$0x478];
	v3 =	vnsel vm0, $0x0, v5  }
0x109: {  	v5 =	vnsel vm1, $0x0, v6;
	vm0 =	vgt.s32 v7, $0x0;
	[tilespmem:s29+$0x498] =	vst v3  }
0x10a: {  	vm1 =	vgt.s32 v8, $0x0;
	[tilespmem:s29+$0x428] =	vst v0;
	v0 =	vnsel vm0, $0x0, v7;
	v3 =	vld [tilespmem:s29+$0x4A0]  }
0x10b: {  	v6 =	vnsel vm1, $0x0, v8;
	[tilespmem:s29+$0x438] =	vst v0;
	vm0 =	vgt.s32 v1, $0x0  }
0x10c: {  	[tilespmem:s29+$0x3F8] =	vst v5;
	v0 =	vnsel vm0, $0x0, v1;
	vm0 =	vgt.s32 v4, $0x0  }
0x10d: {  	[tilespmem:s29+$0x408] =	vst v6;
	v1 =	vnsel vm0, $0x0, v4;
	vm0 =	vgt.s32 v2, $0x0  }
0x10e: {  	[tilespmem:s29+$0x468] =	vst v1;
	v1 =	vnsel vm0, $0x0, v2  }
0x10f: {  	[tilespmem:s29+$0x478] =	vst v1;
	vm0 =	vgt.s32 v3, $0x0  }
0x110: {  	[tilespmem:s29+$0x458] =	vst v0;
	v0 =	vnsel vm0, $0x0, v3  }
0x111: {  	[tilespmem:s29+$0x4A0] =	vst v0  }
0x112: {  	_ =	swait.ge [sflag:s22], $0x3200  }
0x113: {  	[sflag:s22] =	ssyncset.done $0x0  }
0x114: {  	s1 =	sadd.s32 $0x3E8, s29;
	[sflag:s22] =	ssyncadd.s32 $0xFFFFCE00  }
0x115: {  	[tilespmem:s14], [sflag:$0x2] =	stream.indirect.gather [hbm4b:s3+s12], $0x40, s1, s12, $0xb8;
	[tilespmem:$0x12C00] =	vst v63  }
0x116: {  	_ =	swait.ge [sflag:s23], $0x3200  }
0x117: {  	[sflag:s23] =	ssyncset.done $0x0  }
0x118: {  	s1 =	sadd.s32 $0xC80, s31;
	[sflag:s23] =	ssyncadd.s32 $0xFFFFCE00  }
0x119: {  	[hbm4b:s1+s2] =	stream.linear.scatter [tilespmem:s16], [sflag:$0x7], $0x3200, $0x38;
	[tilespmem:$0x12C00] =	vst v63  }
0x11a: {  	v0 =	vld [tilespmem:s29+$0x530]  }
0x11b: {  	v1 =	vld [tilespmem:s29+$0x4C0]  }
0x11c: {  	v2 =	vld [tilespmem:s29+$0x550]  }
0x11d: {  	v3 =	vld [tilespmem:s29+$0x4B0]  }
0x11e: {  	v4 =	vld [tilespmem:s29+$0x560]  }
0x11f: {  	v5 =	vld [tilespmem:s29+$0x4D0]  }
0x120: {  	vm0 =	vgt.s32 v1, $0x0;
	v6 =	vld [tilespmem:s29+$0x4E0]  }
0x121: {  	v1 =	vnsel vm0, $0x0, v1;
	v7 =	vld [tilespmem:s29+$0x4F0];
	vm0 =	vgt.s32 v0, $0x0;
	vm1 =	vgt.s32 v2, $0x0  }
0x122: {  	vm2 =	vgt.s32 v3, $0x0;
	[tilespmem:s29+$0x4C0] =	vst v1;
	v1 =	vld [tilespmem:s29+$0x500];
	v0 =	vnsel vm0, $0x0, v0;
	v2 =	vnsel vm1, $0x0, v2  }
0x123: {  	v3 =	vnsel vm2, $0x0, v3;
	v8 =	vld [tilespmem:s29+$0x510];
	[tilespmem:s29+$0x530] =	vst v0;
	vm0 =	vgt.s32 v4, $0x0  }
0x124: {  	[tilespmem:s29+$0x4B0] =	vst v3;
	vm1 =	vgt.s32 v5, $0x0;
	v0 =	vld [tilespmem:s29+$0x520];
	v3 =	vnsel vm0, $0x0, v4  }
0x125: {  	v4 =	vnsel vm1, $0x0, v5;
	vm0 =	vgt.s32 v6, $0x0;
	v5 =	vld [tilespmem:s29+$0x540];
	[tilespmem:s29+$0x550] =	vst v2  }
0x126: {  	v2 =	vnsel vm0, $0x0, v6;
	vm0 =	vgt.s32 v7, $0x0;
	[tilespmem:s29+$0x560] =	vst v3  }
0x127: {  	[tilespmem:s29+$0x4E0] =	vst v2;
	v2 =	vnsel vm0, $0x0, v7;
	vm0 =	vgt.s32 v1, $0x0;
	v3 =	vld [tilespmem:s29+$0x568]  }
0x128: {  	[tilespmem:s29+$0x4F0] =	vst v2;
	v1 =	vnsel vm0, $0x0, v1;
	vm0 =	vgt.s32 v8, $0x0  }
0x129: {  	[tilespmem:s29+$0x500] =	vst v1;
	v1 =	vnsel vm0, $0x0, v8;
	vm0 =	vgt.s32 v0, $0x0  }
0x12a: {  	[tilespmem:s29+$0x510] =	vst v1;
	v0 =	vnsel vm0, $0x0, v0;
	vm0 =	vgt.s32 v5, $0x0  }
0x12b: {  	[tilespmem:s29+$0x520] =	vst v0;
	v0 =	vnsel vm0, $0x0, v5  }
0x12c: {  	[tilespmem:s29+$0x540] =	vst v0;
	vm0 =	vgt.s32 v3, $0x0  }
0x12d: {  	[tilespmem:s29+$0x4D0] =	vst v4;
	v0 =	vnsel vm0, $0x0, v3  }
0x12e: {  	[tilespmem:s29+$0x568] =	vst v0  }
0x12f: {  	_ =	swait.ge [sflag:s24], $0x3200  }
0x130: {  	[sflag:s24] =	ssyncset.done $0x0  }
0x131: {  	s1 =	sadd.s32 $0x4B0, s29;
	[sflag:s24] =	ssyncadd.s32 $0xFFFFCE00  }
0x132: {  	[tilespmem:s16], [sflag:$0x3] =	stream.indirect.gather [hbm4b:s3+s12], $0x40, s1, s12, $0xb8;
	[tilespmem:$0x12C00] =	vst v63  }
.Ltmp0:
0x133: {  	_ = 	snop;
	(pc) =	sbr.rel @p0 .LBB2_2-.Ltmp0, $4  }
0x134: {  	_ =	swait.ge [sflag:s25], $0x3200  }
0x135: {  	[sflag:s25] =	ssyncset.done $0x0  }
0x136: {  	s1 =	sadd.s32 $0x12C0, s31;
	[sflag:s25] =	ssyncadd.s32 $0xFFFFCE00  }
0x137: {  	[hbm4b:s1+s2] =	stream.linear.scatter [tilespmem:s18], [sflag:$0x8], $0x3200, $0x38;
	[tilespmem:$0x12C00] =	vst v63  }
0x138: {  	v0 =	vld [tilespmem:s29+$0x618]  }
0x139: {  	v1 =	vld [tilespmem:s29+$0x608]  }
0x13a: {  	v2 =	vld [tilespmem:s29+$0x5F8]  }
0x13b: {  	v3 =	vld [tilespmem:s29+$0x5E8]  }
0x13c: {  	v4 =	vld [tilespmem:s29+$0x628]  }
0x13d: {  	v5 =	vld [tilespmem:s29+$0x5D8];
	vm0 =	vgt.s32 v0, $0x0  }
0x13e: {  	v6 =	vld [tilespmem:s29+$0x5C8];
	vm5 =	vgt.s32 v1, $0x0;
	v0 =	vnsel vm0, $0x0, v0  }
0x13f: {  	v7 =	vld [tilespmem:s29+$0x5B8];
	vm6 =	vgt.s32 v2, $0x0;
	v48 =	vnsel vm5, $0x0, v1;
	[tilespmem:s29+$0x618] =	vst v0  }
0x140: {  	v49 =	vld [tilespmem:s29+$0x5A8];
	vm7 =	vgt.s32 v3, $0x0;
	v50 =	vnsel vm6, $0x0, v2;
	[tilespmem:s29+$0x608] =	vst v48  }
0x141: {  	v51 =	vld [tilespmem:s29+$0x598];
	vm8 =	vgt.s32 v4, $0x0;
	v52 =	vnsel vm7, $0x0, v3;
	[tilespmem:s29+$0x5F8] =	vst v50  }
0x142: {  	v53 =	vld [tilespmem:s29+$0x588];
	vm1 =	vgt.s32 v5, $0x0;
	v54 =	vnsel vm8, $0x0, v4;
	[tilespmem:s29+$0x5E8] =	vst v52  }
0x143: {  	v55 =	vld [tilespmem:s29+$0x578];
	vm9 =	vgt.s32 v6, $0x0;
	v5 =	vnsel vm1, $0x0, v5;
	[tilespmem:s29+$0x628] =	vst v54  }
0x144: {  	vm10 =	vgt.s32 v7, $0x0;
	v56 =	vnsel vm9, $0x0, v6;
	[tilespmem:s29+$0x5D8] =	vst v5;
	v57 =	vld [tilespmem:s29+$0x630]  }
0x145: {  	vm11 =	vgt.s32 v49, $0x0;
	v58 =	vnsel vm10, $0x0, v7;
	[tilespmem:s29+$0x5C8] =	vst v56  }
0x146: {  	vm12 =	vgt.s32 v51, $0x0;
	v59 =	vnsel vm11, $0x0, v49;
	[tilespmem:s29+$0x5B8] =	vst v58  }
0x147: {  	vm13 =	vgt.s32 v53, $0x0;
	v60 =	vnsel vm12, $0x0, v51;
	[tilespmem:s29+$0x5A8] =	vst v59  }
0x148: {  	vm14 =	vgt.s32 v55, $0x0;
	v61 =	vnsel vm13, $0x0, v53;
	[tilespmem:s29+$0x598] =	vst v60  }
0x149: {  	v62 =	vnsel vm14, $0x0, v55;
	[tilespmem:s29+$0x588] =	vst v61;
	vm15 =	vgt.s32 v57, $0x0  }
0x14a: {  	[tilespmem:s29+$0x578] =	vst v62;
	v63 =	vnsel vm15, $0x0, v57  }
0x14b: {  	[tilespmem:s29+$0x630] =	vst v63  }
0x14c: {  	_ =	swait.ge [sflag:s26], $0x3200  }
0x14d: {  	[sflag:s26] =	ssyncset.done $0x0  }
0x14e: {  	s1 =	sadd.s32 $0x578, s29;
	[sflag:s26] =	ssyncadd.s32 $0xFFFFCE00  }
0x14f: {  	[tilespmem:s18], [sflag:$0x4] =	stream.indirect.gather [hbm4b:s3+s12], $0x40, s1, s12, $0xb8;
	[tilespmem:$0x12C00] =	vst v63  }
0x150: {  	_ =	swait.ge [sflag:s19], $0x3200  }
0x151: {  	[sflag:s19] =	ssyncset.done $0x0  }
0x152: {  	[sflag:s19] =	ssyncadd.s32 $0xFFFFCE00  }
0x153: {  	[hbm4b:s5+s2] =	stream.linear.scatter [tilespmem:s13], [sflag:$0x5], $0x3200, $0x38;
	[tilespmem:$0x12C00] =	vst v63  }
0x154: {  	_ =	swait.ge [sflag:s21], $0x3200  }
0x155: {  	[sflag:s21] =	ssyncset.done $0x0  }
0x156: {  	[sflag:s21] =	ssyncadd.s32 $0xFFFFCE00  }
0x157: {  	[hbm4b:s6+s2] =	stream.linear.scatter [tilespmem:s14], [sflag:$0x6], $0x3200, $0x38;
	[tilespmem:$0x12C00] =	vst v63  }
0x158: {  	_ =	swait.ge [sflag:s23], $0x3200  }
0x159: {  	[sflag:s23] =	ssyncset.done $0x0  }
0x15a: {  	[sflag:s23] =	ssyncadd.s32 $0xFFFFCE00  }
0x15b: {  	[hbm4b:s7+s2] =	stream.linear.scatter [tilespmem:s16], [sflag:$0x7], $0x3200, $0x38;
	[tilespmem:$0x12C00] =	vst v63  }
0x15c: {  	_ =	swait.ge [sflag:s25], $0x3200  }
0x15d: {  	[sflag:s25] =	ssyncset.done $0x0  }
0x15e: {  	[sflag:s25] =	ssyncadd.s32 $0xFFFFCE00  }
0x15f: {  	[hbm4b:s8+s2] =	stream.linear.scatter [tilespmem:s18], [sflag:$0x8], $0x3200, $0x38;
	[tilespmem:$0x12C00] =	vst v63  }
0x160: {  	_ =	swait.ge [sflag:s20], $0x3200  }
0x161: {  	[sflag:s20] =	ssyncset.done $0x0  }
0x162: {  	[sflag:s20] =	ssyncadd.s32 $0xFFFFCE00  }
0x163: {  	_ =	swait.ge [sflag:s22], $0x3200  }
0x164: {  	[sflag:s22] =	ssyncset.done $0x0  }
0x165: {  	s28 =	sadd.s32 $0x1, s28;
	[sflag:s22] =	ssyncadd.s32 $0xFFFFCE00  }
0x166: {  	p0 =	sne.s32 s28, s9;
	_ =	swait.ge [sflag:s24], $0x3200  }
.Ltmp1:
0x167: {  	[sflag:s24] =	ssyncset.done $0x0;
	(pc) =	sbr.rel @p0 .LBB2_1-.Ltmp1, $4  }
0x168: {  	[sflag:s24] =	ssyncadd.s32 $0xFFFFCE00  }
0x169: {  	_ =	swait.ge [sflag:s26], $0x3200  }
0x16a: {  	[sflag:s26] =	ssyncset.done $0x0  }
0x16b: {  	[sflag:s26] =	ssyncadd.s32 $0xFFFFCE00  }
0x16c: {  	_ =	sfence.sel $0x180000  }
0x16d: {  	[bflag:$0x0] =	sbarrier.arrive $0xFFFF  }
0x16e: {  	_ =	strace $0x90000047  }
0x16f: {  	[bflag:$0x2] =	sbarrier.arrive $0xFFFF  }
0x170: {  	p0 =	sne.s32 s0, $0x0;
	s0 =	rddreg [dreg:$0x2]  }
0x171: {  	s0 =	sadd.s32 @!p0 $0x100000, s0  }
0x172: {  	[sflag:s0] =	ssyncadd.tile.s32 @!p0 $0x1;
	_ =	shalt  }
.Lfunc_end2:
_tile_overlayer_lowered:
.L_overlay_start_2:
0x173: {  	(tag) =	ssettag $0x2  }
0x174: {  	s0 =	rddreg [dreg:$0x0];
	s2 =	stileid.u32  }
0x175: {  	s1 =	rddreg [dreg:$0x1];
	p0 =	sne.s32 s2, $0x0  }
0x176: {  	s3 =	rddreg [dreg:$0x2];
	[bflag:$0x3] =	sbarrier.arrive $0xFFFF;
	s2 =	simm.s32 @!p0 $0x1C09  }
0x177: {  	[timem:s3], [sflag:s2] =	dma.local @!p0 [hbm:s0], s1  }
0x178: {  	s0 =	simm.s32 @!p0 $0x9  }
0x179: {  	_ =	swait.ge @!p0 [sflag:s0], s1  }
0x17a: {  	s1 =	ssub.s32 @!p0 $0x0, s1;
	[sflag:s0] =	ssyncset.done @!p0 $0x0  }
0x17b: {  	[sflag:s0] =	ssyncadd.s32 @!p0 s1  }
0x17c: {  	[bflag:$0x3] =	sbarrier.arrive $0xFFFF  }
0x17d: {  	_ =	shalt  }

// kernel: sparse-core-data-format-call.cloned.1.call-start
scs
called_computation_lowered:
.L_overlay_start_0:
0x0: {  	s2 =	sld [smem:$0x3FD9]  }
0x1: {  	s3 =	sld [smem:$0x3FFE];
	_ =	sdelay $0x1  }
0x2: {  	s1 =	srdreg.scid  }
0x3: {  	s0 =	sand.u32 $0x1, s1  }
0x4: {  	s18 =	sshll.u32 s0, $0xA;
	s2 =	sadd.s32 s3, s2  }
0x5: {  	s2 =	sadd.s32 s2, s18  }
0x6: {  	[smem:$0x3FC6] =	sst s2  }
0x7: {  	_ = 	snop  }
0x8: {  	s2 =	sld [smem:$0x3FD0];
	(tm) =	ssettm $0x1  }
0x9: {  	s19 =	sld [smem:$0x3FFB];
	_ =	sdelay $0x3  }
0xa: {  	_ =	strace s19  }
0xb: {  	s3 =	sld [smem:$0x3FFC];
	_ =	sdelay $0x3  }
0xc: {  	_ =	strace s3  }
0xd: {  	s3 =	sld [smem:$0x3FFD];
	_ =	sdelay $0x3  }
0xe: {  	_ =	strace s3  }
0xf: {  	_ =	strace $0x8FFFFFFF  }
0x10: {  	s20 =	sld [smem:$0x3FDB];
	_ =	sdelay $0x1  }
0x11: {  	s4 =	simm.s32 $_scs_section_size  }
0x12: {  	s5 =	simm.s32 $_size__tile_overlayer_lowered;
	s6 =	simm.s32 $_tile_overlayer_lowered  }
0x13: {  	s23 =	simm.s32 $0x1BFF;
	s22 =	sshll.u32 s6, $0x1;
	s3 =	sadd.s32 s4, s20  }
0x14: {  	s7 =	simm.s32 $0x0;
	s21 =	sshll.u32 s5, $0x1;
	s5 =	sadd.s32 s22, s3  }
0x15: {  	[timem:s7], [sflag:s23] =	dma.local [hbm:s5], s21  }
0x16: {  	_ =	swait.ge [sflag:s23], s21  }
0x17: {  	s4 =	ssub.s32 $0x0, s21;
	[sflag:s23] =	ssyncset.done $0x0  }
0x18: {  	[sflag:s23] =	ssyncadd.s32 s4;
	_ =	sdelay $0x1  }
0x19: {  	s24 =	simm.s32 $0x1B8B  }
0x1a: {  	_ =	swait.ge [sflag:s24], $0x1  }
0x1b: {  	[sflag:s24] =	ssyncset.done $0x0  }
0x1c: {  	s26 =	simm.s32 $0x1B8E;
	s25 =	sld [smem:$0x3FFE];
	[sflag:s24] =	ssyncadd.s32 $0xFFFFFFFF  }
0x1d: {  	s27 =	simm.s32 $execute0_lowered;
	[smem:$0x3FD2] =	sst s26  }
0x1e: {  	s5 =	sshll.u32 s27, $0x1;
	_ =	strace $0x80000049;
	[dreg:$0x1] =	wrdreg $0xFFFFFFFF  }
0x1f: {  	s28 =	simm.s32 $_size_execute0_lowered;
	s3 =	sadd.s32 s3, s5;
	[dreg:$0x0] =	wrdreg $0x0  }
0x20: {  	s5 =	sshll.u32 s28, $0x1;
	[dreg:$0x2] =	wrdreg s3  }
0x21: {  	[dreg:$0x3] =	wrdreg s5  }
0x22: {  	[dreg:$0x4] =	wrdreg $0xC0  }
0x23: {  	_ =	task [dreg:s7], $0x5FFFF  }
0x24: {  	[dreg:$0x1] =	wrdreg $0xFFFFFFFF  }
0x25: {  	[dreg:$0x0] =	wrdreg $0x60  }
0x26: {  	[dreg:$0x2] =	wrdreg s25  }
0x27: {  	[dreg:$0x3] =	wrdreg s2  }
0x28: {  	[dreg:$0x4] =	wrdreg $0x9  }
0x29: {  	_ =	task.clear_ibuf [dreg:s7], $0x5FFFF;
	_ =	strace $0x90000049  }
0x2a: {  	s29 =	simm.s32 $0x9;
	_ =	strace $0x8000004B  }
0x2b: {  	_ =	swait.ge [sflag:s29], $0x1  }
0x2c: {  	[sflag:s29] =	ssyncadd.s32 $0xFFFFFFFF  }
0x2d: {  	_ =	strace $0x9000004B  }
0x2e: {  	_ =	sfence  }
0x2f: {  	s30 =	sld [smem:$0x0];
	_ =	sdelay $0x2  }
0x30: {  	s31 =	sshll.u32 s1, $0xD;
	s1 =	sshrl.u32 s1, $0x2  }
0x31: {  	s3 =	sand.u32 $0x4000, s31;
	s1 =	sadd.s32 s1, s30  }
0x32: {  	s0 =	sor.u32 s3, s0;
	s1 =	sshll.u32 s1, $0x11  }
0x33: {  	s0 =	sor.u32 s1, s0  }
0x34: {  	s0 =	sadd.s32 $0x8F2B, s0  }
0x35: {  	[sflag:s0] =	ssyncadd.remote.s32 $0x1  }
0x36: {  	_ =	sfence.sel $0xFFFF  }
0x37: {  	[dreg:$0x0] =	wrdreg $0xFFFFFFFF;
	(pc) =	sbr.abs _section_cstart, $3  }
0x38: {  	[dreg:$0x1] =	wrdreg $0xFFFFFFFF  }
0x39: {  	_ =	task.clear_ibuf [dreg:s7], $0x2FFFF;
	_ =	strace $0x9FFFFFFF  }
0x3a: {  	(tm) =	ssettm $0x7FFFFFFF  }
0x3b: {  	_ =	shalt  }
tec
execute0_lowered:
.L_overlay_start_1:
0x0: {  	(tag) =	ssettag $0x1  }
0x1: {  	s0 =	srdreg.scid  }
0x2: {  	s1 =	sshll.u32 s0, $0x4  }
0x3: {  	s0 =	stileid.u32;
	s1 =	sand.u32 $0x10, s1  }
0x4: {  	s1 =	sor.u32 s0, s1  }
0x5: {  	s6 =	rddreg [dreg:$0x0];
	s4 =	simm.s32 $0x1;
	s2 =	sshll.u32 s1, $0x7  }
0x6: {  	s7 =	simm.s32 $0x2;
	s12 =	simm.s32 $0x0;
	s1 =	ssub.s32 $0x1000, s2  }
0x7: {  	s8 =	simm.s32 $0x8000;
	s13 =	simm.s32 $0x0;
	s3 =	sand.u32 $0xF80, s1  }
0x8: {  	s9 =	simm.s32 $0x0;
	s5 =	sshrl.u32 s1, $0xC;
	p0 =	sne.s32 s3, $0x0  }
.Ltmp0:
0x9: {  	s1 =	rddreg [dreg:$0x2];
	s4 =	simm.s32 @!p0 $0x0;
	(pc) =	sbr.rel .LBB1_1-.Ltmp0, $4  }
0xa: {  	s11 =	simm.s32 $0x0;
	s3 =	rddreg [dreg:$0x1];
	s5 =	sadd.s32 s4, s5  }
0xb: {  	_ =	strace $0x8000004A;
	s4 =	simm.s32 $0x1;
	s5 =	smul.u32 $0xC8, s5  }
0xc: {  	s6 =	sadd.s32 $0xA00, s6;
	s10 =	smov.u32 s2;
	[sflag:s4] =	ssyncpa.u1 $0x0  }
0xd: {  	p0 =	por $0x0, $0x0;
	[sflag:s7] =	ssyncpa.u1 $0x0;
	s7 =	sor.u32 $0x1, s5  }
.LBB1_4:
0xe: {  	s16 =	sshll.u32 s13, $0x3;
	s17 =	sand.u32 $0x78, s13  }
0xf: {  	s30 =	sand.u32 $0x7E00, s13;
	s12 =	sshll.u32 s12, $0xF;
	s16 =	sand.u32 $0xC00, s16  }
0x10: {  	[tilespmem:s15+$0x810 ss:$0x81] =	vst.msk $0xffff, v2;
	s31 =	sand.u32 $0x7, s13;
	s16 =	sor.u32 s17, s16;
	s17 =	sadd.s32 s3, s30  }
0x11: {  	[tilespmem:s15+$0x1020 ss:$0x81] =	vst.msk $0xffff, v0;
	s13 =	sshll.u32 s31, $0x12;
	s12 =	sadd.s32 s12, s17;
	s16 =	sshrl.u32 s16, $0x3  }
0x12: {  	[tilespmem:s15+$0x0 ss:$0x81] =	vst.msk $0xffff, v1;
	s13 =	sor.u32 $0x400, s13;
	s12 =	sadd.s32 s16, s12  }
0x13: {  	[hbm4b:s12+s13] =	stream.strided.scatter [tilespmem:s14], [sflag:$0x2], $0x2000, s8, s13, $0x20;
	[tilespmem:$0x8080] =	vst v63  }
.LBB1_5:
0x14: {  	s14 =	sadd.s32 $0x1, s9  }
0x15: {  	s12 =	sadd.s32 $0x1000, s10;
	s16 =	smov.u32 s10;
	p2 =	sgt.s32 s14, $0xC7  }
0x16: {  	s16 =	smov.u32 @p2 s12  }
0x17: {  	s14 =	simm.s32 @p2 $0x0;
	p2 =	sgt.s32 s16, $0xFFF  }
0x18: {  	s16 =	smov.u32 @p2 s2;
	p2 =	sne.s32 s11, s7  }
.Ltmp1:
0x19: {  	p1 =	slt.u32 s11, $0x2;
	(pc) =	sbr.rel @!p2 .LBB1_6-.Ltmp1, $4  }
0x1a: {  	s15 =	simm.s32 @!p1 $0x2  }
0x1b: {  	s13 =	smov.u32 s10;
	p0 =	por !p0, !p0;
	_ =	swait.ge @!p1 [sflag:s15], $0x2000  }
0x1c: {  	s12 =	smov.u32 s9;
	[sflag:s15] =	ssyncset.done @!p1 $0x0;
	s9 =	smov.u32 s14  }
0x1d: {  	s11 =	sadd.s32 $0x1, s11;
	[sflag:s15] =	ssyncadd.s32 @!p1 $0xFFFFE000;
	s10 =	smov.u32 s16  }
.LBB1_1:
0x1e: {  	p1 =	sge.u32 s11, s5  }
0x1f: {  	s14 =	sand.u32 @!p1 $0x1FFFFFF, s9  }
0x20: {  	s15 =	smulhi.u32 @!p1 $0x147AE15, s14;
	_ =	sdelay $0x1  }
0x21: {  	s15 =	smul.u32 @!p1 $0xC8, s15  }
0x22: {  	s16 =	sxor.u32 @!p1 $0xFFFFFFFF, s11;
	s17 =	smul.u32 @!p1 $0xC80, s10  }
0x23: {  	s31 =	sadd.s32 $0xFFFFFFFF, s11;
	s16 =	sshll.u32 @!p1 s16, $0xD;
	s14 =	ssub.s32 @!p1 s14, s15  }
0x24: {  	s15 =	sand.u32 @!p1 $0x2000, s16;
	s16 =	sadd.s32 @!p1 s6, s17;
	s14 =	sshll.u32 @!p1 s14, $0x4  }
0x25: {  	s17 =	simm.s32 @!p1 $0x6400;
	s14 =	sadd.s32 @!p1 s14, s16;
	s16 =	simm.s32 @!p1 $0x40  }
0x26: {  	[tilespmem:s15], [sflag:$0x1] =	stream.strided.gather @!p1 [hbm4b:s14+s16], $0x2000, s17, s16, $0x38;
	[tilespmem:$0x8080] =	vst v63  }
0x27: {  	p1 =	sge.u32 s31, s5  }
.Ltmp2:
0x28: {  	_ = 	snop;
	(pc) =	sbr.rel @p1 .LBB1_5-.Ltmp2, $1  }
0x29: {  	_ =	sdelay $0x3  }
0x2a: {  	s14 =	simm.s32 $0x1  }
0x2b: {  	_ =	swait.ge [sflag:s4], $0x2000;
	s14 =	simm.s32 @!p0 $0x0  }
0x2c: {  	[sflag:s4] =	ssyncset.done $0x0;
	s15 =	sshll.u32 s14, $0xD  }
0x2d: {  	[sflag:s4] =	ssyncadd.s32 $0xFFFFE000;
	s18 =	sor.u32 $0x20, s15  }
0x2e: {  	s14 =	smul.u32 $0x8100, s14;
	v3 =	vld [tilespmem:s18+$0x10]  }
0x2f: {  	s30 =	sand.u32 $0x1, s11;
	v2 =	vld [tilespmem:s18+$0xFFFFFFF0]  }
0x30: {  	s15 =	smul.u32 $0x8100, s30;
	s14 =	sshrl.u32 s14, $0x2;
	v0 =	vld [tilespmem:s18+$0x0]  }
0x31: {  	v1 =	vld [tilespmem:s18+$0xFFFFFFE0];
	s16 =	sor.u32 $0x4000, s14  }
0x32: {  	s31 =	sshrl.u32 s15, $0x2;
	s15 =	sadd.s32 $0x0, s16  }
0x33: {  	s17 =	simm.s32 $0x4;
	s18 =	sadd.s32 $0x40, s18;
	s14 =	sor.u32 $0x4000, s31;
	[tilespmem:s15+$0x1830 ss:$0x81] =	vst.msk $0xffff, v3  }
.LBB1_3:
0x34: {  	v3 =	vld [tilespmem:s18+$0x10];
	p1 =	sne.s32 s17, $0x1FC;
	[tilespmem:s15+$0x810 ss:$0x81] =	vst.msk $0xffff, v2;
	s19 =	smov.u32 s17;
	s17 =	sadd.s32 $0x4, s17  }
.Ltmp3:
0x35: {  	v2 =	vld [tilespmem:s18+$0xFFFFFFF0];
	[tilespmem:s15+$0x1020 ss:$0x81] =	vst.msk $0xffff, v0;
	(pc) =	sbr.rel @p1 .LBB1_3-.Ltmp3, $4  }
0x36: {  	v0 =	vld [tilespmem:s18+$0x0];
	[tilespmem:s15+$0x0 ss:$0x81] =	vst.msk $0xffff, v1  }
0x37: {  	s15 =	sshra.s32 s19, $0x2;
	v1 =	vld [tilespmem:s18+$0xFFFFFFE0]  }
0x38: {  	s15 =	sadd.s32 s15, s16  }
0x39: {  	s18 =	sadd.s32 $0x40, s18;
	[tilespmem:s15+$0x1830 ss:$0x81] =	vst.msk $0xffff, v3  }
.Ltmp4:
0x3a: {  	_ = 	snop;
	(pc) =	sbr.rel .LBB1_4-.Ltmp4, $1  }
0x3b: {  	_ =	sdelay $0x3  }
.LBB1_6:
0x3c: {  	_ =	sfence.sel $0x180000  }
0x3d: {  	s2 =	simm.s32 $0x1;
	[bflag:$0x0] =	sbarrier.arrive $0xFFFF  }
0x3e: {  	s31 =	simm.s32 $0x2;
	[sflag:s2] =	ssyncpa.u1 $0x1  }
0x3f: {  	[sflag:s31] =	ssyncpa.u1 $0x1  }
0x40: {  	p0 =	sne.s32 s0, $0x0;
	_ =	strace $0x9000004A  }
0x41: {  	s0 =	sadd.s32 @!p0 $0x100000, s1;
	[bflag:$0x2] =	sbarrier.arrive $0xFFFF  }
0x42: {  	[sflag:s0] =	ssyncadd.tile.s32 @!p0 $0x1;
	_ =	shalt  }
.Lfunc_end1:
_tile_overlayer_lowered:
.L_overlay_start_2:
0x43: {  	(tag) =	ssettag $0x2  }
0x44: {  	s0 =	rddreg [dreg:$0x0];
	s2 =	stileid.u32  }
0x45: {  	s1 =	rddreg [dreg:$0x1];
	p0 =	sne.s32 s2, $0x0  }
0x46: {  	s3 =	rddreg [dreg:$0x2];
	[bflag:$0x3] =	sbarrier.arrive $0xFFFF;
	s2 =	simm.s32 @!p0 $0x1C01  }
0x47: {  	[timem:s3], [sflag:s2] =	dma.local @!p0 [hbm:s0], s1  }
0x48: {  	s0 =	simm.s32 @!p0 $0x1  }
0x49: {  	_ =	swait.ge @!p0 [sflag:s0], s1  }
0x4a: {  	s1 =	ssub.s32 @!p0 $0x0, s1;
	[sflag:s0] =	ssyncset.done @!p0 $0x0  }
0x4b: {  	[sflag:s0] =	ssyncadd.s32 @!p0 s1  }
0x4c: {  	[bflag:$0x3] =	sbarrier.arrive $0xFFFF  }
0x4d: {  	_ =	shalt  }

</sc_bundles>
